<compile_context>
chip_gen: v7x
topology: tpu7x:2x2x1
jax: 0.10.2.dev20260603
libtpu: 0.0.44.dev20260713+nightly
codegen_flags: <defaults>
</compile_context>

<pallas_src>
import functools

import numpy as np
import jax
import jax.numpy as jnp
from jax import lax
from jax.experimental import pallas as pl
from jax.experimental.pallas import tpu as pltpu
from jax.experimental.pallas import tpu_sc as plsc

_VOCAB = 1000000
_D = 64
_MAXLEN = 200
_B = 4096
_L = 200

_NC = 2
_NS = 16
_NW = _NC * _NS
_TB = 128
_TASKS = _L * (_B // _TB)
_TPW = _TASKS // _NW
_ROWS = _B * _L
_NBUF = 4
_LOOK = 2
_UNROLL = 4


def _pe_table(maxlen, d):
    pos = np.arange(maxlen, dtype=np.float32)[:, None]
    i = np.arange(d, dtype=np.float32)[None, :]
    angle_rates = 1.0 / np.power(10000.0, (2.0 * np.floor(i / 2.0)) / float(d))
    angles = pos * angle_rates
    pe = np.zeros((maxlen, d), dtype=np.float32)
    pe[:, 0::2] = np.sin(angles[:, 0::2])
    pe[:, 1::2] = np.cos(angles[:, 1::2])
    return pe


_PE_TABLE = _pe_table(_MAXLEN, _D)


def _sc_body(x2, table, pe, out, idx_v, idxw, rows, pe_v, gsems, osems):
    wid = lax.axis_index("s") * _NC + lax.axis_index("c")
    u0 = wid * _TPW
    pltpu.sync_copy(x2.at[pl.ds(u0, _TPW)], idx_v)
    pltpu.sync_copy(pe, pe_v)
    iota16 = lax.iota(jnp.int32, 16)

    def task_geom(c):
        u = u0 + c
        l = lax.shift_right_logical(u, 8) * 8 + lax.bitwise_and(u, 7)
        bt = lax.bitwise_and(lax.shift_right_logical(u, 3), 31)
        return l, bt * _TB * _MAXLEN + l

    def gather_issue(c, rb):
        pltpu.async_copy(table.at[idx_v.at[c]], rows[rb], gsems[rb])

    def gather_wait(c, rb):
        pltpu.make_async_copy(table.at[idx_v.at[c]], rows[rb], gsems[rb]).wait()

    def add_pe_build_idx(c, rb):
        l, wbase = task_geom(c)
        pv = [pe_v[l, pl.ds(16 * q, 16)] for q in range(_D // 16)]
        for k in range(_TB // 16):
            idxw[rb, pl.ds(16 * k, 16)] = (iota16 + 16 * k) * _MAXLEN + wbase

        def row_body(r4, carry):
            base = r4 * _UNROLL
            for u in range(_UNROLL):
                r = base + u
                for q in range(_D // 16):
                    plsc.addupdate(rows[rb].at[r, pl.ds(16 * q, 16)], pv[q])
            return carry

        lax.fori_loop(0, _TB // _UNROLL, row_body, 0)

    def scat_issue(c, rb):
        pltpu.async_copy(rows[rb], out.at[idxw.at[rb]], osems[rb])

    def scat_wait(c, rb):
        pltpu.make_async_copy(rows[rb], out.at[idxw.at[rb]], osems[rb]).wait()

    def consume(c, rb):
        gather_wait(c, rb)
        add_pe_build_idx(c, rb)
        scat_issue(c, rb)

    gather_issue(0, 0)
    gather_issue(1, 1)
    consume(0, 0)
    gather_issue(2, 2)
    consume(1, 1)
    gather_issue(3, 3)

    def group_body(g, carry):
        for i4 in range(_NBUF):
            c = 2 + g * _NBUF + i4
            rb = (2 + i4) % _NBUF
            bn = i4 % _NBUF
            consume(c, rb)
            scat_wait(c - 2, bn)
            gather_issue(c + _LOOK, bn)
        return carry

    lax.fori_loop(0, (_TPW - _LOOK - 2) // _NBUF, group_body, 0)

    consume(_TPW - 2, (_TPW - 2) % _NBUF)
    consume(_TPW - 1, (_TPW - 1) % _NBUF)
    for c in range(_TPW - _NBUF, _TPW):
        scat_wait(c, c % _NBUF)


_sc_embed = pl.kernel(
    _sc_body,
    out_type=jax.ShapeDtypeStruct((_ROWS, _D), jnp.float32),
    mesh=plsc.VectorSubcoreMesh(core_axis_name="c", subcore_axis_name="s"),
    compiler_params=pltpu.CompilerParams(use_tc_tiling_on_sc=False),
    scratch_types=[
        pltpu.VMEM((_TPW, _TB), jnp.int32),
        pltpu.VMEM((_NBUF, _TB), jnp.int32),
        [pltpu.VMEM((_TB, _D), jnp.float32) for _ in range(_NBUF)],
        pltpu.VMEM((_MAXLEN, _D), jnp.float32),
        [pltpu.SemaphoreType.DMA for _ in range(_NBUF)],
        [pltpu.SemaphoreType.DMA for _ in range(_NBUF)],
    ],
)


def kernel(x, W):
    x2 = x.reshape(32, 128, 25, 8).transpose(2, 0, 3, 1).reshape(_TASKS, _TB)
    out = _sc_embed(x2, W, jnp.asarray(_PE_TABLE))
    return out.reshape(_B, _L, _D)

# --- scband reference (transcript-rebuilt; emitter-appended) ---
"""Pipeline reference for scband-embeddings-9002251453269 (READ-ONLY COPY).

The authoritative reference and input builder live on the scoring server;
editing this copy changes nothing except your own understanding.
"""

import jax, jax.numpy as jnp
import numpy as np

VOCAB = 1000000
D = 64
MAXLEN = 200
PAD_ID = 0
B = 4096
L = 200


def _sinusoidal_pe(maxlen, d):
    pos = np.arange(maxlen, dtype=np.float32)[:, None]
    i = np.arange(d, dtype=np.float32)[None, :]
    angle_rates = 1.0 / np.power(10000.0, (2.0 * np.floor(i / 2.0)) / float(d))
    angles = pos * angle_rates
    pe = np.zeros((maxlen, d), dtype=np.float32)
    pe[:, 0::2] = np.sin(angles[:, 0::2])
    pe[:, 1::2] = np.cos(angles[:, 1::2])
    return jnp.asarray(pe)


def setup_inputs(seed: int = 0) -> dict:
    key = jax.random.key(seed)
    k1, k2 = jax.random.split(key)
    x = jax.random.randint(k1, (B, L), 0, VOCAB, dtype=jnp.int32)
    W = jax.random.normal(k2, (VOCAB, D), dtype=jnp.float32) * 0.02
    # padding_idx row is zero-initialized in nn.Embedding
    W = W.at[PAD_ID].set(0.0)
    return {"x": x, "W": W}


def reference(x, W):
    # TokenEmbedding: plain embedding lookup (gather)
    token_embed = jnp.take(W, x, axis=0)  # [B, L, D]
    # PositionalEmbedding: fixed sinusoidal table sliced to seq len, broadcast over batch
    pe = _sinusoidal_pe(MAXLEN, D)[: x.shape[1]]  # [L, D]
    return token_embed + pe[None, :, :]

if __name__ == "__main__":
    import jax
    _d = setup_inputs()
    print(jax.jit(kernel)(*tuple(_d.values())))

</pallas_src>

<mosaic_0001>
#map = affine_map<(d0, d1) -> (0, 0)>
module attributes {stable_mosaic.version = 14 : i64} {
  func.func @_sc_body(%arg0: i32, %arg1: i32, %arg2: memref<6400x128xi32, #tpu.memory_space<hbm>>, %arg3: memref<1000000x64xf32, #tpu.memory_space<hbm>>, %arg4: memref<200x64xf32, #tpu.memory_space<hbm>>, %arg5: memref<819200x64xf32, #tpu.memory_space<hbm>>, %arg6: memref<200x128xi32, #tpu.memory_space<vmem>>, %arg7: memref<4x128xi32, #tpu.memory_space<vmem>>, %arg8: memref<128x64xf32, #tpu.memory_space<vmem>>, %arg9: memref<128x64xf32, #tpu.memory_space<vmem>>, %arg10: memref<128x64xf32, #tpu.memory_space<vmem>>, %arg11: memref<128x64xf32, #tpu.memory_space<vmem>>, %arg12: memref<200x64xf32, #tpu.memory_space<vmem>>, %arg13: memref<!tpu.dma_semaphore, #tpu.memory_space<semaphore_mem>>, %arg14: memref<!tpu.dma_semaphore, #tpu.memory_space<semaphore_mem>>, %arg15: memref<!tpu.dma_semaphore, #tpu.memory_space<semaphore_mem>>, %arg16: memref<!tpu.dma_semaphore, #tpu.memory_space<semaphore_mem>>, %arg17: memref<!tpu.dma_semaphore, #tpu.memory_space<semaphore_mem>>, %arg18: memref<!tpu.dma_semaphore, #tpu.memory_space<semaphore_mem>>, %arg19: memref<!tpu.dma_semaphore, #tpu.memory_space<semaphore_mem>>, %arg20: memref<!tpu.dma_semaphore, #tpu.memory_space<semaphore_mem>>) attributes {dimension_semantics = [#tpu.dimension_semantics<core_parallel>, #tpu.dimension_semantics<subcore_parallel>], iteration_bounds = array<i64: 2, 16>, scalar_prefetch = 0 : i64, scratch_operands = 15 : i64, tpu.core_type = #tpu.core_type<sc_vector_subcore>, window_params = [{transform_indices = #map}, {transform_indices = #map}, {transform_indices = #map}, {transform_indices = #map}]} {
    %mul3A = arith.constant 2 : i32
    %mul3A_0 = arith.muli %arg1, %mul3A : i32
    %add3A = arith.addi %mul3A_0, %arg0 : i32
    %mul3A_1 = arith.constant 200 : i32
    %mul3A_2 = arith.muli %add3A, %mul3A_1 : i32
    "tpu.region"() ({
      %run_scoped3A = tpu.sem_alloc : memref<!tpu.dma_semaphore, #tpu.memory_space<semaphore_mem>>
      %dma_start3A_722 = arith.constant 0 : i32
      %dma_start3A_723 = tpu.memref_slice %arg2[%mul3A_2, %dma_start3A_722] : memref<6400x128xi32, #tpu.memory_space<hbm>> -> memref<200x128xi32, #tpu.memory_space<hbm>>
      %dma_start3A_724 = arith.constant 0 : i32
      %dma_start3A_725 = tpu.memref_slice %arg2[%mul3A_2, %dma_start3A_724] : memref<6400x128xi32, #tpu.memory_space<hbm>> -> memref<200x128xi32, #tpu.memory_space<hbm>>
      tpu.enqueue_dma source(%dma_start3A_725 : memref<200x128xi32, #tpu.memory_space<hbm>>) target(%arg6 : memref<200x128xi32, #tpu.memory_space<vmem>>) target_semaphore(%run_scoped3A : memref<!tpu.dma_semaphore, #tpu.memory_space<semaphore_mem>>)
      %dma_wait3A_726 = arith.constant 0 : i32
      %dma_wait3A_727 = tpu.memref_slice %arg2[%mul3A_2, %dma_wait3A_726] : memref<6400x128xi32, #tpu.memory_space<hbm>> -> memref<200x128xi32, #tpu.memory_space<hbm>>
      %dma_wait3A_728 = arith.constant 0 : i32
      %dma_wait3A_729 = tpu.memref_slice %arg2[%mul3A_2, %dma_wait3A_728] : memref<6400x128xi32, #tpu.memory_space<hbm>> -> memref<200x128xi32, #tpu.memory_space<hbm>>
      tpu.wait_dma2 semaphore(%run_scoped3A : memref<!tpu.dma_semaphore, #tpu.memory_space<semaphore_mem>>) src(%dma_wait3A_729 : memref<200x128xi32, #tpu.memory_space<hbm>>) dst(%arg6 : memref<200x128xi32, #tpu.memory_space<vmem>>)
      tpu.yield
    }) : () -> ()
    "tpu.region"() ({
      %run_scoped3A = tpu.sem_alloc : memref<!tpu.dma_semaphore, #tpu.memory_space<semaphore_mem>>
      tpu.enqueue_dma source(%arg4 : memref<200x64xf32, #tpu.memory_space<hbm>>) target(%arg12 : memref<200x64xf32, #tpu.memory_space<vmem>>) target_semaphore(%run_scoped3A : memref<!tpu.dma_semaphore, #tpu.memory_space<semaphore_mem>>)
      tpu.wait_dma2 semaphore(%run_scoped3A : memref<!tpu.dma_semaphore, #tpu.memory_space<semaphore_mem>>) src(%arg4 : memref<200x64xf32, #tpu.memory_space<hbm>>) dst(%arg12 : memref<200x64xf32, #tpu.memory_space<vmem>>)
      tpu.yield
    }) : () -> ()
    %iota3A = tpu.iota {dimensions = array<i32: 0>} : vector<16xi32>
    %dma_start3A = arith.constant 0 : i32
    %dma_start3A_3 = arith.constant 0 : i32
    %dma_start3A_4 = tpu.memref_slice %arg6[%dma_start3A, %dma_start3A_3] : memref<200x128xi32, #tpu.memory_space<vmem>> -> memref<1x128xi32, #tpu.memory_space<vmem>>
    %dma_start3A_5 = tpu.memref_squeeze %dma_start3A_4 : memref<1x128xi32, #tpu.memory_space<vmem>> -> memref<128xi32, #tpu.memory_space<vmem>>
    %dma_start3A_6 = arith.constant 0 : i32
    %dma_start3A_7 = arith.constant 0 : i32
    %dma_start3A_8 = tpu.memref_slice %arg3[%dma_start3A_6, %dma_start3A_7] : memref<1000000x64xf32, #tpu.memory_space<hbm>> -> memref<1000000x64xf32, #tpu.memory_space<hbm>>
    tpu.enqueue_indirect_dma source(%dma_start3A_8 : memref<1000000x64xf32, #tpu.memory_space<hbm>>) target(%arg8 : memref<128x64xf32, #tpu.memory_space<vmem>>) offsets(%dma_start3A_5 : memref<128xi32, #tpu.memory_space<vmem>>) semaphore(%arg13 : memref<!tpu.dma_semaphore, #tpu.memory_space<semaphore_mem>>)
    %dma_start3A_9 = arith.constant 1 : i32
    %dma_start3A_10 = arith.constant 0 : i32
    %dma_start3A_11 = tpu.memref_slice %arg6[%dma_start3A_9, %dma_start3A_10] : memref<200x128xi32, #tpu.memory_space<vmem>> -> memref<1x128xi32, #tpu.memory_space<vmem>>
    %dma_start3A_12 = tpu.memref_squeeze %dma_start3A_11 : memref<1x128xi32, #tpu.memory_space<vmem>> -> memref<128xi32, #tpu.memory_space<vmem>>
    %dma_start3A_13 = arith.constant 0 : i32
    %dma_start3A_14 = arith.constant 0 : i32
    %dma_start3A_15 = tpu.memref_slice %arg3[%dma_start3A_13, %dma_start3A_14] : memref<1000000x64xf32, #tpu.memory_space<hbm>> -> memref<1000000x64xf32, #tpu.memory_space<hbm>>
    tpu.enqueue_indirect_dma source(%dma_start3A_15 : memref<1000000x64xf32, #tpu.memory_space<hbm>>) target(%arg9 : memref<128x64xf32, #tpu.memory_space<vmem>>) offsets(%dma_start3A_12 : memref<128xi32, #tpu.memory_space<vmem>>) semaphore(%arg14 : memref<!tpu.dma_semaphore, #tpu.memory_space<semaphore_mem>>)
    %dma_wait3A = arith.constant 0 : i32
    %dma_wait3A_16 = arith.constant 0 : i32
    %dma_wait3A_17 = tpu.memref_slice %arg6[%dma_wait3A, %dma_wait3A_16] : memref<200x128xi32, #tpu.memory_space<vmem>> -> memref<1x128xi32, #tpu.memory_space<vmem>>
    %dma_wait3A_18 = tpu.memref_squeeze %dma_wait3A_17 : memref<1x128xi32, #tpu.memory_space<vmem>> -> memref<128xi32, #tpu.memory_space<vmem>>
    %dma_wait3A_19 = arith.constant 0 : i32
    %dma_wait3A_20 = arith.constant 0 : i32
    %dma_wait3A_21 = tpu.memref_slice %arg3[%dma_wait3A_19, %dma_wait3A_20] : memref<1000000x64xf32, #tpu.memory_space<hbm>> -> memref<1000000x64xf32, #tpu.memory_space<hbm>>
    tpu.wait_indirect_dma semaphore(%arg13 : memref<!tpu.dma_semaphore, #tpu.memory_space<semaphore_mem>>) src(%dma_wait3A_21 : memref<1000000x64xf32, #tpu.memory_space<hbm>>) dst(%arg8 : memref<128x64xf32, #tpu.memory_space<vmem>>)
    %add3A_22 = arith.constant 0 : i32
    %add3A_23 = arith.addi %mul3A_2, %add3A_22 : i32
    %shift_right_logical3A = arith.constant 8 : i32
    %shift_right_logical3A_24 = arith.shrui %add3A_23, %shift_right_logical3A : i32
    %mul3A_25 = arith.constant 8 : i32
    %mul3A_26 = arith.muli %shift_right_logical3A_24, %mul3A_25 : i32
    %and3A = arith.constant 7 : i32
    %and3A_27 = arith.andi %add3A_23, %and3A : i32
    %add3A_28 = arith.addi %mul3A_26, %and3A_27 : i32
    %shift_right_logical3A_29 = arith.constant 3 : i32
    %shift_right_logical3A_30 = arith.shrui %add3A_23, %shift_right_logical3A_29 : i32
    %and3A_31 = arith.constant 31 : i32
    %and3A_32 = arith.andi %shift_right_logical3A_30, %and3A_31 : i32
    %mul3A_33 = arith.constant 128 : i32
    %mul3A_34 = arith.muli %and3A_32, %mul3A_33 : i32
    %mul3A_35 = arith.constant 200 : i32
    %mul3A_36 = arith.muli %mul3A_34, %mul3A_35 : i32
    %add3A_37 = arith.addi %mul3A_36, %add3A_28 : i32
    %get3A = arith.index_cast %add3A_28 : i32 to index
    %get3A_38 = arith.constant 0 : index
    %get3A_39 = tpu.vector_load %arg12[%get3A, %get3A_38] {strides = array<i32>} : memref<200x64xf32, #tpu.memory_space<vmem>>, vector<1x16xf32>,
    %get3A_40 = vector.shape_cast %get3A_39 : vector<1x16xf32> to vector<16xf32>
    %get3A_41 = arith.index_cast %add3A_28 : i32 to index
    %get3A_42 = arith.constant 16 : index
    %get3A_43 = tpu.vector_load %arg12[%get3A_41, %get3A_42] {strides = array<i32>} : memref<200x64xf32, #tpu.memory_space<vmem>>, vector<1x16xf32>,
    %get3A_44 = vector.shape_cast %get3A_43 : vector<1x16xf32> to vector<16xf32>
    %get3A_45 = arith.index_cast %add3A_28 : i32 to index
    %get3A_46 = arith.constant 32 : index
    %get3A_47 = tpu.vector_load %arg12[%get3A_45, %get3A_46] {strides = array<i32>} : memref<200x64xf32, #tpu.memory_space<vmem>>, vector<1x16xf32>,
    %get3A_48 = vector.shape_cast %get3A_47 : vector<1x16xf32> to vector<16xf32>
    %get3A_49 = arith.index_cast %add3A_28 : i32 to index
    %get3A_50 = arith.constant 48 : index
    %get3A_51 = tpu.vector_load %arg12[%get3A_49, %get3A_50] {strides = array<i32>} : memref<200x64xf32, #tpu.memory_space<vmem>>, vector<1x16xf32>,
    %get3A_52 = vector.shape_cast %get3A_51 : vector<1x16xf32> to vector<16xf32>
    %add3A_53 = arith.constant 0 : i32
    %add3A_54 = vector.broadcast %add3A_53 : i32 to vector<16xi32>
    %add3A_55 = arith.addi %iota3A, %add3A_54 : vector<16xi32>
    %mul3A_56 = arith.constant 200 : i32
    %mul3A_57 = vector.broadcast %mul3A_56 : i32 to vector<16xi32>
    %mul3A_58 = arith.muli %add3A_55, %mul3A_57 : vector<16xi32>
    %add3A_59 = vector.broadcast %add3A_37 : i32 to vector<16xi32>
    %add3A_60 = arith.addi %mul3A_58, %add3A_59 : vector<16xi32>
    %swap3A = arith.constant 0 : i32
    %swap3A_61 = arith.index_cast %swap3A : i32 to index
    %swap3A_62 = arith.constant 0 : index
    %swap3A_63 = tpu.vector_load %arg7[%swap3A_61, %swap3A_62] {strides = array<i32>} : memref<4x128xi32, #tpu.memory_space<vmem>>, vector<1x16xi32>,
    %swap3A_64 = vector.shape_cast %swap3A_63 : vector<1x16xi32> to vector<16xi32>
    %swap3A_65 = vector.shape_cast %add3A_60 : vector<16xi32> to vector<1x16xi32>
    tpu.vector_store %arg7[%swap3A_61, %swap3A_62], %swap3A_65 {strides = array<i32>} : memref<4x128xi32, #tpu.memory_space<vmem>>, vector<1x16xi32>,
    %add3A_66 = arith.constant 16 : i32
    %add3A_67 = vector.broadcast %add3A_66 : i32 to vector<16xi32>
    %add3A_68 = arith.addi %iota3A, %add3A_67 : vector<16xi32>
    %mul3A_69 = arith.constant 200 : i32
    %mul3A_70 = vector.broadcast %mul3A_69 : i32 to vector<16xi32>
    %mul3A_71 = arith.muli %add3A_68, %mul3A_70 : vector<16xi32>
    %add3A_72 = vector.broadcast %add3A_37 : i32 to vector<16xi32>
    %add3A_73 = arith.addi %mul3A_71, %add3A_72 : vector<16xi32>
    %swap3A_74 = arith.constant 0 : i32
    %swap3A_75 = arith.index_cast %swap3A_74 : i32 to index
    %swap3A_76 = arith.constant 16 : index
    %swap3A_77 = tpu.vector_load %arg7[%swap3A_75, %swap3A_76] {strides = array<i32>} : memref<4x128xi32, #tpu.memory_space<vmem>>, vector<1x16xi32>,
    %swap3A_78 = vector.shape_cast %swap3A_77 : vector<1x16xi32> to vector<16xi32>
    %swap3A_79 = vector.shape_cast %add3A_73 : vector<16xi32> to vector<1x16xi32>
    tpu.vector_store %arg7[%swap3A_75, %swap3A_76], %swap3A_79 {strides = array<i32>} : memref<4x128xi32, #tpu.memory_space<vmem>>, vector<1x16xi32>,
    %add3A_80 = arith.constant 32 : i32
    %add3A_81 = vector.broadcast %add3A_80 : i32 to vector<16xi32>
    %add3A_82 = arith.addi %iota3A, %add3A_81 : vector<16xi32>
    %mul3A_83 = arith.constant 200 : i32
    %mul3A_84 = vector.broadcast %mul3A_83 : i32 to vector<16xi32>
    %mul3A_85 = arith.muli %add3A_82, %mul3A_84 : vector<16xi32>
    %add3A_86 = vector.broadcast %add3A_37 : i32 to vector<16xi32>
    %add3A_87 = arith.addi %mul3A_85, %add3A_86 : vector<16xi32>
    %swap3A_88 = arith.constant 0 : i32
    %swap3A_89 = arith.index_cast %swap3A_88 : i32 to index
    %swap3A_90 = arith.constant 32 : index
    %swap3A_91 = tpu.vector_load %arg7[%swap3A_89, %swap3A_90] {strides = array<i32>} : memref<4x128xi32, #tpu.memory_space<vmem>>, vector<1x16xi32>,
    %swap3A_92 = vector.shape_cast %swap3A_91 : vector<1x16xi32> to vector<16xi32>
    %swap3A_93 = vector.shape_cast %add3A_87 : vector<16xi32> to vector<1x16xi32>
    tpu.vector_store %arg7[%swap3A_89, %swap3A_90], %swap3A_93 {strides = array<i32>} : memref<4x128xi32, #tpu.memory_space<vmem>>, vector<1x16xi32>,
    %add3A_94 = arith.constant 48 : i32
    %add3A_95 = vector.broadcast %add3A_94 : i32 to vector<16xi32>
    %add3A_96 = arith.addi %iota3A, %add3A_95 : vector<16xi32>
    %mul3A_97 = arith.constant 200 : i32
    %mul3A_98 = vector.broadcast %mul3A_97 : i32 to vector<16xi32>
    %mul3A_99 = arith.muli %add3A_96, %mul3A_98 : vector<16xi32>
    %add3A_100 = vector.broadcast %add3A_37 : i32 to vector<16xi32>
    %add3A_101 = arith.addi %mul3A_99, %add3A_100 : vector<16xi32>
    %swap3A_102 = arith.constant 0 : i32
    %swap3A_103 = arith.index_cast %swap3A_102 : i32 to index
    %swap3A_104 = arith.constant 48 : index
    %swap3A_105 = tpu.vector_load %arg7[%swap3A_103, %swap3A_104] {strides = array<i32>} : memref<4x128xi32, #tpu.memory_space<vmem>>, vector<1x16xi32>,
    %swap3A_106 = vector.shape_cast %swap3A_105 : vector<1x16xi32> to vector<16xi32>
    %swap3A_107 = vector.shape_cast %add3A_101 : vector<16xi32> to vector<1x16xi32>
    tpu.vector_store %arg7[%swap3A_103, %swap3A_104], %swap3A_107 {strides = array<i32>} : memref<4x128xi32, #tpu.memory_space<vmem>>, vector<1x16xi32>,
    %add3A_108 = arith.constant 64 : i32
    %add3A_109 = vector.broadcast %add3A_108 : i32 to vector<16xi32>
    %add3A_110 = arith.addi %iota3A, %add3A_109 : vector<16xi32>
    %mul3A_111 = arith.constant 200 : i32
    %mul3A_112 = vector.broadcast %mul3A_111 : i32 to vector<16xi32>
    %mul3A_113 = arith.muli %add3A_110, %mul3A_112 : vector<16xi32>
    %add3A_114 = vector.broadcast %add3A_37 : i32 to vector<16xi32>
    %add3A_115 = arith.addi %mul3A_113, %add3A_114 : vector<16xi32>
    %swap3A_116 = arith.constant 0 : i32
    %swap3A_117 = arith.index_cast %swap3A_116 : i32 to index
    %swap3A_118 = arith.constant 64 : index
    %swap3A_119 = tpu.vector_load %arg7[%swap3A_117, %swap3A_118] {strides = array<i32>} : memref<4x128xi32, #tpu.memory_space<vmem>>, vector<1x16xi32>,
    %swap3A_120 = vector.shape_cast %swap3A_119 : vector<1x16xi32> to vector<16xi32>
    %swap3A_121 = vector.shape_cast %add3A_115 : vector<16xi32> to vector<1x16xi32>
    tpu.vector_store %arg7[%swap3A_117, %swap3A_118], %swap3A_121 {strides = array<i32>} : memref<4x128xi32, #tpu.memory_space<vmem>>, vector<1x16xi32>,
    %add3A_122 = arith.constant 80 : i32
    %add3A_123 = vector.broadcast %add3A_122 : i32 to vector<16xi32>
    %add3A_124 = arith.addi %iota3A, %add3A_123 : vector<16xi32>
    %mul3A_125 = arith.constant 200 : i32
    %mul3A_126 = vector.broadcast %mul3A_125 : i32 to vector<16xi32>
    %mul3A_127 = arith.muli %add3A_124, %mul3A_126 : vector<16xi32>
    %add3A_128 = vector.broadcast %add3A_37 : i32 to vector<16xi32>
    %add3A_129 = arith.addi %mul3A_127, %add3A_128 : vector<16xi32>
    %swap3A_130 = arith.constant 0 : i32
    %swap3A_131 = arith.index_cast %swap3A_130 : i32 to index
    %swap3A_132 = arith.constant 80 : index
    %swap3A_133 = tpu.vector_load %arg7[%swap3A_131, %swap3A_132] {strides = array<i32>} : memref<4x128xi32, #tpu.memory_space<vmem>>, vector<1x16xi32>,
    %swap3A_134 = vector.shape_cast %swap3A_133 : vector<1x16xi32> to vector<16xi32>
    %swap3A_135 = vector.shape_cast %add3A_129 : vector<16xi32> to vector<1x16xi32>
    tpu.vector_store %arg7[%swap3A_131, %swap3A_132], %swap3A_135 {strides = array<i32>} : memref<4x128xi32, #tpu.memory_space<vmem>>, vector<1x16xi32>,
    %add3A_136 = arith.constant 96 : i32
    %add3A_137 = vector.broadcast %add3A_136 : i32 to vector<16xi32>
    %add3A_138 = arith.addi %iota3A, %add3A_137 : vector<16xi32>
    %mul3A_139 = arith.constant 200 : i32
    %mul3A_140 = vector.broadcast %mul3A_139 : i32 to vector<16xi32>
    %mul3A_141 = arith.muli %add3A_138, %mul3A_140 : vector<16xi32>
    %add3A_142 = vector.broadcast %add3A_37 : i32 to vector<16xi32>
    %add3A_143 = arith.addi %mul3A_141, %add3A_142 : vector<16xi32>
    %swap3A_144 = arith.constant 0 : i32
    %swap3A_145 = arith.index_cast %swap3A_144 : i32 to index
    %swap3A_146 = arith.constant 96 : index
    %swap3A_147 = tpu.vector_load %arg7[%swap3A_145, %swap3A_146] {strides = array<i32>} : memref<4x128xi32, #tpu.memory_space<vmem>>, vector<1x16xi32>,
    %swap3A_148 = vector.shape_cast %swap3A_147 : vector<1x16xi32> to vector<16xi32>
    %swap3A_149 = vector.shape_cast %add3A_143 : vector<16xi32> to vector<1x16xi32>
    tpu.vector_store %arg7[%swap3A_145, %swap3A_146], %swap3A_149 {strides = array<i32>} : memref<4x128xi32, #tpu.memory_space<vmem>>, vector<1x16xi32>,
    %add3A_150 = arith.constant 112 : i32
    %add3A_151 = vector.broadcast %add3A_150 : i32 to vector<16xi32>
    %add3A_152 = arith.addi %iota3A, %add3A_151 : vector<16xi32>
    %mul3A_153 = arith.constant 200 : i32
    %mul3A_154 = vector.broadcast %mul3A_153 : i32 to vector<16xi32>
    %mul3A_155 = arith.muli %add3A_152, %mul3A_154 : vector<16xi32>
    %add3A_156 = vector.broadcast %add3A_37 : i32 to vector<16xi32>
    %add3A_157 = arith.addi %mul3A_155, %add3A_156 : vector<16xi32>
    %swap3A_158 = arith.constant 0 : i32
    %swap3A_159 = arith.index_cast %swap3A_158 : i32 to index
    %swap3A_160 = arith.constant 112 : index
    %swap3A_161 = tpu.vector_load %arg7[%swap3A_159, %swap3A_160] {strides = array<i32>} : memref<4x128xi32, #tpu.memory_space<vmem>>, vector<1x16xi32>,
    %swap3A_162 = vector.shape_cast %swap3A_161 : vector<1x16xi32> to vector<16xi32>
    %swap3A_163 = vector.shape_cast %add3A_157 : vector<16xi32> to vector<1x16xi32>
    tpu.vector_store %arg7[%swap3A_159, %swap3A_160], %swap3A_163 {strides = array<i32>} : memref<4x128xi32, #tpu.memory_space<vmem>>, vector<1x16xi32>,
    %scan3A = arith.constant 0 : i32
    %scan3A_164 = arith.constant 0 : i32
    %scan3A_165 = arith.constant 32 : i32
    %scan3A_166 = arith.addi %scan3A_164, %scan3A_165 : i32
    %scan3A_167 = arith.constant 1 : i32
    scf.for %scan3A_722 = %scan3A_164 to %scan3A_166 step %scan3A_167  : i32 {
      %mul3A_723 = arith.constant 4 : i32
      %mul3A_724 = arith.muli %scan3A_722, %mul3A_723 : i32
      %add3A_725 = arith.constant 0 : i32
      %add3A_726 = arith.addi %mul3A_724, %add3A_725 : i32
      %swap3A_727 = arith.index_cast %add3A_726 : i32 to index
      %swap3A_728 = arith.constant 0 : index
      %swap3A_729 = tpu.vector_load %arg8[%swap3A_727, %swap3A_728] {strides = array<i32>} : memref<128x64xf32, #tpu.memory_space<vmem>>, vector<1x16xf32>,
      %swap3A_730 = vector.shape_cast %swap3A_729 : vector<1x16xf32> to vector<16xf32>
      %swap3A_731 = vector.shape_cast %get3A_40 : vector<16xf32> to vector<1x16xf32>
      tpu.vector_store %arg8[%swap3A_727, %swap3A_728], %swap3A_731 {add = true, strides = array<i32>} : memref<128x64xf32, #tpu.memory_space<vmem>>, vector<1x16xf32>,
      %swap3A_732 = arith.index_cast %add3A_726 : i32 to index
      %swap3A_733 = arith.constant 16 : index
      %swap3A_734 = tpu.vector_load %arg8[%swap3A_732, %swap3A_733] {strides = array<i32>} : memref<128x64xf32, #tpu.memory_space<vmem>>, vector<1x16xf32>,
      %swap3A_735 = vector.shape_cast %swap3A_734 : vector<1x16xf32> to vector<16xf32>
      %swap3A_736 = vector.shape_cast %get3A_44 : vector<16xf32> to vector<1x16xf32>
      tpu.vector_store %arg8[%swap3A_732, %swap3A_733], %swap3A_736 {add = true, strides = array<i32>} : memref<128x64xf32, #tpu.memory_space<vmem>>, vector<1x16xf32>,
      %swap3A_737 = arith.index_cast %add3A_726 : i32 to index
      %swap3A_738 = arith.constant 32 : index
      %swap3A_739 = tpu.vector_load %arg8[%swap3A_737, %swap3A_738] {strides = array<i32>} : memref<128x64xf32, #tpu.memory_space<vmem>>, vector<1x16xf32>,
      %swap3A_740 = vector.shape_cast %swap3A_739 : vector<1x16xf32> to vector<16xf32>
      %swap3A_741 = vector.shape_cast %get3A_48 : vector<16xf32> to vector<1x16xf32>
      tpu.vector_store %arg8[%swap3A_737, %swap3A_738], %swap3A_741 {add = true, strides = array<i32>} : memref<128x64xf32, #tpu.memory_space<vmem>>, vector<1x16xf32>,
      %swap3A_742 = arith.index_cast %add3A_726 : i32 to index
      %swap3A_743 = arith.constant 48 : index
      %swap3A_744 = tpu.vector_load %arg8[%swap3A_742, %swap3A_743] {strides = array<i32>} : memref<128x64xf32, #tpu.memory_space<vmem>>, vector<1x16xf32>,
      %swap3A_745 = vector.shape_cast %swap3A_744 : vector<1x16xf32> to vector<16xf32>
      %swap3A_746 = vector.shape_cast %get3A_52 : vector<16xf32> to vector<1x16xf32>
      tpu.vector_store %arg8[%swap3A_742, %swap3A_743], %swap3A_746 {add = true, strides = array<i32>} : memref<128x64xf32, #tpu.memory_space<vmem>>, vector<1x16xf32>,
      %add3A_747 = arith.constant 1 : i32
      %add3A_748 = arith.addi %mul3A_724, %add3A_747 : i32
      %swap3A_749 = arith.index_cast %add3A_748 : i32 to index
      %swap3A_750 = arith.constant 0 : index
      %swap3A_751 = tpu.vector_load %arg8[%swap3A_749, %swap3A_750] {strides = array<i32>} : memref<128x64xf32, #tpu.memory_space<vmem>>, vector<1x16xf32>,
      %swap3A_752 = vector.shape_cast %swap3A_751 : vector<1x16xf32> to vector<16xf32>
      %swap3A_753 = vector.shape_cast %get3A_40 : vector<16xf32> to vector<1x16xf32>
      tpu.vector_store %arg8[%swap3A_749, %swap3A_750], %swap3A_753 {add = true, strides = array<i32>} : memref<128x64xf32, #tpu.memory_space<vmem>>, vector<1x16xf32>,
      %swap3A_754 = arith.index_cast %add3A_748 : i32 to index
      %swap3A_755 = arith.constant 16 : index
      %swap3A_756 = tpu.vector_load %arg8[%swap3A_754, %swap3A_755] {strides = array<i32>} : memref<128x64xf32, #tpu.memory_space<vmem>>, vector<1x16xf32>,
      %swap3A_757 = vector.shape_cast %swap3A_756 : vector<1x16xf32> to vector<16xf32>
      %swap3A_758 = vector.shape_cast %get3A_44 : vector<16xf32> to vector<1x16xf32>
      tpu.vector_store %arg8[%swap3A_754, %swap3A_755], %swap3A_758 {add = true, strides = array<i32>} : memref<128x64xf32, #tpu.memory_space<vmem>>, vector<1x16xf32>,
      %swap3A_759 = arith.index_cast %add3A_748 : i32 to index
      %swap3A_760 = arith.constant 32 : index
      %swap3A_761 = tpu.vector_load %arg8[%swap3A_759, %swap3A_760] {strides = array<i32>} : memref<128x64xf32, #tpu.memory_space<vmem>>, vector<1x16xf32>,
      %swap3A_762 = vector.shape_cast %swap3A_761 : vector<1x16xf32> to vector<16xf32>
      %swap3A_763 = vector.shape_cast %get3A_48 : vector<16xf32> to vector<1x16xf32>
      tpu.vector_store %arg8[%swap3A_759, %swap3A_760], %swap3A_763 {add = true, strides = array<i32>} : memref<128x64xf32, #tpu.memory_space<vmem>>, vector<1x16xf32>,
      %swap3A_764 = arith.index_cast %add3A_748 : i32 to index
      %swap3A_765 = arith.constant 48 : index
      %swap3A_766 = tpu.vector_load %arg8[%swap3A_764, %swap3A_765] {strides = array<i32>} : memref<128x64xf32, #tpu.memory_space<vmem>>, vector<1x16xf32>,
      %swap3A_767 = vector.shape_cast %swap3A_766 : vector<1x16xf32> to vector<16xf32>
      %swap3A_768 = vector.shape_cast %get3A_52 : vector<16xf32> to vector<1x16xf32>
      tpu.vector_store %arg8[%swap3A_764, %swap3A_765], %swap3A_768 {add = true, strides = array<i32>} : memref<128x64xf32, #tpu.memory_space<vmem>>, vector<1x16xf32>,
      %add3A_769 = arith.constant 2 : i32
      %add3A_770 = arith.addi %mul3A_724, %add3A_769 : i32
      %swap3A_771 = arith.index_cast %add3A_770 : i32 to index
      %swap3A_772 = arith.constant 0 : index
      %swap3A_773 = tpu.vector_load %arg8[%swap3A_771, %swap3A_772] {strides = array<i32>} : memref<128x64xf32, #tpu.memory_space<vmem>>, vector<1x16xf32>,
      %swap3A_774 = vector.shape_cast %swap3A_773 : vector<1x16xf32> to vector<16xf32>
      %swap3A_775 = vector.shape_cast %get3A_40 : vector<16xf32> to vector<1x16xf32>
      tpu.vector_store %arg8[%swap3A_771, %swap3A_772], %swap3A_775 {add = true, strides = array<i32>} : memref<128x64xf32, #tpu.memory_space<vmem>>, vector<1x16xf32>,
      %swap3A_776 = arith.index_cast %add3A_770 : i32 to index
      %swap3A_777 = arith.constant 16 : index
      %swap3A_778 = tpu.vector_load %arg8[%swap3A_776, %swap3A_777] {strides = array<i32>} : memref<128x64xf32, #tpu.memory_space<vmem>>, vector<1x16xf32>,
      %swap3A_779 = vector.shape_cast %swap3A_778 : vector<1x16xf32> to vector<16xf32>
      %swap3A_780 = vector.shape_cast %get3A_44 : vector<16xf32> to vector<1x16xf32>
      tpu.vector_store %arg8[%swap3A_776, %swap3A_777], %swap3A_780 {add = true, strides = array<i32>} : memref<128x64xf32, #tpu.memory_space<vmem>>, vector<1x16xf32>,
      %swap3A_781 = arith.index_cast %add3A_770 : i32 to index
      %swap3A_782 = arith.constant 32 : index
      %swap3A_783 = tpu.vector_load %arg8[%swap3A_781, %swap3A_782] {strides = array<i32>} : memref<128x64xf32, #tpu.memory_space<vmem>>, vector<1x16xf32>,
      %swap3A_784 = vector.shape_cast %swap3A_783 : vector<1x16xf32> to vector<16xf32>
      %swap3A_785 = vector.shape_cast %get3A_48 : vector<16xf32> to vector<1x16xf32>
      tpu.vector_store %arg8[%swap3A_781, %swap3A_782], %swap3A_785 {add = true, strides = array<i32>} : memref<128x64xf32, #tpu.memory_space<vmem>>, vector<1x16xf32>,
      %swap3A_786 = arith.index_cast %add3A_770 : i32 to index
      %swap3A_787 = arith.constant 48 : index
      %swap3A_788 = tpu.vector_load %arg8[%swap3A_786, %swap3A_787] {strides = array<i32>} : memref<128x64xf32, #tpu.memory_space<vmem>>, vector<1x16xf32>,
      %swap3A_789 = vector.shape_cast %swap3A_788 : vector<1x16xf32> to vector<16xf32>
      %swap3A_790 = vector.shape_cast %get3A_52 : vector<16xf32> to vector<1x16xf32>
      tpu.vector_store %arg8[%swap3A_786, %swap3A_787], %swap3A_790 {add = true, strides = array<i32>} : memref<128x64xf32, #tpu.memory_space<vmem>>, vector<1x16xf32>,
      %add3A_791 = arith.constant 3 : i32
      %add3A_792 = arith.addi %mul3A_724, %add3A_791 : i32
      %swap3A_793 = arith.index_cast %add3A_792 : i32 to index
      %swap3A_794 = arith.constant 0 : index
      %swap3A_795 = tpu.vector_load %arg8[%swap3A_793, %swap3A_794] {strides = array<i32>} : memref<128x64xf32, #tpu.memory_space<vmem>>, vector<1x16xf32>,
      %swap3A_796 = vector.shape_cast %swap3A_795 : vector<1x16xf32> to vector<16xf32>
      %swap3A_797 = vector.shape_cast %get3A_40 : vector<16xf32> to vector<1x16xf32>
      tpu.vector_store %arg8[%swap3A_793, %swap3A_794], %swap3A_797 {add = true, strides = array<i32>} : memref<128x64xf32, #tpu.memory_space<vmem>>, vector<1x16xf32>,
      %swap3A_798 = arith.index_cast %add3A_792 : i32 to index
      %swap3A_799 = arith.constant 16 : index
      %swap3A_800 = tpu.vector_load %arg8[%swap3A_798, %swap3A_799] {strides = array<i32>} : memref<128x64xf32, #tpu.memory_space<vmem>>, vector<1x16xf32>,
      %swap3A_801 = vector.shape_cast %swap3A_800 : vector<1x16xf32> to vector<16xf32>
      %swap3A_802 = vector.shape_cast %get3A_44 : vector<16xf32> to vector<1x16xf32>
      tpu.vector_store %arg8[%swap3A_798, %swap3A_799], %swap3A_802 {add = true, strides = array<i32>} : memref<128x64xf32, #tpu.memory_space<vmem>>, vector<1x16xf32>,
      %swap3A_803 = arith.index_cast %add3A_792 : i32 to index
      %swap3A_804 = arith.constant 32 : index
      %swap3A_805 = tpu.vector_load %arg8[%swap3A_803, %swap3A_804] {strides = array<i32>} : memref<128x64xf32, #tpu.memory_space<vmem>>, vector<1x16xf32>,
      %swap3A_806 = vector.shape_cast %swap3A_805 : vector<1x16xf32> to vector<16xf32>
      %swap3A_807 = vector.shape_cast %get3A_48 : vector<16xf32> to vector<1x16xf32>
      tpu.vector_store %arg8[%swap3A_803, %swap3A_804], %swap3A_807 {add = true, strides = array<i32>} : memref<128x64xf32, #tpu.memory_space<vmem>>, vector<1x16xf32>,
      %swap3A_808 = arith.index_cast %add3A_792 : i32 to index
      %swap3A_809 = arith.constant 48 : index
      %swap3A_810 = tpu.vector_load %arg8[%swap3A_808, %swap3A_809] {strides = array<i32>} : memref<128x64xf32, #tpu.memory_space<vmem>>, vector<1x16xf32>,
      %swap3A_811 = vector.shape_cast %swap3A_810 : vector<1x16xf32> to vector<16xf32>
      %swap3A_812 = vector.shape_cast %get3A_52 : vector<16xf32> to vector<1x16xf32>
      tpu.vector_store %arg8[%swap3A_808, %swap3A_809], %swap3A_812 {add = true, strides = array<i32>} : memref<128x64xf32, #tpu.memory_space<vmem>>, vector<1x16xf32>,
    }
    %scan3A_168 = arith.constant 32 : i32
    %dma_start3A_169 = arith.constant 0 : i32
    %dma_start3A_170 = arith.constant 0 : i32
    %dma_start3A_171 = tpu.memref_slice %arg7[%dma_start3A_169, %dma_start3A_170] : memref<4x128xi32, #tpu.memory_space<vmem>> -> memref<1x128xi32, #tpu.memory_space<vmem>>
    %dma_start3A_172 = tpu.memref_squeeze %dma_start3A_171 : memref<1x128xi32, #tpu.memory_space<vmem>> -> memref<128xi32, #tpu.memory_space<vmem>>
    %dma_start3A_173 = arith.constant 0 : i32
    %dma_start3A_174 = arith.constant 0 : i32
    %dma_start3A_175 = tpu.memref_slice %arg5[%dma_start3A_173, %dma_start3A_174] : memref<819200x64xf32, #tpu.memory_space<hbm>> -> memref<819200x64xf32, #tpu.memory_space<hbm>>
    tpu.enqueue_indirect_dma source(%arg8 : memref<128x64xf32, #tpu.memory_space<vmem>>) target(%dma_start3A_175 : memref<819200x64xf32, #tpu.memory_space<hbm>>) offsets(%dma_start3A_172 : memref<128xi32, #tpu.memory_space<vmem>>) semaphore(%arg17 : memref<!tpu.dma_semaphore, #tpu.memory_space<semaphore_mem>>)
    %dma_start3A_176 = arith.constant 2 : i32
    %dma_start3A_177 = arith.constant 0 : i32
    %dma_start3A_178 = tpu.memref_slice %arg6[%dma_start3A_176, %dma_start3A_177] : memref<200x128xi32, #tpu.memory_space<vmem>> -> memref<1x128xi32, #tpu.memory_space<vmem>>
    %dma_start3A_179 = tpu.memref_squeeze %dma_start3A_178 : memref<1x128xi32, #tpu.memory_space<vmem>> -> memref<128xi32, #tpu.memory_space<vmem>>
    %dma_start3A_180 = arith.constant 0 : i32
    %dma_start3A_181 = arith.constant 0 : i32
    %dma_start3A_182 = tpu.memref_slice %arg3[%dma_start3A_180, %dma_start3A_181] : memref<1000000x64xf32, #tpu.memory_space<hbm>> -> memref<1000000x64xf32, #tpu.memory_space<hbm>>
    tpu.enqueue_indirect_dma source(%dma_start3A_182 : memref<1000000x64xf32, #tpu.memory_space<hbm>>) target(%arg10 : memref<128x64xf32, #tpu.memory_space<vmem>>) offsets(%dma_start3A_179 : memref<128xi32, #tpu.memory_space<vmem>>) semaphore(%arg15 : memref<!tpu.dma_semaphore, #tpu.memory_space<semaphore_mem>>)
    %dma_wait3A_183 = arith.constant 1 : i32
    %dma_wait3A_184 = arith.constant 0 : i32
    %dma_wait3A_185 = tpu.memref_slice %arg6[%dma_wait3A_183, %dma_wait3A_184] : memref<200x128xi32, #tpu.memory_space<vmem>> -> memref<1x128xi32, #tpu.memory_space<vmem>>
    %dma_wait3A_186 = tpu.memref_squeeze %dma_wait3A_185 : memref<1x128xi32, #tpu.memory_space<vmem>> -> memref<128xi32, #tpu.memory_space<vmem>>
    %dma_wait3A_187 = arith.constant 0 : i32
    %dma_wait3A_188 = arith.constant 0 : i32
    %dma_wait3A_189 = tpu.memref_slice %arg3[%dma_wait3A_187, %dma_wait3A_188] : memref<1000000x64xf32, #tpu.memory_space<hbm>> -> memref<1000000x64xf32, #tpu.memory_space<hbm>>
    tpu.wait_indirect_dma semaphore(%arg14 : memref<!tpu.dma_semaphore, #tpu.memory_space<semaphore_mem>>) src(%dma_wait3A_189 : memref<1000000x64xf32, #tpu.memory_space<hbm>>) dst(%arg9 : memref<128x64xf32, #tpu.memory_space<vmem>>)
    %add3A_190 = arith.constant 1 : i32
    %add3A_191 = arith.addi %mul3A_2, %add3A_190 : i32
    %shift_right_logical3A_192 = arith.constant 8 : i32
    %shift_right_logical3A_193 = arith.shrui %add3A_191, %shift_right_logical3A_192 : i32
    %mul3A_194 = arith.constant 8 : i32
    %mul3A_195 = arith.muli %shift_right_logical3A_193, %mul3A_194 : i32
    %and3A_196 = arith.constant 7 : i32
    %and3A_197 = arith.andi %add3A_191, %and3A_196 : i32
    %add3A_198 = arith.addi %mul3A_195, %and3A_197 : i32
    %shift_right_logical3A_199 = arith.constant 3 : i32
    %shift_right_logical3A_200 = arith.shrui %add3A_191, %shift_right_logical3A_199 : i32
    %and3A_201 = arith.constant 31 : i32
    %and3A_202 = arith.andi %shift_right_logical3A_200, %and3A_201 : i32
    %mul3A_203 = arith.constant 128 : i32
    %mul3A_204 = arith.muli %and3A_202, %mul3A_203 : i32
    %mul3A_205 = arith.constant 200 : i32
    %mul3A_206 = arith.muli %mul3A_204, %mul3A_205 : i32
    %add3A_207 = arith.addi %mul3A_206, %add3A_198 : i32
    %get3A_208 = arith.index_cast %add3A_198 : i32 to index
    %get3A_209 = arith.constant 0 : index
    %get3A_210 = tpu.vector_load %arg12[%get3A_208, %get3A_209] {strides = array<i32>} : memref<200x64xf32, #tpu.memory_space<vmem>>, vector<1x16xf32>,
    %get3A_211 = vector.shape_cast %get3A_210 : vector<1x16xf32> to vector<16xf32>
    %get3A_212 = arith.index_cast %add3A_198 : i32 to index
    %get3A_213 = arith.constant 16 : index
    %get3A_214 = tpu.vector_load %arg12[%get3A_212, %get3A_213] {strides = array<i32>} : memref<200x64xf32, #tpu.memory_space<vmem>>, vector<1x16xf32>,
    %get3A_215 = vector.shape_cast %get3A_214 : vector<1x16xf32> to vector<16xf32>
    %get3A_216 = arith.index_cast %add3A_198 : i32 to index
    %get3A_217 = arith.constant 32 : index
    %get3A_218 = tpu.vector_load %arg12[%get3A_216, %get3A_217] {strides = array<i32>} : memref<200x64xf32, #tpu.memory_space<vmem>>, vector<1x16xf32>,
    %get3A_219 = vector.shape_cast %get3A_218 : vector<1x16xf32> to vector<16xf32>
    %get3A_220 = arith.index_cast %add3A_198 : i32 to index
    %get3A_221 = arith.constant 48 : index
    %get3A_222 = tpu.vector_load %arg12[%get3A_220, %get3A_221] {strides = array<i32>} : memref<200x64xf32, #tpu.memory_space<vmem>>, vector<1x16xf32>,
    %get3A_223 = vector.shape_cast %get3A_222 : vector<1x16xf32> to vector<16xf32>
    %add3A_224 = arith.constant 0 : i32
    %add3A_225 = vector.broadcast %add3A_224 : i32 to vector<16xi32>
    %add3A_226 = arith.addi %iota3A, %add3A_225 : vector<16xi32>
    %mul3A_227 = arith.constant 200 : i32
    %mul3A_228 = vector.broadcast %mul3A_227 : i32 to vector<16xi32>
    %mul3A_229 = arith.muli %add3A_226, %mul3A_228 : vector<16xi32>
    %add3A_230 = vector.broadcast %add3A_207 : i32 to vector<16xi32>
    %add3A_231 = arith.addi %mul3A_229, %add3A_230 : vector<16xi32>
    %swap3A_232 = arith.constant 1 : i32
    %swap3A_233 = arith.index_cast %swap3A_232 : i32 to index
    %swap3A_234 = arith.constant 0 : index
    %swap3A_235 = tpu.vector_load %arg7[%swap3A_233, %swap3A_234] {strides = array<i32>} : memref<4x128xi32, #tpu.memory_space<vmem>>, vector<1x16xi32>,
    %swap3A_236 = vector.shape_cast %swap3A_235 : vector<1x16xi32> to vector<16xi32>
    %swap3A_237 = vector.shape_cast %add3A_231 : vector<16xi32> to vector<1x16xi32>
    tpu.vector_store %arg7[%swap3A_233, %swap3A_234], %swap3A_237 {strides = array<i32>} : memref<4x128xi32, #tpu.memory_space<vmem>>, vector<1x16xi32>,
    %add3A_238 = arith.constant 16 : i32
    %add3A_239 = vector.broadcast %add3A_238 : i32 to vector<16xi32>
    %add3A_240 = arith.addi %iota3A, %add3A_239 : vector<16xi32>
    %mul3A_241 = arith.constant 200 : i32
    %mul3A_242 = vector.broadcast %mul3A_241 : i32 to vector<16xi32>
    %mul3A_243 = arith.muli %add3A_240, %mul3A_242 : vector<16xi32>
    %add3A_244 = vector.broadcast %add3A_207 : i32 to vector<16xi32>
    %add3A_245 = arith.addi %mul3A_243, %add3A_244 : vector<16xi32>
    %swap3A_246 = arith.constant 1 : i32
    %swap3A_247 = arith.index_cast %swap3A_246 : i32 to index
    %swap3A_248 = arith.constant 16 : index
    %swap3A_249 = tpu.vector_load %arg7[%swap3A_247, %swap3A_248] {strides = array<i32>} : memref<4x128xi32, #tpu.memory_space<vmem>>, vector<1x16xi32>,
    %swap3A_250 = vector.shape_cast %swap3A_249 : vector<1x16xi32> to vector<16xi32>
    %swap3A_251 = vector.shape_cast %add3A_245 : vector<16xi32> to vector<1x16xi32>
    tpu.vector_store %arg7[%swap3A_247, %swap3A_248], %swap3A_251 {strides = array<i32>} : memref<4x128xi32, #tpu.memory_space<vmem>>, vector<1x16xi32>,
    %add3A_252 = arith.constant 32 : i32
    %add3A_253 = vector.broadcast %add3A_252 : i32 to vector<16xi32>
    %add3A_254 = arith.addi %iota3A, %add3A_253 : vector<16xi32>
    %mul3A_255 = arith.constant 200 : i32
    %mul3A_256 = vector.broadcast %mul3A_255 : i32 to vector<16xi32>
    %mul3A_257 = arith.muli %add3A_254, %mul3A_256 : vector<16xi32>
    %add3A_258 = vector.broadcast %add3A_207 : i32 to vector<16xi32>
    %add3A_259 = arith.addi %mul3A_257, %add3A_258 : vector<16xi32>
    %swap3A_260 = arith.constant 1 : i32
    %swap3A_261 = arith.index_cast %swap3A_260 : i32 to index
    %swap3A_262 = arith.constant 32 : index
    %swap3A_263 = tpu.vector_load %arg7[%swap3A_261, %swap3A_262] {strides = array<i32>} : memref<4x128xi32, #tpu.memory_space<vmem>>, vector<1x16xi32>,
    %swap3A_264 = vector.shape_cast %swap3A_263 : vector<1x16xi32> to vector<16xi32>
    %swap3A_265 = vector.shape_cast %add3A_259 : vector<16xi32> to vector<1x16xi32>
    tpu.vector_store %arg7[%swap3A_261, %swap3A_262], %swap3A_265 {strides = array<i32>} : memref<4x128xi32, #tpu.memory_space<vmem>>, vector<1x16xi32>,
    %add3A_266 = arith.constant 48 : i32
    %add3A_267 = vector.broadcast %add3A_266 : i32 to vector<16xi32>
    %add3A_268 = arith.addi %iota3A, %add3A_267 : vector<16xi32>
    %mul3A_269 = arith.constant 200 : i32
    %mul3A_270 = vector.broadcast %mul3A_269 : i32 to vector<16xi32>
    %mul3A_271 = arith.muli %add3A_268, %mul3A_270 : vector<16xi32>
    %add3A_272 = vector.broadcast %add3A_207 : i32 to vector<16xi32>
    %add3A_273 = arith.addi %mul3A_271, %add3A_272 : vector<16xi32>
    %swap3A_274 = arith.constant 1 : i32
    %swap3A_275 = arith.index_cast %swap3A_274 : i32 to index
    %swap3A_276 = arith.constant 48 : index
    %swap3A_277 = tpu.vector_load %arg7[%swap3A_275, %swap3A_276] {strides = array<i32>} : memref<4x128xi32, #tpu.memory_space<vmem>>, vector<1x16xi32>,
    %swap3A_278 = vector.shape_cast %swap3A_277 : vector<1x16xi32> to vector<16xi32>
    %swap3A_279 = vector.shape_cast %add3A_273 : vector<16xi32> to vector<1x16xi32>
    tpu.vector_store %arg7[%swap3A_275, %swap3A_276], %swap3A_279 {strides = array<i32>} : memref<4x128xi32, #tpu.memory_space<vmem>>, vector<1x16xi32>,
    %add3A_280 = arith.constant 64 : i32
    %add3A_281 = vector.broadcast %add3A_280 : i32 to vector<16xi32>
    %add3A_282 = arith.addi %iota3A, %add3A_281 : vector<16xi32>
    %mul3A_283 = arith.constant 200 : i32
    %mul3A_284 = vector.broadcast %mul3A_283 : i32 to vector<16xi32>
    %mul3A_285 = arith.muli %add3A_282, %mul3A_284 : vector<16xi32>
    %add3A_286 = vector.broadcast %add3A_207 : i32 to vector<16xi32>
    %add3A_287 = arith.addi %mul3A_285, %add3A_286 : vector<16xi32>
    %swap3A_288 = arith.constant 1 : i32
    %swap3A_289 = arith.index_cast %swap3A_288 : i32 to index
    %swap3A_290 = arith.constant 64 : index
    %swap3A_291 = tpu.vector_load %arg7[%swap3A_289, %swap3A_290] {strides = array<i32>} : memref<4x128xi32, #tpu.memory_space<vmem>>, vector<1x16xi32>,
    %swap3A_292 = vector.shape_cast %swap3A_291 : vector<1x16xi32> to vector<16xi32>
    %swap3A_293 = vector.shape_cast %add3A_287 : vector<16xi32> to vector<1x16xi32>
    tpu.vector_store %arg7[%swap3A_289, %swap3A_290], %swap3A_293 {strides = array<i32>} : memref<4x128xi32, #tpu.memory_space<vmem>>, vector<1x16xi32>,
    %add3A_294 = arith.constant 80 : i32
    %add3A_295 = vector.broadcast %add3A_294 : i32 to vector<16xi32>
    %add3A_296 = arith.addi %iota3A, %add3A_295 : vector<16xi32>
    %mul3A_297 = arith.constant 200 : i32
    %mul3A_298 = vector.broadcast %mul3A_297 : i32 to vector<16xi32>
    %mul3A_299 = arith.muli %add3A_296, %mul3A_298 : vector<16xi32>
    %add3A_300 = vector.broadcast %add3A_207 : i32 to vector<16xi32>
    %add3A_301 = arith.addi %mul3A_299, %add3A_300 : vector<16xi32>
    %swap3A_302 = arith.constant 1 : i32
    %swap3A_303 = arith.index_cast %swap3A_302 : i32 to index
    %swap3A_304 = arith.constant 80 : index
    %swap3A_305 = tpu.vector_load %arg7[%swap3A_303, %swap3A_304] {strides = array<i32>} : memref<4x128xi32, #tpu.memory_space<vmem>>, vector<1x16xi32>,
    %swap3A_306 = vector.shape_cast %swap3A_305 : vector<1x16xi32> to vector<16xi32>
    %swap3A_307 = vector.shape_cast %add3A_301 : vector<16xi32> to vector<1x16xi32>
    tpu.vector_store %arg7[%swap3A_303, %swap3A_304], %swap3A_307 {strides = array<i32>} : memref<4x128xi32, #tpu.memory_space<vmem>>, vector<1x16xi32>,
    %add3A_308 = arith.constant 96 : i32
    %add3A_309 = vector.broadcast %add3A_308 : i32 to vector<16xi32>
    %add3A_310 = arith.addi %iota3A, %add3A_309 : vector<16xi32>
    %mul3A_311 = arith.constant 200 : i32
    %mul3A_312 = vector.broadcast %mul3A_311 : i32 to vector<16xi32>
    %mul3A_313 = arith.muli %add3A_310, %mul3A_312 : vector<16xi32>
    %add3A_314 = vector.broadcast %add3A_207 : i32 to vector<16xi32>
    %add3A_315 = arith.addi %mul3A_313, %add3A_314 : vector<16xi32>
    %swap3A_316 = arith.constant 1 : i32
    %swap3A_317 = arith.index_cast %swap3A_316 : i32 to index
    %swap3A_318 = arith.constant 96 : index
    %swap3A_319 = tpu.vector_load %arg7[%swap3A_317, %swap3A_318] {strides = array<i32>} : memref<4x128xi32, #tpu.memory_space<vmem>>, vector<1x16xi32>,
    %swap3A_320 = vector.shape_cast %swap3A_319 : vector<1x16xi32> to vector<16xi32>
    %swap3A_321 = vector.shape_cast %add3A_315 : vector<16xi32> to vector<1x16xi32>
    tpu.vector_store %arg7[%swap3A_317, %swap3A_318], %swap3A_321 {strides = array<i32>} : memref<4x128xi32, #tpu.memory_space<vmem>>, vector<1x16xi32>,
    %add3A_322 = arith.constant 112 : i32
    %add3A_323 = vector.broadcast %add3A_322 : i32 to vector<16xi32>
    %add3A_324 = arith.addi %iota3A, %add3A_323 : vector<16xi32>
    %mul3A_325 = arith.constant 200 : i32
    %mul3A_326 = vector.broadcast %mul3A_325 : i32 to vector<16xi32>
    %mul3A_327 = arith.muli %add3A_324, %mul3A_326 : vector<16xi32>
    %add3A_328 = vector.broadcast %add3A_207 : i32 to vector<16xi32>
    %add3A_329 = arith.addi %mul3A_327, %add3A_328 : vector<16xi32>
    %swap3A_330 = arith.constant 1 : i32
    %swap3A_331 = arith.index_cast %swap3A_330 : i32 to index
    %swap3A_332 = arith.constant 112 : index
    %swap3A_333 = tpu.vector_load %arg7[%swap3A_331, %swap3A_332] {strides = array<i32>} : memref<4x128xi32, #tpu.memory_space<vmem>>, vector<1x16xi32>,
    %swap3A_334 = vector.shape_cast %swap3A_333 : vector<1x16xi32> to vector<16xi32>
    %swap3A_335 = vector.shape_cast %add3A_329 : vector<16xi32> to vector<1x16xi32>
    tpu.vector_store %arg7[%swap3A_331, %swap3A_332], %swap3A_335 {strides = array<i32>} : memref<4x128xi32, #tpu.memory_space<vmem>>, vector<1x16xi32>,
    %scan3A_336 = arith.constant 0 : i32
    %scan3A_337 = arith.constant 0 : i32
    %scan3A_338 = arith.constant 32 : i32
    %scan3A_339 = arith.addi %scan3A_337, %scan3A_338 : i32
    %scan3A_340 = arith.constant 1 : i32
    scf.for %scan3A_722 = %scan3A_337 to %scan3A_339 step %scan3A_340  : i32 {
      %mul3A_723 = arith.constant 4 : i32
      %mul3A_724 = arith.muli %scan3A_722, %mul3A_723 : i32
      %add3A_725 = arith.constant 0 : i32
      %add3A_726 = arith.addi %mul3A_724, %add3A_725 : i32
      %swap3A_727 = arith.index_cast %add3A_726 : i32 to index
      %swap3A_728 = arith.constant 0 : index
      %swap3A_729 = tpu.vector_load %arg9[%swap3A_727, %swap3A_728] {strides = array<i32>} : memref<128x64xf32, #tpu.memory_space<vmem>>, vector<1x16xf32>,
      %swap3A_730 = vector.shape_cast %swap3A_729 : vector<1x16xf32> to vector<16xf32>
      %swap3A_731 = vector.shape_cast %get3A_211 : vector<16xf32> to vector<1x16xf32>
      tpu.vector_store %arg9[%swap3A_727, %swap3A_728], %swap3A_731 {add = true, strides = array<i32>} : memref<128x64xf32, #tpu.memory_space<vmem>>, vector<1x16xf32>,
      %swap3A_732 = arith.index_cast %add3A_726 : i32 to index
      %swap3A_733 = arith.constant 16 : index
      %swap3A_734 = tpu.vector_load %arg9[%swap3A_732, %swap3A_733] {strides = array<i32>} : memref<128x64xf32, #tpu.memory_space<vmem>>, vector<1x16xf32>,
      %swap3A_735 = vector.shape_cast %swap3A_734 : vector<1x16xf32> to vector<16xf32>
      %swap3A_736 = vector.shape_cast %get3A_215 : vector<16xf32> to vector<1x16xf32>
      tpu.vector_store %arg9[%swap3A_732, %swap3A_733], %swap3A_736 {add = true, strides = array<i32>} : memref<128x64xf32, #tpu.memory_space<vmem>>, vector<1x16xf32>,
      %swap3A_737 = arith.index_cast %add3A_726 : i32 to index
      %swap3A_738 = arith.constant 32 : index
      %swap3A_739 = tpu.vector_load %arg9[%swap3A_737, %swap3A_738] {strides = array<i32>} : memref<128x64xf32, #tpu.memory_space<vmem>>, vector<1x16xf32>,
      %swap3A_740 = vector.shape_cast %swap3A_739 : vector<1x16xf32> to vector<16xf32>
      %swap3A_741 = vector.shape_cast %get3A_219 : vector<16xf32> to vector<1x16xf32>
      tpu.vector_store %arg9[%swap3A_737, %swap3A_738], %swap3A_741 {add = true, strides = array<i32>} : memref<128x64xf32, #tpu.memory_space<vmem>>, vector<1x16xf32>,
      %swap3A_742 = arith.index_cast %add3A_726 : i32 to index
      %swap3A_743 = arith.constant 48 : index
      %swap3A_744 = tpu.vector_load %arg9[%swap3A_742, %swap3A_743] {strides = array<i32>} : memref<128x64xf32, #tpu.memory_space<vmem>>, vector<1x16xf32>,
      %swap3A_745 = vector.shape_cast %swap3A_744 : vector<1x16xf32> to vector<16xf32>
      %swap3A_746 = vector.shape_cast %get3A_223 : vector<16xf32> to vector<1x16xf32>
      tpu.vector_store %arg9[%swap3A_742, %swap3A_743], %swap3A_746 {add = true, strides = array<i32>} : memref<128x64xf32, #tpu.memory_space<vmem>>, vector<1x16xf32>,
      %add3A_747 = arith.constant 1 : i32
      %add3A_748 = arith.addi %mul3A_724, %add3A_747 : i32
      %swap3A_749 = arith.index_cast %add3A_748 : i32 to index
      %swap3A_750 = arith.constant 0 : index
      %swap3A_751 = tpu.vector_load %arg9[%swap3A_749, %swap3A_750] {strides = array<i32>} : memref<128x64xf32, #tpu.memory_space<vmem>>, vector<1x16xf32>,
      %swap3A_752 = vector.shape_cast %swap3A_751 : vector<1x16xf32> to vector<16xf32>
      %swap3A_753 = vector.shape_cast %get3A_211 : vector<16xf32> to vector<1x16xf32>
      tpu.vector_store %arg9[%swap3A_749, %swap3A_750], %swap3A_753 {add = true, strides = array<i32>} : memref<128x64xf32, #tpu.memory_space<vmem>>, vector<1x16xf32>,
      %swap3A_754 = arith.index_cast %add3A_748 : i32 to index
      %swap3A_755 = arith.constant 16 : index
      %swap3A_756 = tpu.vector_load %arg9[%swap3A_754, %swap3A_755] {strides = array<i32>} : memref<128x64xf32, #tpu.memory_space<vmem>>, vector<1x16xf32>,
      %swap3A_757 = vector.shape_cast %swap3A_756 : vector<1x16xf32> to vector<16xf32>
      %swap3A_758 = vector.shape_cast %get3A_215 : vector<16xf32> to vector<1x16xf32>
      tpu.vector_store %arg9[%swap3A_754, %swap3A_755], %swap3A_758 {add = true, strides = array<i32>} : memref<128x64xf32, #tpu.memory_space<vmem>>, vector<1x16xf32>,
      %swap3A_759 = arith.index_cast %add3A_748 : i32 to index
      %swap3A_760 = arith.constant 32 : index
      %swap3A_761 = tpu.vector_load %arg9[%swap3A_759, %swap3A_760] {strides = array<i32>} : memref<128x64xf32, #tpu.memory_space<vmem>>, vector<1x16xf32>,
      %swap3A_762 = vector.shape_cast %swap3A_761 : vector<1x16xf32> to vector<16xf32>
      %swap3A_763 = vector.shape_cast %get3A_219 : vector<16xf32> to vector<1x16xf32>
      tpu.vector_store %arg9[%swap3A_759, %swap3A_760], %swap3A_763 {add = true, strides = array<i32>} : memref<128x64xf32, #tpu.memory_space<vmem>>, vector<1x16xf32>,
      %swap3A_764 = arith.index_cast %add3A_748 : i32 to index
      %swap3A_765 = arith.constant 48 : index
      %swap3A_766 = tpu.vector_load %arg9[%swap3A_764, %swap3A_765] {strides = array<i32>} : memref<128x64xf32, #tpu.memory_space<vmem>>, vector<1x16xf32>,
      %swap3A_767 = vector.shape_cast %swap3A_766 : vector<1x16xf32> to vector<16xf32>
      %swap3A_768 = vector.shape_cast %get3A_223 : vector<16xf32> to vector<1x16xf32>
      tpu.vector_store %arg9[%swap3A_764, %swap3A_765], %swap3A_768 {add = true, strides = array<i32>} : memref<128x64xf32, #tpu.memory_space<vmem>>, vector<1x16xf32>,
      %add3A_769 = arith.constant 2 : i32
      %add3A_770 = arith.addi %mul3A_724, %add3A_769 : i32
      %swap3A_771 = arith.index_cast %add3A_770 : i32 to index
      %swap3A_772 = arith.constant 0 : index
      %swap3A_773 = tpu.vector_load %arg9[%swap3A_771, %swap3A_772] {strides = array<i32>} : memref<128x64xf32, #tpu.memory_space<vmem>>, vector<1x16xf32>,
      %swap3A_774 = vector.shape_cast %swap3A_773 : vector<1x16xf32> to vector<16xf32>
      %swap3A_775 = vector.shape_cast %get3A_211 : vector<16xf32> to vector<1x16xf32>
      tpu.vector_store %arg9[%swap3A_771, %swap3A_772], %swap3A_775 {add = true, strides = array<i32>} : memref<128x64xf32, #tpu.memory_space<vmem>>, vector<1x16xf32>,
      %swap3A_776 = arith.index_cast %add3A_770 : i32 to index
      %swap3A_777 = arith.constant 16 : index
      %swap3A_778 = tpu.vector_load %arg9[%swap3A_776, %swap3A_777] {strides = array<i32>} : memref<128x64xf32, #tpu.memory_space<vmem>>, vector<1x16xf32>,
      %swap3A_779 = vector.shape_cast %swap3A_778 : vector<1x16xf32> to vector<16xf32>
      %swap3A_780 = vector.shape_cast %get3A_215 : vector<16xf32> to vector<1x16xf32>
      tpu.vector_store %arg9[%swap3A_776, %swap3A_777], %swap3A_780 {add = true, strides = array<i32>} : memref<128x64xf32, #tpu.memory_space<vmem>>, vector<1x16xf32>,
      %swap3A_781 = arith.index_cast %add3A_770 : i32 to index
      %swap3A_782 = arith.constant 32 : index
      %swap3A_783 = tpu.vector_load %arg9[%swap3A_781, %swap3A_782] {strides = array<i32>} : memref<128x64xf32, #tpu.memory_space<vmem>>, vector<1x16xf32>,
      %swap3A_784 = vector.shape_cast %swap3A_783 : vector<1x16xf32> to vector<16xf32>
      %swap3A_785 = vector.shape_cast %get3A_219 : vector<16xf32> to vector<1x16xf32>
      tpu.vector_store %arg9[%swap3A_781, %swap3A_782], %swap3A_785 {add = true, strides = array<i32>} : memref<128x64xf32, #tpu.memory_space<vmem>>, vector<1x16xf32>,
      %swap3A_786 = arith.index_cast %add3A_770 : i32 to index
      %swap3A_787 = arith.constant 48 : index
      %swap3A_788 = tpu.vector_load %arg9[%swap3A_786, %swap3A_787] {strides = array<i32>} : memref<128x64xf32, #tpu.memory_space<vmem>>, vector<1x16xf32>,
      %swap3A_789 = vector.shape_cast %swap3A_788 : vector<1x16xf32> to vector<16xf32>
      %swap3A_790 = vector.shape_cast %get3A_223 : vector<16xf32> to vector<1x16xf32>
      tpu.vector_store %arg9[%swap3A_786, %swap3A_787], %swap3A_790 {add = true, strides = array<i32>} : memref<128x64xf32, #tpu.memory_space<vmem>>, vector<1x16xf32>,
      %add3A_791 = arith.constant 3 : i32
      %add3A_792 = arith.addi %mul3A_724, %add3A_791 : i32
      %swap3A_793 = arith.index_cast %add3A_792 : i32 to index
      %swap3A_794 = arith.constant 0 : index
      %swap3A_795 = tpu.vector_load %arg9[%swap3A_793, %swap3A_794] {strides = array<i32>} : memref<128x64xf32, #tpu.memory_space<vmem>>, vector<1x16xf32>,
      %swap3A_796 = vector.shape_cast %swap3A_795 : vector<1x16xf32> to vector<16xf32>
      %swap3A_797 = vector.shape_cast %get3A_211 : vector<16xf32> to vector<1x16xf32>
      tpu.vector_store %arg9[%swap3A_793, %swap3A_794], %swap3A_797 {add = true, strides = array<i32>} : memref<128x64xf32, #tpu.memory_space<vmem>>, vector<1x16xf32>,
      %swap3A_798 = arith.index_cast %add3A_792 : i32 to index
      %swap3A_799 = arith.constant 16 : index
      %swap3A_800 = tpu.vector_load %arg9[%swap3A_798, %swap3A_799] {strides = array<i32>} : memref<128x64xf32, #tpu.memory_space<vmem>>, vector<1x16xf32>,
      %swap3A_801 = vector.shape_cast %swap3A_800 : vector<1x16xf32> to vector<16xf32>
      %swap3A_802 = vector.shape_cast %get3A_215 : vector<16xf32> to vector<1x16xf32>
      tpu.vector_store %arg9[%swap3A_798, %swap3A_799], %swap3A_802 {add = true, strides = array<i32>} : memref<128x64xf32, #tpu.memory_space<vmem>>, vector<1x16xf32>,
      %swap3A_803 = arith.index_cast %add3A_792 : i32 to index
      %swap3A_804 = arith.constant 32 : index
      %swap3A_805 = tpu.vector_load %arg9[%swap3A_803, %swap3A_804] {strides = array<i32>} : memref<128x64xf32, #tpu.memory_space<vmem>>, vector<1x16xf32>,
      %swap3A_806 = vector.shape_cast %swap3A_805 : vector<1x16xf32> to vector<16xf32>
      %swap3A_807 = vector.shape_cast %get3A_219 : vector<16xf32> to vector<1x16xf32>
      tpu.vector_store %arg9[%swap3A_803, %swap3A_804], %swap3A_807 {add = true, strides = array<i32>} : memref<128x64xf32, #tpu.memory_space<vmem>>, vector<1x16xf32>,
      %swap3A_808 = arith.index_cast %add3A_792 : i32 to index
      %swap3A_809 = arith.constant 48 : index
      %swap3A_810 = tpu.vector_load %arg9[%swap3A_808, %swap3A_809] {strides = array<i32>} : memref<128x64xf32, #tpu.memory_space<vmem>>, vector<1x16xf32>,
      %swap3A_811 = vector.shape_cast %swap3A_810 : vector<1x16xf32> to vector<16xf32>
      %swap3A_812 = vector.shape_cast %get3A_223 : vector<16xf32> to vector<1x16xf32>
      tpu.vector_store %arg9[%swap3A_808, %swap3A_809], %swap3A_812 {add = true, strides = array<i32>} : memref<128x64xf32, #tpu.memory_space<vmem>>, vector<1x16xf32>,
    }
    %scan3A_341 = arith.constant 32 : i32
    %dma_start3A_342 = arith.constant 1 : i32
    %dma_start3A_343 = arith.constant 0 : i32
    %dma_start3A_344 = tpu.memref_slice %arg7[%dma_start3A_342, %dma_start3A_343] : memref<4x128xi32, #tpu.memory_space<vmem>> -> memref<1x128xi32, #tpu.memory_space<vmem>>
    %dma_start3A_345 = tpu.memref_squeeze %dma_start3A_344 : memref<1x128xi32, #tpu.memory_space<vmem>> -> memref<128xi32, #tpu.memory_space<vmem>>
    %dma_start3A_346 = arith.constant 0 : i32
    %dma_start3A_347 = arith.constant 0 : i32
    %dma_start3A_348 = tpu.memref_slice %arg5[%dma_start3A_346, %dma_start3A_347] : memref<819200x64xf32, #tpu.memory_space<hbm>> -> memref<819200x64xf32, #tpu.memory_space<hbm>>
    tpu.enqueue_indirect_dma source(%arg9 : memref<128x64xf32, #tpu.memory_space<vmem>>) target(%dma_start3A_348 : memref<819200x64xf32, #tpu.memory_space<hbm>>) offsets(%dma_start3A_345 : memref<128xi32, #tpu.memory_space<vmem>>) semaphore(%arg18 : memref<!tpu.dma_semaphore, #tpu.memory_space<semaphore_mem>>)
    %dma_start3A_349 = arith.constant 3 : i32
    %dma_start3A_350 = arith.constant 0 : i32
    %dma_start3A_351 = tpu.memref_slice %arg6[%dma_start3A_349, %dma_start3A_350] : memref<200x128xi32, #tpu.memory_space<vmem>> -> memref<1x128xi32, #tpu.memory_space<vmem>>
    %dma_start3A_352 = tpu.memref_squeeze %dma_start3A_351 : memref<1x128xi32, #tpu.memory_space<vmem>> -> memref<128xi32, #tpu.memory_space<vmem>>
    %dma_start3A_353 = arith.constant 0 : i32
    %dma_start3A_354 = arith.constant 0 : i32
    %dma_start3A_355 = tpu.memref_slice %arg3[%dma_start3A_353, %dma_start3A_354] : memref<1000000x64xf32, #tpu.memory_space<hbm>> -> memref<1000000x64xf32, #tpu.memory_space<hbm>>
    tpu.enqueue_indirect_dma source(%dma_start3A_355 : memref<1000000x64xf32, #tpu.memory_space<hbm>>) target(%arg11 : memref<128x64xf32, #tpu.memory_space<vmem>>) offsets(%dma_start3A_352 : memref<128xi32, #tpu.memory_space<vmem>>) semaphore(%arg16 : memref<!tpu.dma_semaphore, #tpu.memory_space<semaphore_mem>>)
    %scan3A_356 = arith.constant 0 : i32
    %scan3A_357 = arith.constant 0 : i32
    %scan3A_358 = arith.constant 49 : i32
    %scan3A_359 = arith.addi %scan3A_357, %scan3A_358 : i32
    %scan3A_360 = arith.constant 1 : i32
    scf.for %scan3A_722 = %scan3A_357 to %scan3A_359 step %scan3A_360  : i32 {
      %mul3A_723 = arith.constant 4 : i32
      %mul3A_724 = arith.muli %scan3A_722, %mul3A_723 : i32
      %add3A_725 = arith.constant 2 : i32
      %add3A_726 = arith.addi %add3A_725, %mul3A_724 : i32
      %add3A_727 = arith.constant 0 : i32
      %add3A_728 = arith.addi %add3A_726, %add3A_727 : i32
      %dma_wait3A_729 = arith.constant 0 : i32
      %dma_wait3A_730 = tpu.memref_slice %arg6[%add3A_728, %dma_wait3A_729] : memref<200x128xi32, #tpu.memory_space<vmem>> -> memref<1x128xi32, #tpu.memory_space<vmem>>
      %dma_wait3A_731 = tpu.memref_squeeze %dma_wait3A_730 : memref<1x128xi32, #tpu.memory_space<vmem>> -> memref<128xi32, #tpu.memory_space<vmem>>
      %dma_wait3A_732 = arith.constant 0 : i32
      %dma_wait3A_733 = arith.constant 0 : i32
      %dma_wait3A_734 = tpu.memref_slice %arg3[%dma_wait3A_732, %dma_wait3A_733] : memref<1000000x64xf32, #tpu.memory_space<hbm>> -> memref<1000000x64xf32, #tpu.memory_space<hbm>>
      tpu.wait_indirect_dma semaphore(%arg15 : memref<!tpu.dma_semaphore, #tpu.memory_space<semaphore_mem>>) src(%dma_wait3A_734 : memref<1000000x64xf32, #tpu.memory_space<hbm>>) dst(%arg10 : memref<128x64xf32, #tpu.memory_space<vmem>>)
      %add3A_735 = arith.addi %mul3A_2, %add3A_728 : i32
      %shift_right_logical3A_736 = arith.constant 8 : i32
      %shift_right_logical3A_737 = arith.shrui %add3A_735, %shift_right_logical3A_736 : i32
      %mul3A_738 = arith.constant 8 : i32
      %mul3A_739 = arith.muli %shift_right_logical3A_737, %mul3A_738 : i32
      %and3A_740 = arith.constant 7 : i32
      %and3A_741 = arith.andi %add3A_735, %and3A_740 : i32
      %add3A_742 = arith.addi %mul3A_739, %and3A_741 : i32
      %shift_right_logical3A_743 = arith.constant 3 : i32
      %shift_right_logical3A_744 = arith.shrui %add3A_735, %shift_right_logical3A_743 : i32
      %and3A_745 = arith.constant 31 : i32
      %and3A_746 = arith.andi %shift_right_logical3A_744, %and3A_745 : i32
      %mul3A_747 = arith.constant 128 : i32
      %mul3A_748 = arith.muli %and3A_746, %mul3A_747 : i32
      %mul3A_749 = arith.constant 200 : i32
      %mul3A_750 = arith.muli %mul3A_748, %mul3A_749 : i32
      %add3A_751 = arith.addi %mul3A_750, %add3A_742 : i32
      %get3A_752 = arith.index_cast %add3A_742 : i32 to index
      %get3A_753 = arith.constant 0 : index
      %get3A_754 = tpu.vector_load %arg12[%get3A_752, %get3A_753] {strides = array<i32>} : memref<200x64xf32, #tpu.memory_space<vmem>>, vector<1x16xf32>,
      %get3A_755 = vector.shape_cast %get3A_754 : vector<1x16xf32> to vector<16xf32>
      %get3A_756 = arith.index_cast %add3A_742 : i32 to index
      %get3A_757 = arith.constant 16 : index
      %get3A_758 = tpu.vector_load %arg12[%get3A_756, %get3A_757] {strides = array<i32>} : memref<200x64xf32, #tpu.memory_space<vmem>>, vector<1x16xf32>,
      %get3A_759 = vector.shape_cast %get3A_758 : vector<1x16xf32> to vector<16xf32>
      %get3A_760 = arith.index_cast %add3A_742 : i32 to index
      %get3A_761 = arith.constant 32 : index
      %get3A_762 = tpu.vector_load %arg12[%get3A_760, %get3A_761] {strides = array<i32>} : memref<200x64xf32, #tpu.memory_space<vmem>>, vector<1x16xf32>,
      %get3A_763 = vector.shape_cast %get3A_762 : vector<1x16xf32> to vector<16xf32>
      %get3A_764 = arith.index_cast %add3A_742 : i32 to index
      %get3A_765 = arith.constant 48 : index
      %get3A_766 = tpu.vector_load %arg12[%get3A_764, %get3A_765] {strides = array<i32>} : memref<200x64xf32, #tpu.memory_space<vmem>>, vector<1x16xf32>,
      %get3A_767 = vector.shape_cast %get3A_766 : vector<1x16xf32> to vector<16xf32>
      %add3A_768 = arith.constant 0 : i32
      %add3A_769 = vector.broadcast %add3A_768 : i32 to vector<16xi32>
      %add3A_770 = arith.addi %iota3A, %add3A_769 : vector<16xi32>
      %mul3A_771 = arith.constant 200 : i32
      %mul3A_772 = vector.broadcast %mul3A_771 : i32 to vector<16xi32>
      %mul3A_773 = arith.muli %add3A_770, %mul3A_772 : vector<16xi32>
      %add3A_774 = vector.broadcast %add3A_751 : i32 to vector<16xi32>
      %add3A_775 = arith.addi %mul3A_773, %add3A_774 : vector<16xi32>
      %swap3A_776 = arith.constant 2 : i32
      %swap3A_777 = arith.index_cast %swap3A_776 : i32 to index
      %swap3A_778 = arith.constant 0 : index
      %swap3A_779 = tpu.vector_load %arg7[%swap3A_777, %swap3A_778] {strides = array<i32>} : memref<4x128xi32, #tpu.memory_space<vmem>>, vector<1x16xi32>,
      %swap3A_780 = vector.shape_cast %swap3A_779 : vector<1x16xi32> to vector<16xi32>
      %swap3A_781 = vector.shape_cast %add3A_775 : vector<16xi32> to vector<1x16xi32>
      tpu.vector_store %arg7[%swap3A_777, %swap3A_778], %swap3A_781 {strides = array<i32>} : memref<4x128xi32, #tpu.memory_space<vmem>>, vector<1x16xi32>,
      %add3A_782 = arith.constant 16 : i32
      %add3A_783 = vector.broadcast %add3A_782 : i32 to vector<16xi32>
      %add3A_784 = arith.addi %iota3A, %add3A_783 : vector<16xi32>
      %mul3A_785 = arith.constant 200 : i32
      %mul3A_786 = vector.broadcast %mul3A_785 : i32 to vector<16xi32>
      %mul3A_787 = arith.muli %add3A_784, %mul3A_786 : vector<16xi32>
      %add3A_788 = vector.broadcast %add3A_751 : i32 to vector<16xi32>
      %add3A_789 = arith.addi %mul3A_787, %add3A_788 : vector<16xi32>
      %swap3A_790 = arith.constant 2 : i32
      %swap3A_791 = arith.index_cast %swap3A_790 : i32 to index
      %swap3A_792 = arith.constant 16 : index
      %swap3A_793 = tpu.vector_load %arg7[%swap3A_791, %swap3A_792] {strides = array<i32>} : memref<4x128xi32, #tpu.memory_space<vmem>>, vector<1x16xi32>,
      %swap3A_794 = vector.shape_cast %swap3A_793 : vector<1x16xi32> to vector<16xi32>
      %swap3A_795 = vector.shape_cast %add3A_789 : vector<16xi32> to vector<1x16xi32>
      tpu.vector_store %arg7[%swap3A_791, %swap3A_792], %swap3A_795 {strides = array<i32>} : memref<4x128xi32, #tpu.memory_space<vmem>>, vector<1x16xi32>,
      %add3A_796 = arith.constant 32 : i32
      %add3A_797 = vector.broadcast %add3A_796 : i32 to vector<16xi32>
      %add3A_798 = arith.addi %iota3A, %add3A_797 : vector<16xi32>
      %mul3A_799 = arith.constant 200 : i32
      %mul3A_800 = vector.broadcast %mul3A_799 : i32 to vector<16xi32>
      %mul3A_801 = arith.muli %add3A_798, %mul3A_800 : vector<16xi32>
      %add3A_802 = vector.broadcast %add3A_751 : i32 to vector<16xi32>
      %add3A_803 = arith.addi %mul3A_801, %add3A_802 : vector<16xi32>
      %swap3A_804 = arith.constant 2 : i32
      %swap3A_805 = arith.index_cast %swap3A_804 : i32 to index
      %swap3A_806 = arith.constant 32 : index
      %swap3A_807 = tpu.vector_load %arg7[%swap3A_805, %swap3A_806] {strides = array<i32>} : memref<4x128xi32, #tpu.memory_space<vmem>>, vector<1x16xi32>,
      %swap3A_808 = vector.shape_cast %swap3A_807 : vector<1x16xi32> to vector<16xi32>
      %swap3A_809 = vector.shape_cast %add3A_803 : vector<16xi32> to vector<1x16xi32>
      tpu.vector_store %arg7[%swap3A_805, %swap3A_806], %swap3A_809 {strides = array<i32>} : memref<4x128xi32, #tpu.memory_space<vmem>>, vector<1x16xi32>,
      %add3A_810 = arith.constant 48 : i32
      %add3A_811 = vector.broadcast %add3A_810 : i32 to vector<16xi32>
      %add3A_812 = arith.addi %iota3A, %add3A_811 : vector<16xi32>
      %mul3A_813 = arith.constant 200 : i32
      %mul3A_814 = vector.broadcast %mul3A_813 : i32 to vector<16xi32>
      %mul3A_815 = arith.muli %add3A_812, %mul3A_814 : vector<16xi32>
      %add3A_816 = vector.broadcast %add3A_751 : i32 to vector<16xi32>
      %add3A_817 = arith.addi %mul3A_815, %add3A_816 : vector<16xi32>
      %swap3A_818 = arith.constant 2 : i32
      %swap3A_819 = arith.index_cast %swap3A_818 : i32 to index
      %swap3A_820 = arith.constant 48 : index
      %swap3A_821 = tpu.vector_load %arg7[%swap3A_819, %swap3A_820] {strides = array<i32>} : memref<4x128xi32, #tpu.memory_space<vmem>>, vector<1x16xi32>,
      %swap3A_822 = vector.shape_cast %swap3A_821 : vector<1x16xi32> to vector<16xi32>
      %swap3A_823 = vector.shape_cast %add3A_817 : vector<16xi32> to vector<1x16xi32>
      tpu.vector_store %arg7[%swap3A_819, %swap3A_820], %swap3A_823 {strides = array<i32>} : memref<4x128xi32, #tpu.memory_space<vmem>>, vector<1x16xi32>,
      %add3A_824 = arith.constant 64 : i32
      %add3A_825 = vector.broadcast %add3A_824 : i32 to vector<16xi32>
      %add3A_826 = arith.addi %iota3A, %add3A_825 : vector<16xi32>
      %mul3A_827 = arith.constant 200 : i32
      %mul3A_828 = vector.broadcast %mul3A_827 : i32 to vector<16xi32>
      %mul3A_829 = arith.muli %add3A_826, %mul3A_828 : vector<16xi32>
      %add3A_830 = vector.broadcast %add3A_751 : i32 to vector<16xi32>
      %add3A_831 = arith.addi %mul3A_829, %add3A_830 : vector<16xi32>
      %swap3A_832 = arith.constant 2 : i32
      %swap3A_833 = arith.index_cast %swap3A_832 : i32 to index
      %swap3A_834 = arith.constant 64 : index
      %swap3A_835 = tpu.vector_load %arg7[%swap3A_833, %swap3A_834] {strides = array<i32>} : memref<4x128xi32, #tpu.memory_space<vmem>>, vector<1x16xi32>,
      %swap3A_836 = vector.shape_cast %swap3A_835 : vector<1x16xi32> to vector<16xi32>
      %swap3A_837 = vector.shape_cast %add3A_831 : vector<16xi32> to vector<1x16xi32>
      tpu.vector_store %arg7[%swap3A_833, %swap3A_834], %swap3A_837 {strides = array<i32>} : memref<4x128xi32, #tpu.memory_space<vmem>>, vector<1x16xi32>,
      %add3A_838 = arith.constant 80 : i32
      %add3A_839 = vector.broadcast %add3A_838 : i32 to vector<16xi32>
      %add3A_840 = arith.addi %iota3A, %add3A_839 : vector<16xi32>
      %mul3A_841 = arith.constant 200 : i32
      %mul3A_842 = vector.broadcast %mul3A_841 : i32 to vector<16xi32>
      %mul3A_843 = arith.muli %add3A_840, %mul3A_842 : vector<16xi32>
      %add3A_844 = vector.broadcast %add3A_751 : i32 to vector<16xi32>
      %add3A_845 = arith.addi %mul3A_843, %add3A_844 : vector<16xi32>
      %swap3A_846 = arith.constant 2 : i32
      %swap3A_847 = arith.index_cast %swap3A_846 : i32 to index
      %swap3A_848 = arith.constant 80 : index
      %swap3A_849 = tpu.vector_load %arg7[%swap3A_847, %swap3A_848] {strides = array<i32>} : memref<4x128xi32, #tpu.memory_space<vmem>>, vector<1x16xi32>,
      %swap3A_850 = vector.shape_cast %swap3A_849 : vector<1x16xi32> to vector<16xi32>
      %swap3A_851 = vector.shape_cast %add3A_845 : vector<16xi32> to vector<1x16xi32>
      tpu.vector_store %arg7[%swap3A_847, %swap3A_848], %swap3A_851 {strides = array<i32>} : memref<4x128xi32, #tpu.memory_space<vmem>>, vector<1x16xi32>,
      %add3A_852 = arith.constant 96 : i32
      %add3A_853 = vector.broadcast %add3A_852 : i32 to vector<16xi32>
      %add3A_854 = arith.addi %iota3A, %add3A_853 : vector<16xi32>
      %mul3A_855 = arith.constant 200 : i32
      %mul3A_856 = vector.broadcast %mul3A_855 : i32 to vector<16xi32>
      %mul3A_857 = arith.muli %add3A_854, %mul3A_856 : vector<16xi32>
      %add3A_858 = vector.broadcast %add3A_751 : i32 to vector<16xi32>
      %add3A_859 = arith.addi %mul3A_857, %add3A_858 : vector<16xi32>
      %swap3A_860 = arith.constant 2 : i32
      %swap3A_861 = arith.index_cast %swap3A_860 : i32 to index
      %swap3A_862 = arith.constant 96 : index
      %swap3A_863 = tpu.vector_load %arg7[%swap3A_861, %swap3A_862] {strides = array<i32>} : memref<4x128xi32, #tpu.memory_space<vmem>>, vector<1x16xi32>,
      %swap3A_864 = vector.shape_cast %swap3A_863 : vector<1x16xi32> to vector<16xi32>
      %swap3A_865 = vector.shape_cast %add3A_859 : vector<16xi32> to vector<1x16xi32>
      tpu.vector_store %arg7[%swap3A_861, %swap3A_862], %swap3A_865 {strides = array<i32>} : memref<4x128xi32, #tpu.memory_space<vmem>>, vector<1x16xi32>,
      %add3A_866 = arith.constant 112 : i32
      %add3A_867 = vector.broadcast %add3A_866 : i32 to vector<16xi32>
      %add3A_868 = arith.addi %iota3A, %add3A_867 : vector<16xi32>
      %mul3A_869 = arith.constant 200 : i32
      %mul3A_870 = vector.broadcast %mul3A_869 : i32 to vector<16xi32>
      %mul3A_871 = arith.muli %add3A_868, %mul3A_870 : vector<16xi32>
      %add3A_872 = vector.broadcast %add3A_751 : i32 to vector<16xi32>
      %add3A_873 = arith.addi %mul3A_871, %add3A_872 : vector<16xi32>
      %swap3A_874 = arith.constant 2 : i32
      %swap3A_875 = arith.index_cast %swap3A_874 : i32 to index
      %swap3A_876 = arith.constant 112 : index
      %swap3A_877 = tpu.vector_load %arg7[%swap3A_875, %swap3A_876] {strides = array<i32>} : memref<4x128xi32, #tpu.memory_space<vmem>>, vector<1x16xi32>,
      %swap3A_878 = vector.shape_cast %swap3A_877 : vector<1x16xi32> to vector<16xi32>
      %swap3A_879 = vector.shape_cast %add3A_873 : vector<16xi32> to vector<1x16xi32>
      tpu.vector_store %arg7[%swap3A_875, %swap3A_876], %swap3A_879 {strides = array<i32>} : memref<4x128xi32, #tpu.memory_space<vmem>>, vector<1x16xi32>,
      %scan3A_880 = arith.constant 0 : i32
      %scan3A_881 = arith.constant 0 : i32
      %scan3A_882 = arith.constant 32 : i32
      %scan3A_883 = arith.addi %scan3A_881, %scan3A_882 : i32
      %scan3A_884 = arith.constant 1 : i32
      scf.for %scan3A_1470 = %scan3A_881 to %scan3A_883 step %scan3A_884  : i32 {
        %mul3A_1471 = arith.constant 4 : i32
        %mul3A_1472 = arith.muli %scan3A_1470, %mul3A_1471 : i32
        %add3A_1473 = arith.constant 0 : i32
        %add3A_1474 = arith.addi %mul3A_1472, %add3A_1473 : i32
        %swap3A_1475 = arith.index_cast %add3A_1474 : i32 to index
        %swap3A_1476 = arith.constant 0 : index
        %swap3A_1477 = tpu.vector_load %arg10[%swap3A_1475, %swap3A_1476] {strides = array<i32>} : memref<128x64xf32, #tpu.memory_space<vmem>>, vector<1x16xf32>,
        %swap3A_1478 = vector.shape_cast %swap3A_1477 : vector<1x16xf32> to vector<16xf32>
        %swap3A_1479 = vector.shape_cast %get3A_755 : vector<16xf32> to vector<1x16xf32>
        tpu.vector_store %arg10[%swap3A_1475, %swap3A_1476], %swap3A_1479 {add = true, strides = array<i32>} : memref<128x64xf32, #tpu.memory_space<vmem>>, vector<1x16xf32>,
        %swap3A_1480 = arith.index_cast %add3A_1474 : i32 to index
        %swap3A_1481 = arith.constant 16 : index
        %swap3A_1482 = tpu.vector_load %arg10[%swap3A_1480, %swap3A_1481] {strides = array<i32>} : memref<128x64xf32, #tpu.memory_space<vmem>>, vector<1x16xf32>,
        %swap3A_1483 = vector.shape_cast %swap3A_1482 : vector<1x16xf32> to vector<16xf32>
        %swap3A_1484 = vector.shape_cast %get3A_759 : vector<16xf32> to vector<1x16xf32>
        tpu.vector_store %arg10[%swap3A_1480, %swap3A_1481], %swap3A_1484 {add = true, strides = array<i32>} : memref<128x64xf32, #tpu.memory_space<vmem>>, vector<1x16xf32>,
        %swap3A_1485 = arith.index_cast %add3A_1474 : i32 to index
        %swap3A_1486 = arith.constant 32 : index
        %swap3A_1487 = tpu.vector_load %arg10[%swap3A_1485, %swap3A_1486] {strides = array<i32>} : memref<128x64xf32, #tpu.memory_space<vmem>>, vector<1x16xf32>,
        %swap3A_1488 = vector.shape_cast %swap3A_1487 : vector<1x16xf32> to vector<16xf32>
        %swap3A_1489 = vector.shape_cast %get3A_763 : vector<16xf32> to vector<1x16xf32>
        tpu.vector_store %arg10[%swap3A_1485, %swap3A_1486], %swap3A_1489 {add = true, strides = array<i32>} : memref<128x64xf32, #tpu.memory_space<vmem>>, vector<1x16xf32>,
        %swap3A_1490 = arith.index_cast %add3A_1474 : i32 to index
        %swap3A_1491 = arith.constant 48 : index
        %swap3A_1492 = tpu.vector_load %arg10[%swap3A_1490, %swap3A_1491] {strides = array<i32>} : memref<128x64xf32, #tpu.memory_space<vmem>>, vector<1x16xf32>,
        %swap3A_1493 = vector.shape_cast %swap3A_1492 : vector<1x16xf32> to vector<16xf32>
        %swap3A_1494 = vector.shape_cast %get3A_767 : vector<16xf32> to vector<1x16xf32>
        tpu.vector_store %arg10[%swap3A_1490, %swap3A_1491], %swap3A_1494 {add = true, strides = array<i32>} : memref<128x64xf32, #tpu.memory_space<vmem>>, vector<1x16xf32>,
        %add3A_1495 = arith.constant 1 : i32
        %add3A_1496 = arith.addi %mul3A_1472, %add3A_1495 : i32
        %swap3A_1497 = arith.index_cast %add3A_1496 : i32 to index
        %swap3A_1498 = arith.constant 0 : index
        %swap3A_1499 = tpu.vector_load %arg10[%swap3A_1497, %swap3A_1498] {strides = array<i32>} : memref<128x64xf32, #tpu.memory_space<vmem>>, vector<1x16xf32>,
        %swap3A_1500 = vector.shape_cast %swap3A_1499 : vector<1x16xf32> to vector<16xf32>
        %swap3A_1501 = vector.shape_cast %get3A_755 : vector<16xf32> to vector<1x16xf32>
        tpu.vector_store %arg10[%swap3A_1497, %swap3A_1498], %swap3A_1501 {add = true, strides = array<i32>} : memref<128x64xf32, #tpu.memory_space<vmem>>, vector<1x16xf32>,
        %swap3A_1502 = arith.index_cast %add3A_1496 : i32 to index
        %swap3A_1503 = arith.constant 16 : index
        %swap3A_1504 = tpu.vector_load %arg10[%swap3A_1502, %swap3A_1503] {strides = array<i32>} : memref<128x64xf32, #tpu.memory_space<vmem>>, vector<1x16xf32>,
        %swap3A_1505 = vector.shape_cast %swap3A_1504 : vector<1x16xf32> to vector<16xf32>
        %swap3A_1506 = vector.shape_cast %get3A_759 : vector<16xf32> to vector<1x16xf32>
        tpu.vector_store %arg10[%swap3A_1502, %swap3A_1503], %swap3A_1506 {add = true, strides = array<i32>} : memref<128x64xf32, #tpu.memory_space<vmem>>, vector<1x16xf32>,
        %swap3A_1507 = arith.index_cast %add3A_1496 : i32 to index
        %swap3A_1508 = arith.constant 32 : index
        %swap3A_1509 = tpu.vector_load %arg10[%swap3A_1507, %swap3A_1508] {strides = array<i32>} : memref<128x64xf32, #tpu.memory_space<vmem>>, vector<1x16xf32>,
        %swap3A_1510 = vector.shape_cast %swap3A_1509 : vector<1x16xf32> to vector<16xf32>
        %swap3A_1511 = vector.shape_cast %get3A_763 : vector<16xf32> to vector<1x16xf32>
        tpu.vector_store %arg10[%swap3A_1507, %swap3A_1508], %swap3A_1511 {add = true, strides = array<i32>} : memref<128x64xf32, #tpu.memory_space<vmem>>, vector<1x16xf32>,
        %swap3A_1512 = arith.index_cast %add3A_1496 : i32 to index
        %swap3A_1513 = arith.constant 48 : index
        %swap3A_1514 = tpu.vector_load %arg10[%swap3A_1512, %swap3A_1513] {strides = array<i32>} : memref<128x64xf32, #tpu.memory_space<vmem>>, vector<1x16xf32>,
        %swap3A_1515 = vector.shape_cast %swap3A_1514 : vector<1x16xf32> to vector<16xf32>
        %swap3A_1516 = vector.shape_cast %get3A_767 : vector<16xf32> to vector<1x16xf32>
        tpu.vector_store %arg10[%swap3A_1512, %swap3A_1513], %swap3A_1516 {add = true, strides = array<i32>} : memref<128x64xf32, #tpu.memory_space<vmem>>, vector<1x16xf32>,
        %add3A_1517 = arith.constant 2 : i32
        %add3A_1518 = arith.addi %mul3A_1472, %add3A_1517 : i32
        %swap3A_1519 = arith.index_cast %add3A_1518 : i32 to index
        %swap3A_1520 = arith.constant 0 : index
        %swap3A_1521 = tpu.vector_load %arg10[%swap3A_1519, %swap3A_1520] {strides = array<i32>} : memref<128x64xf32, #tpu.memory_space<vmem>>, vector<1x16xf32>,
        %swap3A_1522 = vector.shape_cast %swap3A_1521 : vector<1x16xf32> to vector<16xf32>
        %swap3A_1523 = vector.shape_cast %get3A_755 : vector<16xf32> to vector<1x16xf32>
        tpu.vector_store %arg10[%swap3A_1519, %swap3A_1520], %swap3A_1523 {add = true, strides = array<i32>} : memref<128x64xf32, #tpu.memory_space<vmem>>, vector<1x16xf32>,
        %swap3A_1524 = arith.index_cast %add3A_1518 : i32 to index
        %swap3A_1525 = arith.constant 16 : index
        %swap3A_1526 = tpu.vector_load %arg10[%swap3A_1524, %swap3A_1525] {strides = array<i32>} : memref<128x64xf32, #tpu.memory_space<vmem>>, vector<1x16xf32>,
        %swap3A_1527 = vector.shape_cast %swap3A_1526 : vector<1x16xf32> to vector<16xf32>
        %swap3A_1528 = vector.shape_cast %get3A_759 : vector<16xf32> to vector<1x16xf32>
        tpu.vector_store %arg10[%swap3A_1524, %swap3A_1525], %swap3A_1528 {add = true, strides = array<i32>} : memref<128x64xf32, #tpu.memory_space<vmem>>, vector<1x16xf32>,
        %swap3A_1529 = arith.index_cast %add3A_1518 : i32 to index
        %swap3A_1530 = arith.constant 32 : index
        %swap3A_1531 = tpu.vector_load %arg10[%swap3A_1529, %swap3A_1530] {strides = array<i32>} : memref<128x64xf32, #tpu.memory_space<vmem>>, vector<1x16xf32>,
        %swap3A_1532 = vector.shape_cast %swap3A_1531 : vector<1x16xf32> to vector<16xf32>
        %swap3A_1533 = vector.shape_cast %get3A_763 : vector<16xf32> to vector<1x16xf32>
        tpu.vector_store %arg10[%swap3A_1529, %swap3A_1530], %swap3A_1533 {add = true, strides = array<i32>} : memref<128x64xf32, #tpu.memory_space<vmem>>, vector<1x16xf32>,
        %swap3A_1534 = arith.index_cast %add3A_1518 : i32 to index
        %swap3A_1535 = arith.constant 48 : index
        %swap3A_1536 = tpu.vector_load %arg10[%swap3A_1534, %swap3A_1535] {strides = array<i32>} : memref<128x64xf32, #tpu.memory_space<vmem>>, vector<1x16xf32>,
        %swap3A_1537 = vector.shape_cast %swap3A_1536 : vector<1x16xf32> to vector<16xf32>
        %swap3A_1538 = vector.shape_cast %get3A_767 : vector<16xf32> to vector<1x16xf32>
        tpu.vector_store %arg10[%swap3A_1534, %swap3A_1535], %swap3A_1538 {add = true, strides = array<i32>} : memref<128x64xf32, #tpu.memory_space<vmem>>, vector<1x16xf32>,
        %add3A_1539 = arith.constant 3 : i32
        %add3A_1540 = arith.addi %mul3A_1472, %add3A_1539 : i32
        %swap3A_1541 = arith.index_cast %add3A_1540 : i32 to index
        %swap3A_1542 = arith.constant 0 : index
        %swap3A_1543 = tpu.vector_load %arg10[%swap3A_1541, %swap3A_1542] {strides = array<i32>} : memref<128x64xf32, #tpu.memory_space<vmem>>, vector<1x16xf32>,
        %swap3A_1544 = vector.shape_cast %swap3A_1543 : vector<1x16xf32> to vector<16xf32>
        %swap3A_1545 = vector.shape_cast %get3A_755 : vector<16xf32> to vector<1x16xf32>
        tpu.vector_store %arg10[%swap3A_1541, %swap3A_1542], %swap3A_1545 {add = true, strides = array<i32>} : memref<128x64xf32, #tpu.memory_space<vmem>>, vector<1x16xf32>,
        %swap3A_1546 = arith.index_cast %add3A_1540 : i32 to index
        %swap3A_1547 = arith.constant 16 : index
        %swap3A_1548 = tpu.vector_load %arg10[%swap3A_1546, %swap3A_1547] {strides = array<i32>} : memref<128x64xf32, #tpu.memory_space<vmem>>, vector<1x16xf32>,
        %swap3A_1549 = vector.shape_cast %swap3A_1548 : vector<1x16xf32> to vector<16xf32>
        %swap3A_1550 = vector.shape_cast %get3A_759 : vector<16xf32> to vector<1x16xf32>
        tpu.vector_store %arg10[%swap3A_1546, %swap3A_1547], %swap3A_1550 {add = true, strides = array<i32>} : memref<128x64xf32, #tpu.memory_space<vmem>>, vector<1x16xf32>,
        %swap3A_1551 = arith.index_cast %add3A_1540 : i32 to index
        %swap3A_1552 = arith.constant 32 : index
        %swap3A_1553 = tpu.vector_load %arg10[%swap3A_1551, %swap3A_1552] {strides = array<i32>} : memref<128x64xf32, #tpu.memory_space<vmem>>, vector<1x16xf32>,
        %swap3A_1554 = vector.shape_cast %swap3A_1553 : vector<1x16xf32> to vector<16xf32>
        %swap3A_1555 = vector.shape_cast %get3A_763 : vector<16xf32> to vector<1x16xf32>
        tpu.vector_store %arg10[%swap3A_1551, %swap3A_1552], %swap3A_1555 {add = true, strides = array<i32>} : memref<128x64xf32, #tpu.memory_space<vmem>>, vector<1x16xf32>,
        %swap3A_1556 = arith.index_cast %add3A_1540 : i32 to index
        %swap3A_1557 = arith.constant 48 : index
        %swap3A_1558 = tpu.vector_load %arg10[%swap3A_1556, %swap3A_1557] {strides = array<i32>} : memref<128x64xf32, #tpu.memory_space<vmem>>, vector<1x16xf32>,
        %swap3A_1559 = vector.shape_cast %swap3A_1558 : vector<1x16xf32> to vector<16xf32>
        %swap3A_1560 = vector.shape_cast %get3A_767 : vector<16xf32> to vector<1x16xf32>
        tpu.vector_store %arg10[%swap3A_1556, %swap3A_1557], %swap3A_1560 {add = true, strides = array<i32>} : memref<128x64xf32, #tpu.memory_space<vmem>>, vector<1x16xf32>,
      }
      %scan3A_885 = arith.constant 32 : i32
      %dma_start3A_886 = arith.constant 2 : i32
      %dma_start3A_887 = arith.constant 0 : i32
      %dma_start3A_888 = tpu.memref_slice %arg7[%dma_start3A_886, %dma_start3A_887] : memref<4x128xi32, #tpu.memory_space<vmem>> -> memref<1x128xi32, #tpu.memory_space<vmem>>
      %dma_start3A_889 = tpu.memref_squeeze %dma_start3A_888 : memref<1x128xi32, #tpu.memory_space<vmem>> -> memref<128xi32, #tpu.memory_space<vmem>>
      %dma_start3A_890 = arith.constant 0 : i32
      %dma_start3A_891 = arith.constant 0 : i32
      %dma_start3A_892 = tpu.memref_slice %arg5[%dma_start3A_890, %dma_start3A_891] : memref<819200x64xf32, #tpu.memory_space<hbm>> -> memref<819200x64xf32, #tpu.memory_space<hbm>>
      tpu.enqueue_indirect_dma source(%arg10 : memref<128x64xf32, #tpu.memory_space<vmem>>) target(%dma_start3A_892 : memref<819200x64xf32, #tpu.memory_space<hbm>>) offsets(%dma_start3A_889 : memref<128xi32, #tpu.memory_space<vmem>>) semaphore(%arg19 : memref<!tpu.dma_semaphore, #tpu.memory_space<semaphore_mem>>)
      %sub3A = arith.constant 2 : i32
      %sub3A_893 = arith.subi %add3A_728, %sub3A : i32
      %dma_wait3A_894 = arith.constant 0 : i32
      %dma_wait3A_895 = arith.constant 0 : i32
      %dma_wait3A_896 = tpu.memref_slice %arg7[%dma_wait3A_894, %dma_wait3A_895] : memref<4x128xi32, #tpu.memory_space<vmem>> -> memref<1x128xi32, #tpu.memory_space<vmem>>
      %dma_wait3A_897 = tpu.memref_squeeze %dma_wait3A_896 : memref<1x128xi32, #tpu.memory_space<vmem>> -> memref<128xi32, #tpu.memory_space<vmem>>
      %dma_wait3A_898 = arith.constant 0 : i32
      %dma_wait3A_899 = arith.constant 0 : i32
      %dma_wait3A_900 = tpu.memref_slice %arg5[%dma_wait3A_898, %dma_wait3A_899] : memref<819200x64xf32, #tpu.memory_space<hbm>> -> memref<819200x64xf32, #tpu.memory_space<hbm>>
      tpu.wait_indirect_dma semaphore(%arg17 : memref<!tpu.dma_semaphore, #tpu.memory_space<semaphore_mem>>) src(%arg8 : memref<128x64xf32, #tpu.memory_space<vmem>>) dst(%dma_wait3A_900 : memref<819200x64xf32, #tpu.memory_space<hbm>>)
      %add3A_901 = arith.constant 2 : i32
      %add3A_902 = arith.addi %add3A_728, %add3A_901 : i32
      %dma_start3A_903 = arith.constant 0 : i32
      %dma_start3A_904 = tpu.memref_slice %arg6[%add3A_902, %dma_start3A_903] : memref<200x128xi32, #tpu.memory_space<vmem>> -> memref<1x128xi32, #tpu.memory_space<vmem>>
      %dma_start3A_905 = tpu.memref_squeeze %dma_start3A_904 : memref<1x128xi32, #tpu.memory_space<vmem>> -> memref<128xi32, #tpu.memory_space<vmem>>
      %dma_start3A_906 = arith.constant 0 : i32
      %dma_start3A_907 = arith.constant 0 : i32
      %dma_start3A_908 = tpu.memref_slice %arg3[%dma_start3A_906, %dma_start3A_907] : memref<1000000x64xf32, #tpu.memory_space<hbm>> -> memref<1000000x64xf32, #tpu.memory_space<hbm>>
      tpu.enqueue_indirect_dma source(%dma_start3A_908 : memref<1000000x64xf32, #tpu.memory_space<hbm>>) target(%arg8 : memref<128x64xf32, #tpu.memory_space<vmem>>) offsets(%dma_start3A_905 : memref<128xi32, #tpu.memory_space<vmem>>) semaphore(%arg13 : memref<!tpu.dma_semaphore, #tpu.memory_space<semaphore_mem>>)
      %mul3A_909 = arith.constant 4 : i32
      %mul3A_910 = arith.muli %scan3A_722, %mul3A_909 : i32
      %add3A_911 = arith.constant 2 : i32
      %add3A_912 = arith.addi %add3A_911, %mul3A_910 : i32
      %add3A_913 = arith.constant 1 : i32
      %add3A_914 = arith.addi %add3A_912, %add3A_913 : i32
      %dma_wait3A_915 = arith.constant 0 : i32
      %dma_wait3A_916 = tpu.memref_slice %arg6[%add3A_914, %dma_wait3A_915] : memref<200x128xi32, #tpu.memory_space<vmem>> -> memref<1x128xi32, #tpu.memory_space<vmem>>
      %dma_wait3A_917 = tpu.memref_squeeze %dma_wait3A_916 : memref<1x128xi32, #tpu.memory_space<vmem>> -> memref<128xi32, #tpu.memory_space<vmem>>
      %dma_wait3A_918 = arith.constant 0 : i32
      %dma_wait3A_919 = arith.constant 0 : i32
      %dma_wait3A_920 = tpu.memref_slice %arg3[%dma_wait3A_918, %dma_wait3A_919] : memref<1000000x64xf32, #tpu.memory_space<hbm>> -> memref<1000000x64xf32, #tpu.memory_space<hbm>>
      tpu.wait_indirect_dma semaphore(%arg16 : memref<!tpu.dma_semaphore, #tpu.memory_space<semaphore_mem>>) src(%dma_wait3A_920 : memref<1000000x64xf32, #tpu.memory_space<hbm>>) dst(%arg11 : memref<128x64xf32, #tpu.memory_space<vmem>>)
      %add3A_921 = arith.addi %mul3A_2, %add3A_914 : i32
      %shift_right_logical3A_922 = arith.constant 8 : i32
      %shift_right_logical3A_923 = arith.shrui %add3A_921, %shift_right_logical3A_922 : i32
      %mul3A_924 = arith.constant 8 : i32
      %mul3A_925 = arith.muli %shift_right_logical3A_923, %mul3A_924 : i32
      %and3A_926 = arith.constant 7 : i32
      %and3A_927 = arith.andi %add3A_921, %and3A_926 : i32
      %add3A_928 = arith.addi %mul3A_925, %and3A_927 : i32
      %shift_right_logical3A_929 = arith.constant 3 : i32
      %shift_right_logical3A_930 = arith.shrui %add3A_921, %shift_right_logical3A_929 : i32
      %and3A_931 = arith.constant 31 : i32
      %and3A_932 = arith.andi %shift_right_logical3A_930, %and3A_931 : i32
      %mul3A_933 = arith.constant 128 : i32
      %mul3A_934 = arith.muli %and3A_932, %mul3A_933 : i32
      %mul3A_935 = arith.constant 200 : i32
      %mul3A_936 = arith.muli %mul3A_934, %mul3A_935 : i32
      %add3A_937 = arith.addi %mul3A_936, %add3A_928 : i32
      %get3A_938 = arith.index_cast %add3A_928 : i32 to index
      %get3A_939 = arith.constant 0 : index
      %get3A_940 = tpu.vector_load %arg12[%get3A_938, %get3A_939] {strides = array<i32>} : memref<200x64xf32, #tpu.memory_space<vmem>>, vector<1x16xf32>,
      %get3A_941 = vector.shape_cast %get3A_940 : vector<1x16xf32> to vector<16xf32>
      %get3A_942 = arith.index_cast %add3A_928 : i32 to index
      %get3A_943 = arith.constant 16 : index
      %get3A_944 = tpu.vector_load %arg12[%get3A_942, %get3A_943] {strides = array<i32>} : memref<200x64xf32, #tpu.memory_space<vmem>>, vector<1x16xf32>,
      %get3A_945 = vector.shape_cast %get3A_944 : vector<1x16xf32> to vector<16xf32>
      %get3A_946 = arith.index_cast %add3A_928 : i32 to index
      %get3A_947 = arith.constant 32 : index
      %get3A_948 = tpu.vector_load %arg12[%get3A_946, %get3A_947] {strides = array<i32>} : memref<200x64xf32, #tpu.memory_space<vmem>>, vector<1x16xf32>,
      %get3A_949 = vector.shape_cast %get3A_948 : vector<1x16xf32> to vector<16xf32>
      %get3A_950 = arith.index_cast %add3A_928 : i32 to index
      %get3A_951 = arith.constant 48 : index
      %get3A_952 = tpu.vector_load %arg12[%get3A_950, %get3A_951] {strides = array<i32>} : memref<200x64xf32, #tpu.memory_space<vmem>>, vector<1x16xf32>,
      %get3A_953 = vector.shape_cast %get3A_952 : vector<1x16xf32> to vector<16xf32>
      %add3A_954 = arith.constant 0 : i32
      %add3A_955 = vector.broadcast %add3A_954 : i32 to vector<16xi32>
      %add3A_956 = arith.addi %iota3A, %add3A_955 : vector<16xi32>
      %mul3A_957 = arith.constant 200 : i32
      %mul3A_958 = vector.broadcast %mul3A_957 : i32 to vector<16xi32>
      %mul3A_959 = arith.muli %add3A_956, %mul3A_958 : vector<16xi32>
      %add3A_960 = vector.broadcast %add3A_937 : i32 to vector<16xi32>
      %add3A_961 = arith.addi %mul3A_959, %add3A_960 : vector<16xi32>
      %swap3A_962 = arith.constant 3 : i32
      %swap3A_963 = arith.index_cast %swap3A_962 : i32 to index
      %swap3A_964 = arith.constant 0 : index
      %swap3A_965 = tpu.vector_load %arg7[%swap3A_963, %swap3A_964] {strides = array<i32>} : memref<4x128xi32, #tpu.memory_space<vmem>>, vector<1x16xi32>,
      %swap3A_966 = vector.shape_cast %swap3A_965 : vector<1x16xi32> to vector<16xi32>
      %swap3A_967 = vector.shape_cast %add3A_961 : vector<16xi32> to vector<1x16xi32>
      tpu.vector_store %arg7[%swap3A_963, %swap3A_964], %swap3A_967 {strides = array<i32>} : memref<4x128xi32, #tpu.memory_space<vmem>>, vector<1x16xi32>,
      %add3A_968 = arith.constant 16 : i32
      %add3A_969 = vector.broadcast %add3A_968 : i32 to vector<16xi32>
      %add3A_970 = arith.addi %iota3A, %add3A_969 : vector<16xi32>
      %mul3A_971 = arith.constant 200 : i32
      %mul3A_972 = vector.broadcast %mul3A_971 : i32 to vector<16xi32>
      %mul3A_973 = arith.muli %add3A_970, %mul3A_972 : vector<16xi32>
      %add3A_974 = vector.broadcast %add3A_937 : i32 to vector<16xi32>
      %add3A_975 = arith.addi %mul3A_973, %add3A_974 : vector<16xi32>
      %swap3A_976 = arith.constant 3 : i32
      %swap3A_977 = arith.index_cast %swap3A_976 : i32 to index
      %swap3A_978 = arith.constant 16 : index
      %swap3A_979 = tpu.vector_load %arg7[%swap3A_977, %swap3A_978] {strides = array<i32>} : memref<4x128xi32, #tpu.memory_space<vmem>>, vector<1x16xi32>,
      %swap3A_980 = vector.shape_cast %swap3A_979 : vector<1x16xi32> to vector<16xi32>
      %swap3A_981 = vector.shape_cast %add3A_975 : vector<16xi32> to vector<1x16xi32>
      tpu.vector_store %arg7[%swap3A_977, %swap3A_978], %swap3A_981 {strides = array<i32>} : memref<4x128xi32, #tpu.memory_space<vmem>>, vector<1x16xi32>,
      %add3A_982 = arith.constant 32 : i32
      %add3A_983 = vector.broadcast %add3A_982 : i32 to vector<16xi32>
      %add3A_984 = arith.addi %iota3A, %add3A_983 : vector<16xi32>
      %mul3A_985 = arith.constant 200 : i32
      %mul3A_986 = vector.broadcast %mul3A_985 : i32 to vector<16xi32>
      %mul3A_987 = arith.muli %add3A_984, %mul3A_986 : vector<16xi32>
      %add3A_988 = vector.broadcast %add3A_937 : i32 to vector<16xi32>
      %add3A_989 = arith.addi %mul3A_987, %add3A_988 : vector<16xi32>
      %swap3A_990 = arith.constant 3 : i32
      %swap3A_991 = arith.index_cast %swap3A_990 : i32 to index
      %swap3A_992 = arith.constant 32 : index
      %swap3A_993 = tpu.vector_load %arg7[%swap3A_991, %swap3A_992] {strides = array<i32>} : memref<4x128xi32, #tpu.memory_space<vmem>>, vector<1x16xi32>,
      %swap3A_994 = vector.shape_cast %swap3A_993 : vector<1x16xi32> to vector<16xi32>
      %swap3A_995 = vector.shape_cast %add3A_989 : vector<16xi32> to vector<1x16xi32>
      tpu.vector_store %arg7[%swap3A_991, %swap3A_992], %swap3A_995 {strides = array<i32>} : memref<4x128xi32, #tpu.memory_space<vmem>>, vector<1x16xi32>,
      %add3A_996 = arith.constant 48 : i32
      %add3A_997 = vector.broadcast %add3A_996 : i32 to vector<16xi32>
      %add3A_998 = arith.addi %iota3A, %add3A_997 : vector<16xi32>
      %mul3A_999 = arith.constant 200 : i32
      %mul3A_1000 = vector.broadcast %mul3A_999 : i32 to vector<16xi32>
      %mul3A_1001 = arith.muli %add3A_998, %mul3A_1000 : vector<16xi32>
      %add3A_1002 = vector.broadcast %add3A_937 : i32 to vector<16xi32>
      %add3A_1003 = arith.addi %mul3A_1001, %add3A_1002 : vector<16xi32>
      %swap3A_1004 = arith.constant 3 : i32
      %swap3A_1005 = arith.index_cast %swap3A_1004 : i32 to index
      %swap3A_1006 = arith.constant 48 : index
      %swap3A_1007 = tpu.vector_load %arg7[%swap3A_1005, %swap3A_1006] {strides = array<i32>} : memref<4x128xi32, #tpu.memory_space<vmem>>, vector<1x16xi32>,
      %swap3A_1008 = vector.shape_cast %swap3A_1007 : vector<1x16xi32> to vector<16xi32>
      %swap3A_1009 = vector.shape_cast %add3A_1003 : vector<16xi32> to vector<1x16xi32>
      tpu.vector_store %arg7[%swap3A_1005, %swap3A_1006], %swap3A_1009 {strides = array<i32>} : memref<4x128xi32, #tpu.memory_space<vmem>>, vector<1x16xi32>,
      %add3A_1010 = arith.constant 64 : i32
      %add3A_1011 = vector.broadcast %add3A_1010 : i32 to vector<16xi32>
      %add3A_1012 = arith.addi %iota3A, %add3A_1011 : vector<16xi32>
      %mul3A_1013 = arith.constant 200 : i32
      %mul3A_1014 = vector.broadcast %mul3A_1013 : i32 to vector<16xi32>
      %mul3A_1015 = arith.muli %add3A_1012, %mul3A_1014 : vector<16xi32>
      %add3A_1016 = vector.broadcast %add3A_937 : i32 to vector<16xi32>
      %add3A_1017 = arith.addi %mul3A_1015, %add3A_1016 : vector<16xi32>
      %swap3A_1018 = arith.constant 3 : i32
      %swap3A_1019 = arith.index_cast %swap3A_1018 : i32 to index
      %swap3A_1020 = arith.constant 64 : index
      %swap3A_1021 = tpu.vector_load %arg7[%swap3A_1019, %swap3A_1020] {strides = array<i32>} : memref<4x128xi32, #tpu.memory_space<vmem>>, vector<1x16xi32>,
      %swap3A_1022 = vector.shape_cast %swap3A_1021 : vector<1x16xi32> to vector<16xi32>
      %swap3A_1023 = vector.shape_cast %add3A_1017 : vector<16xi32> to vector<1x16xi32>
      tpu.vector_store %arg7[%swap3A_1019, %swap3A_1020], %swap3A_1023 {strides = array<i32>} : memref<4x128xi32, #tpu.memory_space<vmem>>, vector<1x16xi32>,
      %add3A_1024 = arith.constant 80 : i32
      %add3A_1025 = vector.broadcast %add3A_1024 : i32 to vector<16xi32>
      %add3A_1026 = arith.addi %iota3A, %add3A_1025 : vector<16xi32>
      %mul3A_1027 = arith.constant 200 : i32
      %mul3A_1028 = vector.broadcast %mul3A_1027 : i32 to vector<16xi32>
      %mul3A_1029 = arith.muli %add3A_1026, %mul3A_1028 : vector<16xi32>
      %add3A_1030 = vector.broadcast %add3A_937 : i32 to vector<16xi32>
      %add3A_1031 = arith.addi %mul3A_1029, %add3A_1030 : vector<16xi32>
      %swap3A_1032 = arith.constant 3 : i32
      %swap3A_1033 = arith.index_cast %swap3A_1032 : i32 to index
      %swap3A_1034 = arith.constant 80 : index
      %swap3A_1035 = tpu.vector_load %arg7[%swap3A_1033, %swap3A_1034] {strides = array<i32>} : memref<4x128xi32, #tpu.memory_space<vmem>>, vector<1x16xi32>,
      %swap3A_1036 = vector.shape_cast %swap3A_1035 : vector<1x16xi32> to vector<16xi32>
      %swap3A_1037 = vector.shape_cast %add3A_1031 : vector<16xi32> to vector<1x16xi32>
      tpu.vector_store %arg7[%swap3A_1033, %swap3A_1034], %swap3A_1037 {strides = array<i32>} : memref<4x128xi32, #tpu.memory_space<vmem>>, vector<1x16xi32>,
      %add3A_1038 = arith.constant 96 : i32
      %add3A_1039 = vector.broadcast %add3A_1038 : i32 to vector<16xi32>
      %add3A_1040 = arith.addi %iota3A, %add3A_1039 : vector<16xi32>
      %mul3A_1041 = arith.constant 200 : i32
      %mul3A_1042 = vector.broadcast %mul3A_1041 : i32 to vector<16xi32>
      %mul3A_1043 = arith.muli %add3A_1040, %mul3A_1042 : vector<16xi32>
      %add3A_1044 = vector.broadcast %add3A_937 : i32 to vector<16xi32>
      %add3A_1045 = arith.addi %mul3A_1043, %add3A_1044 : vector<16xi32>
      %swap3A_1046 = arith.constant 3 : i32
      %swap3A_1047 = arith.index_cast %swap3A_1046 : i32 to index
      %swap3A_1048 = arith.constant 96 : index
      %swap3A_1049 = tpu.vector_load %arg7[%swap3A_1047, %swap3A_1048] {strides = array<i32>} : memref<4x128xi32, #tpu.memory_space<vmem>>, vector<1x16xi32>,
      %swap3A_1050 = vector.shape_cast %swap3A_1049 : vector<1x16xi32> to vector<16xi32>
      %swap3A_1051 = vector.shape_cast %add3A_1045 : vector<16xi32> to vector<1x16xi32>
      tpu.vector_store %arg7[%swap3A_1047, %swap3A_1048], %swap3A_1051 {strides = array<i32>} : memref<4x128xi32, #tpu.memory_space<vmem>>, vector<1x16xi32>,
      %add3A_1052 = arith.constant 112 : i32
      %add3A_1053 = vector.broadcast %add3A_1052 : i32 to vector<16xi32>
      %add3A_1054 = arith.addi %iota3A, %add3A_1053 : vector<16xi32>
      %mul3A_1055 = arith.constant 200 : i32
      %mul3A_1056 = vector.broadcast %mul3A_1055 : i32 to vector<16xi32>
      %mul3A_1057 = arith.muli %add3A_1054, %mul3A_1056 : vector<16xi32>
      %add3A_1058 = vector.broadcast %add3A_937 : i32 to vector<16xi32>
      %add3A_1059 = arith.addi %mul3A_1057, %add3A_1058 : vector<16xi32>
      %swap3A_1060 = arith.constant 3 : i32
      %swap3A_1061 = arith.index_cast %swap3A_1060 : i32 to index
      %swap3A_1062 = arith.constant 112 : index
      %swap3A_1063 = tpu.vector_load %arg7[%swap3A_1061, %swap3A_1062] {strides = array<i32>} : memref<4x128xi32, #tpu.memory_space<vmem>>, vector<1x16xi32>,
      %swap3A_1064 = vector.shape_cast %swap3A_1063 : vector<1x16xi32> to vector<16xi32>
      %swap3A_1065 = vector.shape_cast %add3A_1059 : vector<16xi32> to vector<1x16xi32>
      tpu.vector_store %arg7[%swap3A_1061, %swap3A_1062], %swap3A_1065 {strides = array<i32>} : memref<4x128xi32, #tpu.memory_space<vmem>>, vector<1x16xi32>,
      %scan3A_1066 = arith.constant 0 : i32
      %scan3A_1067 = arith.constant 0 : i32
      %scan3A_1068 = arith.constant 32 : i32
      %scan3A_1069 = arith.addi %scan3A_1067, %scan3A_1068 : i32
      %scan3A_1070 = arith.constant 1 : i32
      scf.for %scan3A_1470 = %scan3A_1067 to %scan3A_1069 step %scan3A_1070  : i32 {
        %mul3A_1471 = arith.constant 4 : i32
        %mul3A_1472 = arith.muli %scan3A_1470, %mul3A_1471 : i32
        %add3A_1473 = arith.constant 0 : i32
        %add3A_1474 = arith.addi %mul3A_1472, %add3A_1473 : i32
        %swap3A_1475 = arith.index_cast %add3A_1474 : i32 to index
        %swap3A_1476 = arith.constant 0 : index
        %swap3A_1477 = tpu.vector_load %arg11[%swap3A_1475, %swap3A_1476] {strides = array<i32>} : memref<128x64xf32, #tpu.memory_space<vmem>>, vector<1x16xf32>,
        %swap3A_1478 = vector.shape_cast %swap3A_1477 : vector<1x16xf32> to vector<16xf32>
        %swap3A_1479 = vector.shape_cast %get3A_941 : vector<16xf32> to vector<1x16xf32>
        tpu.vector_store %arg11[%swap3A_1475, %swap3A_1476], %swap3A_1479 {add = true, strides = array<i32>} : memref<128x64xf32, #tpu.memory_space<vmem>>, vector<1x16xf32>,
        %swap3A_1480 = arith.index_cast %add3A_1474 : i32 to index
        %swap3A_1481 = arith.constant 16 : index
        %swap3A_1482 = tpu.vector_load %arg11[%swap3A_1480, %swap3A_1481] {strides = array<i32>} : memref<128x64xf32, #tpu.memory_space<vmem>>, vector<1x16xf32>,
        %swap3A_1483 = vector.shape_cast %swap3A_1482 : vector<1x16xf32> to vector<16xf32>
        %swap3A_1484 = vector.shape_cast %get3A_945 : vector<16xf32> to vector<1x16xf32>
        tpu.vector_store %arg11[%swap3A_1480, %swap3A_1481], %swap3A_1484 {add = true, strides = array<i32>} : memref<128x64xf32, #tpu.memory_space<vmem>>, vector<1x16xf32>,
        %swap3A_1485 = arith.index_cast %add3A_1474 : i32 to index
        %swap3A_1486 = arith.constant 32 : index
        %swap3A_1487 = tpu.vector_load %arg11[%swap3A_1485, %swap3A_1486] {strides = array<i32>} : memref<128x64xf32, #tpu.memory_space<vmem>>, vector<1x16xf32>,
        %swap3A_1488 = vector.shape_cast %swap3A_1487 : vector<1x16xf32> to vector<16xf32>
        %swap3A_1489 = vector.shape_cast %get3A_949 : vector<16xf32> to vector<1x16xf32>
        tpu.vector_store %arg11[%swap3A_1485, %swap3A_1486], %swap3A_1489 {add = true, strides = array<i32>} : memref<128x64xf32, #tpu.memory_space<vmem>>, vector<1x16xf32>,
        %swap3A_1490 = arith.index_cast %add3A_1474 : i32 to index
        %swap3A_1491 = arith.constant 48 : index
        %swap3A_1492 = tpu.vector_load %arg11[%swap3A_1490, %swap3A_1491] {strides = array<i32>} : memref<128x64xf32, #tpu.memory_space<vmem>>, vector<1x16xf32>,
        %swap3A_1493 = vector.shape_cast %swap3A_1492 : vector<1x16xf32> to vector<16xf32>
        %swap3A_1494 = vector.shape_cast %get3A_953 : vector<16xf32> to vector<1x16xf32>
        tpu.vector_store %arg11[%swap3A_1490, %swap3A_1491], %swap3A_1494 {add = true, strides = array<i32>} : memref<128x64xf32, #tpu.memory_space<vmem>>, vector<1x16xf32>,
        %add3A_1495 = arith.constant 1 : i32
        %add3A_1496 = arith.addi %mul3A_1472, %add3A_1495 : i32
        %swap3A_1497 = arith.index_cast %add3A_1496 : i32 to index
        %swap3A_1498 = arith.constant 0 : index
        %swap3A_1499 = tpu.vector_load %arg11[%swap3A_1497, %swap3A_1498] {strides = array<i32>} : memref<128x64xf32, #tpu.memory_space<vmem>>, vector<1x16xf32>,
        %swap3A_1500 = vector.shape_cast %swap3A_1499 : vector<1x16xf32> to vector<16xf32>
        %swap3A_1501 = vector.shape_cast %get3A_941 : vector<16xf32> to vector<1x16xf32>
        tpu.vector_store %arg11[%swap3A_1497, %swap3A_1498], %swap3A_1501 {add = true, strides = array<i32>} : memref<128x64xf32, #tpu.memory_space<vmem>>, vector<1x16xf32>,
        %swap3A_1502 = arith.index_cast %add3A_1496 : i32 to index
        %swap3A_1503 = arith.constant 16 : index
        %swap3A_1504 = tpu.vector_load %arg11[%swap3A_1502, %swap3A_1503] {strides = array<i32>} : memref<128x64xf32, #tpu.memory_space<vmem>>, vector<1x16xf32>,
        %swap3A_1505 = vector.shape_cast %swap3A_1504 : vector<1x16xf32> to vector<16xf32>
        %swap3A_1506 = vector.shape_cast %get3A_945 : vector<16xf32> to vector<1x16xf32>
        tpu.vector_store %arg11[%swap3A_1502, %swap3A_1503], %swap3A_1506 {add = true, strides = array<i32>} : memref<128x64xf32, #tpu.memory_space<vmem>>, vector<1x16xf32>,
        %swap3A_1507 = arith.index_cast %add3A_1496 : i32 to index
        %swap3A_1508 = arith.constant 32 : index
        %swap3A_1509 = tpu.vector_load %arg11[%swap3A_1507, %swap3A_1508] {strides = array<i32>} : memref<128x64xf32, #tpu.memory_space<vmem>>, vector<1x16xf32>,
        %swap3A_1510 = vector.shape_cast %swap3A_1509 : vector<1x16xf32> to vector<16xf32>
        %swap3A_1511 = vector.shape_cast %get3A_949 : vector<16xf32> to vector<1x16xf32>
        tpu.vector_store %arg11[%swap3A_1507, %swap3A_1508], %swap3A_1511 {add = true, strides = array<i32>} : memref<128x64xf32, #tpu.memory_space<vmem>>, vector<1x16xf32>,
        %swap3A_1512 = arith.index_cast %add3A_1496 : i32 to index
        %swap3A_1513 = arith.constant 48 : index
        %swap3A_1514 = tpu.vector_load %arg11[%swap3A_1512, %swap3A_1513] {strides = array<i32>} : memref<128x64xf32, #tpu.memory_space<vmem>>, vector<1x16xf32>,
        %swap3A_1515 = vector.shape_cast %swap3A_1514 : vector<1x16xf32> to vector<16xf32>
        %swap3A_1516 = vector.shape_cast %get3A_953 : vector<16xf32> to vector<1x16xf32>
        tpu.vector_store %arg11[%swap3A_1512, %swap3A_1513], %swap3A_1516 {add = true, strides = array<i32>} : memref<128x64xf32, #tpu.memory_space<vmem>>, vector<1x16xf32>,
        %add3A_1517 = arith.constant 2 : i32
        %add3A_1518 = arith.addi %mul3A_1472, %add3A_1517 : i32
        %swap3A_1519 = arith.index_cast %add3A_1518 : i32 to index
        %swap3A_1520 = arith.constant 0 : index
        %swap3A_1521 = tpu.vector_load %arg11[%swap3A_1519, %swap3A_1520] {strides = array<i32>} : memref<128x64xf32, #tpu.memory_space<vmem>>, vector<1x16xf32>,
        %swap3A_1522 = vector.shape_cast %swap3A_1521 : vector<1x16xf32> to vector<16xf32>
        %swap3A_1523 = vector.shape_cast %get3A_941 : vector<16xf32> to vector<1x16xf32>
        tpu.vector_store %arg11[%swap3A_1519, %swap3A_1520], %swap3A_1523 {add = true, strides = array<i32>} : memref<128x64xf32, #tpu.memory_space<vmem>>, vector<1x16xf32>,
        %swap3A_1524 = arith.index_cast %add3A_1518 : i32 to index
        %swap3A_1525 = arith.constant 16 : index
        %swap3A_1526 = tpu.vector_load %arg11[%swap3A_1524, %swap3A_1525] {strides = array<i32>} : memref<128x64xf32, #tpu.memory_space<vmem>>, vector<1x16xf32>,
        %swap3A_1527 = vector.shape_cast %swap3A_1526 : vector<1x16xf32> to vector<16xf32>
        %swap3A_1528 = vector.shape_cast %get3A_945 : vector<16xf32> to vector<1x16xf32>
        tpu.vector_store %arg11[%swap3A_1524, %swap3A_1525], %swap3A_1528 {add = true, strides = array<i32>} : memref<128x64xf32, #tpu.memory_space<vmem>>, vector<1x16xf32>,
        %swap3A_1529 = arith.index_cast %add3A_1518 : i32 to index
        %swap3A_1530 = arith.constant 32 : index
        %swap3A_1531 = tpu.vector_load %arg11[%swap3A_1529, %swap3A_1530] {strides = array<i32>} : memref<128x64xf32, #tpu.memory_space<vmem>>, vector<1x16xf32>,
        %swap3A_1532 = vector.shape_cast %swap3A_1531 : vector<1x16xf32> to vector<16xf32>
        %swap3A_1533 = vector.shape_cast %get3A_949 : vector<16xf32> to vector<1x16xf32>
        tpu.vector_store %arg11[%swap3A_1529, %swap3A_1530], %swap3A_1533 {add = true, strides = array<i32>} : memref<128x64xf32, #tpu.memory_space<vmem>>, vector<1x16xf32>,
        %swap3A_1534 = arith.index_cast %add3A_1518 : i32 to index
        %swap3A_1535 = arith.constant 48 : index
        %swap3A_1536 = tpu.vector_load %arg11[%swap3A_1534, %swap3A_1535] {strides = array<i32>} : memref<128x64xf32, #tpu.memory_space<vmem>>, vector<1x16xf32>,
        %swap3A_1537 = vector.shape_cast %swap3A_1536 : vector<1x16xf32> to vector<16xf32>
        %swap3A_1538 = vector.shape_cast %get3A_953 : vector<16xf32> to vector<1x16xf32>
        tpu.vector_store %arg11[%swap3A_1534, %swap3A_1535], %swap3A_1538 {add = true, strides = array<i32>} : memref<128x64xf32, #tpu.memory_space<vmem>>, vector<1x16xf32>,
        %add3A_1539 = arith.constant 3 : i32
        %add3A_1540 = arith.addi %mul3A_1472, %add3A_1539 : i32
        %swap3A_1541 = arith.index_cast %add3A_1540 : i32 to index
        %swap3A_1542 = arith.constant 0 : index
        %swap3A_1543 = tpu.vector_load %arg11[%swap3A_1541, %swap3A_1542] {strides = array<i32>} : memref<128x64xf32, #tpu.memory_space<vmem>>, vector<1x16xf32>,
        %swap3A_1544 = vector.shape_cast %swap3A_1543 : vector<1x16xf32> to vector<16xf32>
        %swap3A_1545 = vector.shape_cast %get3A_941 : vector<16xf32> to vector<1x16xf32>
        tpu.vector_store %arg11[%swap3A_1541, %swap3A_1542], %swap3A_1545 {add = true, strides = array<i32>} : memref<128x64xf32, #tpu.memory_space<vmem>>, vector<1x16xf32>,
        %swap3A_1546 = arith.index_cast %add3A_1540 : i32 to index
        %swap3A_1547 = arith.constant 16 : index
        %swap3A_1548 = tpu.vector_load %arg11[%swap3A_1546, %swap3A_1547] {strides = array<i32>} : memref<128x64xf32, #tpu.memory_space<vmem>>, vector<1x16xf32>,
        %swap3A_1549 = vector.shape_cast %swap3A_1548 : vector<1x16xf32> to vector<16xf32>
        %swap3A_1550 = vector.shape_cast %get3A_945 : vector<16xf32> to vector<1x16xf32>
        tpu.vector_store %arg11[%swap3A_1546, %swap3A_1547], %swap3A_1550 {add = true, strides = array<i32>} : memref<128x64xf32, #tpu.memory_space<vmem>>, vector<1x16xf32>,
        %swap3A_1551 = arith.index_cast %add3A_1540 : i32 to index
        %swap3A_1552 = arith.constant 32 : index
        %swap3A_1553 = tpu.vector_load %arg11[%swap3A_1551, %swap3A_1552] {strides = array<i32>} : memref<128x64xf32, #tpu.memory_space<vmem>>, vector<1x16xf32>,
        %swap3A_1554 = vector.shape_cast %swap3A_1553 : vector<1x16xf32> to vector<16xf32>
        %swap3A_1555 = vector.shape_cast %get3A_949 : vector<16xf32> to vector<1x16xf32>
        tpu.vector_store %arg11[%swap3A_1551, %swap3A_1552], %swap3A_1555 {add = true, strides = array<i32>} : memref<128x64xf32, #tpu.memory_space<vmem>>, vector<1x16xf32>,
        %swap3A_1556 = arith.index_cast %add3A_1540 : i32 to index
        %swap3A_1557 = arith.constant 48 : index
        %swap3A_1558 = tpu.vector_load %arg11[%swap3A_1556, %swap3A_1557] {strides = array<i32>} : memref<128x64xf32, #tpu.memory_space<vmem>>, vector<1x16xf32>,
        %swap3A_1559 = vector.shape_cast %swap3A_1558 : vector<1x16xf32> to vector<16xf32>
        %swap3A_1560 = vector.shape_cast %get3A_953 : vector<16xf32> to vector<1x16xf32>
        tpu.vector_store %arg11[%swap3A_1556, %swap3A_1557], %swap3A_1560 {add = true, strides = array<i32>} : memref<128x64xf32, #tpu.memory_space<vmem>>, vector<1x16xf32>,
      }
      %scan3A_1071 = arith.constant 32 : i32
      %dma_start3A_1072 = arith.constant 3 : i32
      %dma_start3A_1073 = arith.constant 0 : i32
      %dma_start3A_1074 = tpu.memref_slice %arg7[%dma_start3A_1072, %dma_start3A_1073] : memref<4x128xi32, #tpu.memory_space<vmem>> -> memref<1x128xi32, #tpu.memory_space<vmem>>
      %dma_start3A_1075 = tpu.memref_squeeze %dma_start3A_1074 : memref<1x128xi32, #tpu.memory_space<vmem>> -> memref<128xi32, #tpu.memory_space<vmem>>
      %dma_start3A_1076 = arith.constant 0 : i32
      %dma_start3A_1077 = arith.constant 0 : i32
      %dma_start3A_1078 = tpu.memref_slice %arg5[%dma_start3A_1076, %dma_start3A_1077] : memref<819200x64xf32, #tpu.memory_space<hbm>> -> memref<819200x64xf32, #tpu.memory_space<hbm>>
      tpu.enqueue_indirect_dma source(%arg11 : memref<128x64xf32, #tpu.memory_space<vmem>>) target(%dma_start3A_1078 : memref<819200x64xf32, #tpu.memory_space<hbm>>) offsets(%dma_start3A_1075 : memref<128xi32, #tpu.memory_space<vmem>>) semaphore(%arg20 : memref<!tpu.dma_semaphore, #tpu.memory_space<semaphore_mem>>)
      %sub3A_1079 = arith.constant 2 : i32
      %sub3A_1080 = arith.subi %add3A_914, %sub3A_1079 : i32
      %dma_wait3A_1081 = arith.constant 1 : i32
      %dma_wait3A_1082 = arith.constant 0 : i32
      %dma_wait3A_1083 = tpu.memref_slice %arg7[%dma_wait3A_1081, %dma_wait3A_1082] : memref<4x128xi32, #tpu.memory_space<vmem>> -> memref<1x128xi32, #tpu.memory_space<vmem>>
      %dma_wait3A_1084 = tpu.memref_squeeze %dma_wait3A_1083 : memref<1x128xi32, #tpu.memory_space<vmem>> -> memref<128xi32, #tpu.memory_space<vmem>>
      %dma_wait3A_1085 = arith.constant 0 : i32
      %dma_wait3A_1086 = arith.constant 0 : i32
      %dma_wait3A_1087 = tpu.memref_slice %arg5[%dma_wait3A_1085, %dma_wait3A_1086] : memref<819200x64xf32, #tpu.memory_space<hbm>> -> memref<819200x64xf32, #tpu.memory_space<hbm>>
      tpu.wait_indirect_dma semaphore(%arg18 : memref<!tpu.dma_semaphore, #tpu.memory_space<semaphore_mem>>) src(%arg9 : memref<128x64xf32, #tpu.memory_space<vmem>>) dst(%dma_wait3A_1087 : memref<819200x64xf32, #tpu.memory_space<hbm>>)
      %add3A_1088 = arith.constant 2 : i32
      %add3A_1089 = arith.addi %add3A_914, %add3A_1088 : i32
      %dma_start3A_1090 = arith.constant 0 : i32
      %dma_start3A_1091 = tpu.memref_slice %arg6[%add3A_1089, %dma_start3A_1090] : memref<200x128xi32, #tpu.memory_space<vmem>> -> memref<1x128xi32, #tpu.memory_space<vmem>>
      %dma_start3A_1092 = tpu.memref_squeeze %dma_start3A_1091 : memref<1x128xi32, #tpu.memory_space<vmem>> -> memref<128xi32, #tpu.memory_space<vmem>>
      %dma_start3A_1093 = arith.constant 0 : i32
      %dma_start3A_1094 = arith.constant 0 : i32
      %dma_start3A_1095 = tpu.memref_slice %arg3[%dma_start3A_1093, %dma_start3A_1094] : memref<1000000x64xf32, #tpu.memory_space<hbm>> -> memref<1000000x64xf32, #tpu.memory_space<hbm>>
      tpu.enqueue_indirect_dma source(%dma_start3A_1095 : memref<1000000x64xf32, #tpu.memory_space<hbm>>) target(%arg9 : memref<128x64xf32, #tpu.memory_space<vmem>>) offsets(%dma_start3A_1092 : memref<128xi32, #tpu.memory_space<vmem>>) semaphore(%arg14 : memref<!tpu.dma_semaphore, #tpu.memory_space<semaphore_mem>>)
      %mul3A_1096 = arith.constant 4 : i32
      %mul3A_1097 = arith.muli %scan3A_722, %mul3A_1096 : i32
      %add3A_1098 = arith.constant 2 : i32
      %add3A_1099 = arith.addi %add3A_1098, %mul3A_1097 : i32
      %add3A_1100 = arith.constant 2 : i32
      %add3A_1101 = arith.addi %add3A_1099, %add3A_1100 : i32
      %dma_wait3A_1102 = arith.constant 0 : i32
      %dma_wait3A_1103 = tpu.memref_slice %arg6[%add3A_1101, %dma_wait3A_1102] : memref<200x128xi32, #tpu.memory_space<vmem>> -> memref<1x128xi32, #tpu.memory_space<vmem>>
      %dma_wait3A_1104 = tpu.memref_squeeze %dma_wait3A_1103 : memref<1x128xi32, #tpu.memory_space<vmem>> -> memref<128xi32, #tpu.memory_space<vmem>>
      %dma_wait3A_1105 = arith.constant 0 : i32
      %dma_wait3A_1106 = arith.constant 0 : i32
      %dma_wait3A_1107 = tpu.memref_slice %arg3[%dma_wait3A_1105, %dma_wait3A_1106] : memref<1000000x64xf32, #tpu.memory_space<hbm>> -> memref<1000000x64xf32, #tpu.memory_space<hbm>>
      tpu.wait_indirect_dma semaphore(%arg13 : memref<!tpu.dma_semaphore, #tpu.memory_space<semaphore_mem>>) src(%dma_wait3A_1107 : memref<1000000x64xf32, #tpu.memory_space<hbm>>) dst(%arg8 : memref<128x64xf32, #tpu.memory_space<vmem>>)
      %add3A_1108 = arith.addi %mul3A_2, %add3A_1101 : i32
      %shift_right_logical3A_1109 = arith.constant 8 : i32
      %shift_right_logical3A_1110 = arith.shrui %add3A_1108, %shift_right_logical3A_1109 : i32
      %mul3A_1111 = arith.constant 8 : i32
      %mul3A_1112 = arith.muli %shift_right_logical3A_1110, %mul3A_1111 : i32
      %and3A_1113 = arith.constant 7 : i32
      %and3A_1114 = arith.andi %add3A_1108, %and3A_1113 : i32
      %add3A_1115 = arith.addi %mul3A_1112, %and3A_1114 : i32
      %shift_right_logical3A_1116 = arith.constant 3 : i32
      %shift_right_logical3A_1117 = arith.shrui %add3A_1108, %shift_right_logical3A_1116 : i32
      %and3A_1118 = arith.constant 31 : i32
      %and3A_1119 = arith.andi %shift_right_logical3A_1117, %and3A_1118 : i32
      %mul3A_1120 = arith.constant 128 : i32
      %mul3A_1121 = arith.muli %and3A_1119, %mul3A_1120 : i32
      %mul3A_1122 = arith.constant 200 : i32
      %mul3A_1123 = arith.muli %mul3A_1121, %mul3A_1122 : i32
      %add3A_1124 = arith.addi %mul3A_1123, %add3A_1115 : i32
      %get3A_1125 = arith.index_cast %add3A_1115 : i32 to index
      %get3A_1126 = arith.constant 0 : index
      %get3A_1127 = tpu.vector_load %arg12[%get3A_1125, %get3A_1126] {strides = array<i32>} : memref<200x64xf32, #tpu.memory_space<vmem>>, vector<1x16xf32>,
      %get3A_1128 = vector.shape_cast %get3A_1127 : vector<1x16xf32> to vector<16xf32>
      %get3A_1129 = arith.index_cast %add3A_1115 : i32 to index
      %get3A_1130 = arith.constant 16 : index
      %get3A_1131 = tpu.vector_load %arg12[%get3A_1129, %get3A_1130] {strides = array<i32>} : memref<200x64xf32, #tpu.memory_space<vmem>>, vector<1x16xf32>,
      %get3A_1132 = vector.shape_cast %get3A_1131 : vector<1x16xf32> to vector<16xf32>
      %get3A_1133 = arith.index_cast %add3A_1115 : i32 to index
      %get3A_1134 = arith.constant 32 : index
      %get3A_1135 = tpu.vector_load %arg12[%get3A_1133, %get3A_1134] {strides = array<i32>} : memref<200x64xf32, #tpu.memory_space<vmem>>, vector<1x16xf32>,
      %get3A_1136 = vector.shape_cast %get3A_1135 : vector<1x16xf32> to vector<16xf32>
      %get3A_1137 = arith.index_cast %add3A_1115 : i32 to index
      %get3A_1138 = arith.constant 48 : index
      %get3A_1139 = tpu.vector_load %arg12[%get3A_1137, %get3A_1138] {strides = array<i32>} : memref<200x64xf32, #tpu.memory_space<vmem>>, vector<1x16xf32>,
      %get3A_1140 = vector.shape_cast %get3A_1139 : vector<1x16xf32> to vector<16xf32>
      %add3A_1141 = arith.constant 0 : i32
      %add3A_1142 = vector.broadcast %add3A_1141 : i32 to vector<16xi32>
      %add3A_1143 = arith.addi %iota3A, %add3A_1142 : vector<16xi32>
      %mul3A_1144 = arith.constant 200 : i32
      %mul3A_1145 = vector.broadcast %mul3A_1144 : i32 to vector<16xi32>
      %mul3A_1146 = arith.muli %add3A_1143, %mul3A_1145 : vector<16xi32>
      %add3A_1147 = vector.broadcast %add3A_1124 : i32 to vector<16xi32>
      %add3A_1148 = arith.addi %mul3A_1146, %add3A_1147 : vector<16xi32>
      %swap3A_1149 = arith.constant 0 : i32
      %swap3A_1150 = arith.index_cast %swap3A_1149 : i32 to index
      %swap3A_1151 = arith.constant 0 : index
      %swap3A_1152 = tpu.vector_load %arg7[%swap3A_1150, %swap3A_1151] {strides = array<i32>} : memref<4x128xi32, #tpu.memory_space<vmem>>, vector<1x16xi32>,
      %swap3A_1153 = vector.shape_cast %swap3A_1152 : vector<1x16xi32> to vector<16xi32>
      %swap3A_1154 = vector.shape_cast %add3A_1148 : vector<16xi32> to vector<1x16xi32>
      tpu.vector_store %arg7[%swap3A_1150, %swap3A_1151], %swap3A_1154 {strides = array<i32>} : memref<4x128xi32, #tpu.memory_space<vmem>>, vector<1x16xi32>,
      %add3A_1155 = arith.constant 16 : i32
      %add3A_1156 = vector.broadcast %add3A_1155 : i32 to vector<16xi32>
      %add3A_1157 = arith.addi %iota3A, %add3A_1156 : vector<16xi32>
      %mul3A_1158 = arith.constant 200 : i32
      %mul3A_1159 = vector.broadcast %mul3A_1158 : i32 to vector<16xi32>
      %mul3A_1160 = arith.muli %add3A_1157, %mul3A_1159 : vector<16xi32>
      %add3A_1161 = vector.broadcast %add3A_1124 : i32 to vector<16xi32>
      %add3A_1162 = arith.addi %mul3A_1160, %add3A_1161 : vector<16xi32>
      %swap3A_1163 = arith.constant 0 : i32
      %swap3A_1164 = arith.index_cast %swap3A_1163 : i32 to index
      %swap3A_1165 = arith.constant 16 : index
      %swap3A_1166 = tpu.vector_load %arg7[%swap3A_1164, %swap3A_1165] {strides = array<i32>} : memref<4x128xi32, #tpu.memory_space<vmem>>, vector<1x16xi32>,
      %swap3A_1167 = vector.shape_cast %swap3A_1166 : vector<1x16xi32> to vector<16xi32>
      %swap3A_1168 = vector.shape_cast %add3A_1162 : vector<16xi32> to vector<1x16xi32>
      tpu.vector_store %arg7[%swap3A_1164, %swap3A_1165], %swap3A_1168 {strides = array<i32>} : memref<4x128xi32, #tpu.memory_space<vmem>>, vector<1x16xi32>,
      %add3A_1169 = arith.constant 32 : i32
      %add3A_1170 = vector.broadcast %add3A_1169 : i32 to vector<16xi32>
      %add3A_1171 = arith.addi %iota3A, %add3A_1170 : vector<16xi32>
      %mul3A_1172 = arith.constant 200 : i32
      %mul3A_1173 = vector.broadcast %mul3A_1172 : i32 to vector<16xi32>
      %mul3A_1174 = arith.muli %add3A_1171, %mul3A_1173 : vector<16xi32>
      %add3A_1175 = vector.broadcast %add3A_1124 : i32 to vector<16xi32>
      %add3A_1176 = arith.addi %mul3A_1174, %add3A_1175 : vector<16xi32>
      %swap3A_1177 = arith.constant 0 : i32
      %swap3A_1178 = arith.index_cast %swap3A_1177 : i32 to index
      %swap3A_1179 = arith.constant 32 : index
      %swap3A_1180 = tpu.vector_load %arg7[%swap3A_1178, %swap3A_1179] {strides = array<i32>} : memref<4x128xi32, #tpu.memory_space<vmem>>, vector<1x16xi32>,
      %swap3A_1181 = vector.shape_cast %swap3A_1180 : vector<1x16xi32> to vector<16xi32>
      %swap3A_1182 = vector.shape_cast %add3A_1176 : vector<16xi32> to vector<1x16xi32>
      tpu.vector_store %arg7[%swap3A_1178, %swap3A_1179], %swap3A_1182 {strides = array<i32>} : memref<4x128xi32, #tpu.memory_space<vmem>>, vector<1x16xi32>,
      %add3A_1183 = arith.constant 48 : i32
      %add3A_1184 = vector.broadcast %add3A_1183 : i32 to vector<16xi32>
      %add3A_1185 = arith.addi %iota3A, %add3A_1184 : vector<16xi32>
      %mul3A_1186 = arith.constant 200 : i32
      %mul3A_1187 = vector.broadcast %mul3A_1186 : i32 to vector<16xi32>
      %mul3A_1188 = arith.muli %add3A_1185, %mul3A_1187 : vector<16xi32>
      %add3A_1189 = vector.broadcast %add3A_1124 : i32 to vector<16xi32>
      %add3A_1190 = arith.addi %mul3A_1188, %add3A_1189 : vector<16xi32>
      %swap3A_1191 = arith.constant 0 : i32
      %swap3A_1192 = arith.index_cast %swap3A_1191 : i32 to index
      %swap3A_1193 = arith.constant 48 : index
      %swap3A_1194 = tpu.vector_load %arg7[%swap3A_1192, %swap3A_1193] {strides = array<i32>} : memref<4x128xi32, #tpu.memory_space<vmem>>, vector<1x16xi32>,
      %swap3A_1195 = vector.shape_cast %swap3A_1194 : vector<1x16xi32> to vector<16xi32>
      %swap3A_1196 = vector.shape_cast %add3A_1190 : vector<16xi32> to vector<1x16xi32>
      tpu.vector_store %arg7[%swap3A_1192, %swap3A_1193], %swap3A_1196 {strides = array<i32>} : memref<4x128xi32, #tpu.memory_space<vmem>>, vector<1x16xi32>,
      %add3A_1197 = arith.constant 64 : i32
      %add3A_1198 = vector.broadcast %add3A_1197 : i32 to vector<16xi32>
      %add3A_1199 = arith.addi %iota3A, %add3A_1198 : vector<16xi32>
      %mul3A_1200 = arith.constant 200 : i32
      %mul3A_1201 = vector.broadcast %mul3A_1200 : i32 to vector<16xi32>
      %mul3A_1202 = arith.muli %add3A_1199, %mul3A_1201 : vector<16xi32>
      %add3A_1203 = vector.broadcast %add3A_1124 : i32 to vector<16xi32>
      %add3A_1204 = arith.addi %mul3A_1202, %add3A_1203 : vector<16xi32>
      %swap3A_1205 = arith.constant 0 : i32
      %swap3A_1206 = arith.index_cast %swap3A_1205 : i32 to index
      %swap3A_1207 = arith.constant 64 : index
      %swap3A_1208 = tpu.vector_load %arg7[%swap3A_1206, %swap3A_1207] {strides = array<i32>} : memref<4x128xi32, #tpu.memory_space<vmem>>, vector<1x16xi32>,
      %swap3A_1209 = vector.shape_cast %swap3A_1208 : vector<1x16xi32> to vector<16xi32>
      %swap3A_1210 = vector.shape_cast %add3A_1204 : vector<16xi32> to vector<1x16xi32>
      tpu.vector_store %arg7[%swap3A_1206, %swap3A_1207], %swap3A_1210 {strides = array<i32>} : memref<4x128xi32, #tpu.memory_space<vmem>>, vector<1x16xi32>,
      %add3A_1211 = arith.constant 80 : i32
      %add3A_1212 = vector.broadcast %add3A_1211 : i32 to vector<16xi32>
      %add3A_1213 = arith.addi %iota3A, %add3A_1212 : vector<16xi32>
      %mul3A_1214 = arith.constant 200 : i32
      %mul3A_1215 = vector.broadcast %mul3A_1214 : i32 to vector<16xi32>
      %mul3A_1216 = arith.muli %add3A_1213, %mul3A_1215 : vector<16xi32>
      %add3A_1217 = vector.broadcast %add3A_1124 : i32 to vector<16xi32>
      %add3A_1218 = arith.addi %mul3A_1216, %add3A_1217 : vector<16xi32>
      %swap3A_1219 = arith.constant 0 : i32
      %swap3A_1220 = arith.index_cast %swap3A_1219 : i32 to index
      %swap3A_1221 = arith.constant 80 : index
      %swap3A_1222 = tpu.vector_load %arg7[%swap3A_1220, %swap3A_1221] {strides = array<i32>} : memref<4x128xi32, #tpu.memory_space<vmem>>, vector<1x16xi32>,
      %swap3A_1223 = vector.shape_cast %swap3A_1222 : vector<1x16xi32> to vector<16xi32>
      %swap3A_1224 = vector.shape_cast %add3A_1218 : vector<16xi32> to vector<1x16xi32>
      tpu.vector_store %arg7[%swap3A_1220, %swap3A_1221], %swap3A_1224 {strides = array<i32>} : memref<4x128xi32, #tpu.memory_space<vmem>>, vector<1x16xi32>,
      %add3A_1225 = arith.constant 96 : i32
      %add3A_1226 = vector.broadcast %add3A_1225 : i32 to vector<16xi32>
      %add3A_1227 = arith.addi %iota3A, %add3A_1226 : vector<16xi32>
      %mul3A_1228 = arith.constant 200 : i32
      %mul3A_1229 = vector.broadcast %mul3A_1228 : i32 to vector<16xi32>
      %mul3A_1230 = arith.muli %add3A_1227, %mul3A_1229 : vector<16xi32>
      %add3A_1231 = vector.broadcast %add3A_1124 : i32 to vector<16xi32>
      %add3A_1232 = arith.addi %mul3A_1230, %add3A_1231 : vector<16xi32>
      %swap3A_1233 = arith.constant 0 : i32
      %swap3A_1234 = arith.index_cast %swap3A_1233 : i32 to index
      %swap3A_1235 = arith.constant 96 : index
      %swap3A_1236 = tpu.vector_load %arg7[%swap3A_1234, %swap3A_1235] {strides = array<i32>} : memref<4x128xi32, #tpu.memory_space<vmem>>, vector<1x16xi32>,
      %swap3A_1237 = vector.shape_cast %swap3A_1236 : vector<1x16xi32> to vector<16xi32>
      %swap3A_1238 = vector.shape_cast %add3A_1232 : vector<16xi32> to vector<1x16xi32>
      tpu.vector_store %arg7[%swap3A_1234, %swap3A_1235], %swap3A_1238 {strides = array<i32>} : memref<4x128xi32, #tpu.memory_space<vmem>>, vector<1x16xi32>,
      %add3A_1239 = arith.constant 112 : i32
      %add3A_1240 = vector.broadcast %add3A_1239 : i32 to vector<16xi32>
      %add3A_1241 = arith.addi %iota3A, %add3A_1240 : vector<16xi32>
      %mul3A_1242 = arith.constant 200 : i32
      %mul3A_1243 = vector.broadcast %mul3A_1242 : i32 to vector<16xi32>
      %mul3A_1244 = arith.muli %add3A_1241, %mul3A_1243 : vector<16xi32>
      %add3A_1245 = vector.broadcast %add3A_1124 : i32 to vector<16xi32>
      %add3A_1246 = arith.addi %mul3A_1244, %add3A_1245 : vector<16xi32>
      %swap3A_1247 = arith.constant 0 : i32
      %swap3A_1248 = arith.index_cast %swap3A_1247 : i32 to index
      %swap3A_1249 = arith.constant 112 : index
      %swap3A_1250 = tpu.vector_load %arg7[%swap3A_1248, %swap3A_1249] {strides = array<i32>} : memref<4x128xi32, #tpu.memory_space<vmem>>, vector<1x16xi32>,
      %swap3A_1251 = vector.shape_cast %swap3A_1250 : vector<1x16xi32> to vector<16xi32>
      %swap3A_1252 = vector.shape_cast %add3A_1246 : vector<16xi32> to vector<1x16xi32>
      tpu.vector_store %arg7[%swap3A_1248, %swap3A_1249], %swap3A_1252 {strides = array<i32>} : memref<4x128xi32, #tpu.memory_space<vmem>>, vector<1x16xi32>,
      %scan3A_1253 = arith.constant 0 : i32
      %scan3A_1254 = arith.constant 0 : i32
      %scan3A_1255 = arith.constant 32 : i32
      %scan3A_1256 = arith.addi %scan3A_1254, %scan3A_1255 : i32
      %scan3A_1257 = arith.constant 1 : i32
      scf.for %scan3A_1470 = %scan3A_1254 to %scan3A_1256 step %scan3A_1257  : i32 {
        %mul3A_1471 = arith.constant 4 : i32
        %mul3A_1472 = arith.muli %scan3A_1470, %mul3A_1471 : i32
        %add3A_1473 = arith.constant 0 : i32
        %add3A_1474 = arith.addi %mul3A_1472, %add3A_1473 : i32
        %swap3A_1475 = arith.index_cast %add3A_1474 : i32 to index
        %swap3A_1476 = arith.constant 0 : index
        %swap3A_1477 = tpu.vector_load %arg8[%swap3A_1475, %swap3A_1476] {strides = array<i32>} : memref<128x64xf32, #tpu.memory_space<vmem>>, vector<1x16xf32>,
        %swap3A_1478 = vector.shape_cast %swap3A_1477 : vector<1x16xf32> to vector<16xf32>
        %swap3A_1479 = vector.shape_cast %get3A_1128 : vector<16xf32> to vector<1x16xf32>
        tpu.vector_store %arg8[%swap3A_1475, %swap3A_1476], %swap3A_1479 {add = true, strides = array<i32>} : memref<128x64xf32, #tpu.memory_space<vmem>>, vector<1x16xf32>,
        %swap3A_1480 = arith.index_cast %add3A_1474 : i32 to index
        %swap3A_1481 = arith.constant 16 : index
        %swap3A_1482 = tpu.vector_load %arg8[%swap3A_1480, %swap3A_1481] {strides = array<i32>} : memref<128x64xf32, #tpu.memory_space<vmem>>, vector<1x16xf32>,
        %swap3A_1483 = vector.shape_cast %swap3A_1482 : vector<1x16xf32> to vector<16xf32>
        %swap3A_1484 = vector.shape_cast %get3A_1132 : vector<16xf32> to vector<1x16xf32>
        tpu.vector_store %arg8[%swap3A_1480, %swap3A_1481], %swap3A_1484 {add = true, strides = array<i32>} : memref<128x64xf32, #tpu.memory_space<vmem>>, vector<1x16xf32>,
        %swap3A_1485 = arith.index_cast %add3A_1474 : i32 to index
        %swap3A_1486 = arith.constant 32 : index
        %swap3A_1487 = tpu.vector_load %arg8[%swap3A_1485, %swap3A_1486] {strides = array<i32>} : memref<128x64xf32, #tpu.memory_space<vmem>>, vector<1x16xf32>,
        %swap3A_1488 = vector.shape_cast %swap3A_1487 : vector<1x16xf32> to vector<16xf32>
        %swap3A_1489 = vector.shape_cast %get3A_1136 : vector<16xf32> to vector<1x16xf32>
        tpu.vector_store %arg8[%swap3A_1485, %swap3A_1486], %swap3A_1489 {add = true, strides = array<i32>} : memref<128x64xf32, #tpu.memory_space<vmem>>, vector<1x16xf32>,
        %swap3A_1490 = arith.index_cast %add3A_1474 : i32 to index
        %swap3A_1491 = arith.constant 48 : index
        %swap3A_1492 = tpu.vector_load %arg8[%swap3A_1490, %swap3A_1491] {strides = array<i32>} : memref<128x64xf32, #tpu.memory_space<vmem>>, vector<1x16xf32>,
        %swap3A_1493 = vector.shape_cast %swap3A_1492 : vector<1x16xf32> to vector<16xf32>
        %swap3A_1494 = vector.shape_cast %get3A_1140 : vector<16xf32> to vector<1x16xf32>
        tpu.vector_store %arg8[%swap3A_1490, %swap3A_1491], %swap3A_1494 {add = true, strides = array<i32>} : memref<128x64xf32, #tpu.memory_space<vmem>>, vector<1x16xf32>,
        %add3A_1495 = arith.constant 1 : i32
        %add3A_1496 = arith.addi %mul3A_1472, %add3A_1495 : i32
        %swap3A_1497 = arith.index_cast %add3A_1496 : i32 to index
        %swap3A_1498 = arith.constant 0 : index
        %swap3A_1499 = tpu.vector_load %arg8[%swap3A_1497, %swap3A_1498] {strides = array<i32>} : memref<128x64xf32, #tpu.memory_space<vmem>>, vector<1x16xf32>,
        %swap3A_1500 = vector.shape_cast %swap3A_1499 : vector<1x16xf32> to vector<16xf32>
        %swap3A_1501 = vector.shape_cast %get3A_1128 : vector<16xf32> to vector<1x16xf32>
        tpu.vector_store %arg8[%swap3A_1497, %swap3A_1498], %swap3A_1501 {add = true, strides = array<i32>} : memref<128x64xf32, #tpu.memory_space<vmem>>, vector<1x16xf32>,
        %swap3A_1502 = arith.index_cast %add3A_1496 : i32 to index
        %swap3A_1503 = arith.constant 16 : index
        %swap3A_1504 = tpu.vector_load %arg8[%swap3A_1502, %swap3A_1503] {strides = array<i32>} : memref<128x64xf32, #tpu.memory_space<vmem>>, vector<1x16xf32>,
        %swap3A_1505 = vector.shape_cast %swap3A_1504 : vector<1x16xf32> to vector<16xf32>
        %swap3A_1506 = vector.shape_cast %get3A_1132 : vector<16xf32> to vector<1x16xf32>
        tpu.vector_store %arg8[%swap3A_1502, %swap3A_1503], %swap3A_1506 {add = true, strides = array<i32>} : memref<128x64xf32, #tpu.memory_space<vmem>>, vector<1x16xf32>,
        %swap3A_1507 = arith.index_cast %add3A_1496 : i32 to index
        %swap3A_1508 = arith.constant 32 : index
        %swap3A_1509 = tpu.vector_load %arg8[%swap3A_1507, %swap3A_1508] {strides = array<i32>} : memref<128x64xf32, #tpu.memory_space<vmem>>, vector<1x16xf32>,
        %swap3A_1510 = vector.shape_cast %swap3A_1509 : vector<1x16xf32> to vector<16xf32>
        %swap3A_1511 = vector.shape_cast %get3A_1136 : vector<16xf32> to vector<1x16xf32>
        tpu.vector_store %arg8[%swap3A_1507, %swap3A_1508], %swap3A_1511 {add = true, strides = array<i32>} : memref<128x64xf32, #tpu.memory_space<vmem>>, vector<1x16xf32>,
        %swap3A_1512 = arith.index_cast %add3A_1496 : i32 to index
        %swap3A_1513 = arith.constant 48 : index
        %swap3A_1514 = tpu.vector_load %arg8[%swap3A_1512, %swap3A_1513] {strides = array<i32>} : memref<128x64xf32, #tpu.memory_space<vmem>>, vector<1x16xf32>,
        %swap3A_1515 = vector.shape_cast %swap3A_1514 : vector<1x16xf32> to vector<16xf32>
        %swap3A_1516 = vector.shape_cast %get3A_1140 : vector<16xf32> to vector<1x16xf32>
        tpu.vector_store %arg8[%swap3A_1512, %swap3A_1513], %swap3A_1516 {add = true, strides = array<i32>} : memref<128x64xf32, #tpu.memory_space<vmem>>, vector<1x16xf32>,
        %add3A_1517 = arith.constant 2 : i32
        %add3A_1518 = arith.addi %mul3A_1472, %add3A_1517 : i32
        %swap3A_1519 = arith.index_cast %add3A_1518 : i32 to index
        %swap3A_1520 = arith.constant 0 : index
        %swap3A_1521 = tpu.vector_load %arg8[%swap3A_1519, %swap3A_1520] {strides = array<i32>} : memref<128x64xf32, #tpu.memory_space<vmem>>, vector<1x16xf32>,
        %swap3A_1522 = vector.shape_cast %swap3A_1521 : vector<1x16xf32> to vector<16xf32>
        %swap3A_1523 = vector.shape_cast %get3A_1128 : vector<16xf32> to vector<1x16xf32>
        tpu.vector_store %arg8[%swap3A_1519, %swap3A_1520], %swap3A_1523 {add = true, strides = array<i32>} : memref<128x64xf32, #tpu.memory_space<vmem>>, vector<1x16xf32>,
        %swap3A_1524 = arith.index_cast %add3A_1518 : i32 to index
        %swap3A_1525 = arith.constant 16 : index
        %swap3A_1526 = tpu.vector_load %arg8[%swap3A_1524, %swap3A_1525] {strides = array<i32>} : memref<128x64xf32, #tpu.memory_space<vmem>>, vector<1x16xf32>,
        %swap3A_1527 = vector.shape_cast %swap3A_1526 : vector<1x16xf32> to vector<16xf32>
        %swap3A_1528 = vector.shape_cast %get3A_1132 : vector<16xf32> to vector<1x16xf32>
        tpu.vector_store %arg8[%swap3A_1524, %swap3A_1525], %swap3A_1528 {add = true, strides = array<i32>} : memref<128x64xf32, #tpu.memory_space<vmem>>, vector<1x16xf32>,
        %swap3A_1529 = arith.index_cast %add3A_1518 : i32 to index
        %swap3A_1530 = arith.constant 32 : index
        %swap3A_1531 = tpu.vector_load %arg8[%swap3A_1529, %swap3A_1530] {strides = array<i32>} : memref<128x64xf32, #tpu.memory_space<vmem>>, vector<1x16xf32>,
        %swap3A_1532 = vector.shape_cast %swap3A_1531 : vector<1x16xf32> to vector<16xf32>
        %swap3A_1533 = vector.shape_cast %get3A_1136 : vector<16xf32> to vector<1x16xf32>
        tpu.vector_store %arg8[%swap3A_1529, %swap3A_1530], %swap3A_1533 {add = true, strides = array<i32>} : memref<128x64xf32, #tpu.memory_space<vmem>>, vector<1x16xf32>,
        %swap3A_1534 = arith.index_cast %add3A_1518 : i32 to index
        %swap3A_1535 = arith.constant 48 : index
        %swap3A_1536 = tpu.vector_load %arg8[%swap3A_1534, %swap3A_1535] {strides = array<i32>} : memref<128x64xf32, #tpu.memory_space<vmem>>, vector<1x16xf32>,
        %swap3A_1537 = vector.shape_cast %swap3A_1536 : vector<1x16xf32> to vector<16xf32>
        %swap3A_1538 = vector.shape_cast %get3A_1140 : vector<16xf32> to vector<1x16xf32>
        tpu.vector_store %arg8[%swap3A_1534, %swap3A_1535], %swap3A_1538 {add = true, strides = array<i32>} : memref<128x64xf32, #tpu.memory_space<vmem>>, vector<1x16xf32>,
        %add3A_1539 = arith.constant 3 : i32
        %add3A_1540 = arith.addi %mul3A_1472, %add3A_1539 : i32
        %swap3A_1541 = arith.index_cast %add3A_1540 : i32 to index
        %swap3A_1542 = arith.constant 0 : index
        %swap3A_1543 = tpu.vector_load %arg8[%swap3A_1541, %swap3A_1542] {strides = array<i32>} : memref<128x64xf32, #tpu.memory_space<vmem>>, vector<1x16xf32>,
        %swap3A_1544 = vector.shape_cast %swap3A_1543 : vector<1x16xf32> to vector<16xf32>
        %swap3A_1545 = vector.shape_cast %get3A_1128 : vector<16xf32> to vector<1x16xf32>
        tpu.vector_store %arg8[%swap3A_1541, %swap3A_1542], %swap3A_1545 {add = true, strides = array<i32>} : memref<128x64xf32, #tpu.memory_space<vmem>>, vector<1x16xf32>,
        %swap3A_1546 = arith.index_cast %add3A_1540 : i32 to index
        %swap3A_1547 = arith.constant 16 : index
        %swap3A_1548 = tpu.vector_load %arg8[%swap3A_1546, %swap3A_1547] {strides = array<i32>} : memref<128x64xf32, #tpu.memory_space<vmem>>, vector<1x16xf32>,
        %swap3A_1549 = vector.shape_cast %swap3A_1548 : vector<1x16xf32> to vector<16xf32>
        %swap3A_1550 = vector.shape_cast %get3A_1132 : vector<16xf32> to vector<1x16xf32>
        tpu.vector_store %arg8[%swap3A_1546, %swap3A_1547], %swap3A_1550 {add = true, strides = array<i32>} : memref<128x64xf32, #tpu.memory_space<vmem>>, vector<1x16xf32>,
        %swap3A_1551 = arith.index_cast %add3A_1540 : i32 to index
        %swap3A_1552 = arith.constant 32 : index
        %swap3A_1553 = tpu.vector_load %arg8[%swap3A_1551, %swap3A_1552] {strides = array<i32>} : memref<128x64xf32, #tpu.memory_space<vmem>>, vector<1x16xf32>,
        %swap3A_1554 = vector.shape_cast %swap3A_1553 : vector<1x16xf32> to vector<16xf32>
        %swap3A_1555 = vector.shape_cast %get3A_1136 : vector<16xf32> to vector<1x16xf32>
        tpu.vector_store %arg8[%swap3A_1551, %swap3A_1552], %swap3A_1555 {add = true, strides = array<i32>} : memref<128x64xf32, #tpu.memory_space<vmem>>, vector<1x16xf32>,
        %swap3A_1556 = arith.index_cast %add3A_1540 : i32 to index
        %swap3A_1557 = arith.constant 48 : index
        %swap3A_1558 = tpu.vector_load %arg8[%swap3A_1556, %swap3A_1557] {strides = array<i32>} : memref<128x64xf32, #tpu.memory_space<vmem>>, vector<1x16xf32>,
        %swap3A_1559 = vector.shape_cast %swap3A_1558 : vector<1x16xf32> to vector<16xf32>
        %swap3A_1560 = vector.shape_cast %get3A_1140 : vector<16xf32> to vector<1x16xf32>
        tpu.vector_store %arg8[%swap3A_1556, %swap3A_1557], %swap3A_1560 {add = true, strides = array<i32>} : memref<128x64xf32, #tpu.memory_space<vmem>>, vector<1x16xf32>,
      }
      %scan3A_1258 = arith.constant 32 : i32
      %dma_start3A_1259 = arith.constant 0 : i32
      %dma_start3A_1260 = arith.constant 0 : i32
      %dma_start3A_1261 = tpu.memref_slice %arg7[%dma_start3A_1259, %dma_start3A_1260] : memref<4x128xi32, #tpu.memory_space<vmem>> -> memref<1x128xi32, #tpu.memory_space<vmem>>
      %dma_start3A_1262 = tpu.memref_squeeze %dma_start3A_1261 : memref<1x128xi32, #tpu.memory_space<vmem>> -> memref<128xi32, #tpu.memory_space<vmem>>
      %dma_start3A_1263 = arith.constant 0 : i32
      %dma_start3A_1264 = arith.constant 0 : i32
      %dma_start3A_1265 = tpu.memref_slice %arg5[%dma_start3A_1263, %dma_start3A_1264] : memref<819200x64xf32, #tpu.memory_space<hbm>> -> memref<819200x64xf32, #tpu.memory_space<hbm>>
      tpu.enqueue_indirect_dma source(%arg8 : memref<128x64xf32, #tpu.memory_space<vmem>>) target(%dma_start3A_1265 : memref<819200x64xf32, #tpu.memory_space<hbm>>) offsets(%dma_start3A_1262 : memref<128xi32, #tpu.memory_space<vmem>>) semaphore(%arg17 : memref<!tpu.dma_semaphore, #tpu.memory_space<semaphore_mem>>)
      %sub3A_1266 = arith.constant 2 : i32
      %sub3A_1267 = arith.subi %add3A_1101, %sub3A_1266 : i32
      %dma_wait3A_1268 = arith.constant 2 : i32
      %dma_wait3A_1269 = arith.constant 0 : i32
      %dma_wait3A_1270 = tpu.memref_slice %arg7[%dma_wait3A_1268, %dma_wait3A_1269] : memref<4x128xi32, #tpu.memory_space<vmem>> -> memref<1x128xi32, #tpu.memory_space<vmem>>
      %dma_wait3A_1271 = tpu.memref_squeeze %dma_wait3A_1270 : memref<1x128xi32, #tpu.memory_space<vmem>> -> memref<128xi32, #tpu.memory_space<vmem>>
      %dma_wait3A_1272 = arith.constant 0 : i32
      %dma_wait3A_1273 = arith.constant 0 : i32
      %dma_wait3A_1274 = tpu.memref_slice %arg5[%dma_wait3A_1272, %dma_wait3A_1273] : memref<819200x64xf32, #tpu.memory_space<hbm>> -> memref<819200x64xf32, #tpu.memory_space<hbm>>
      tpu.wait_indirect_dma semaphore(%arg19 : memref<!tpu.dma_semaphore, #tpu.memory_space<semaphore_mem>>) src(%arg10 : memref<128x64xf32, #tpu.memory_space<vmem>>) dst(%dma_wait3A_1274 : memref<819200x64xf32, #tpu.memory_space<hbm>>)
      %add3A_1275 = arith.constant 2 : i32
      %add3A_1276 = arith.addi %add3A_1101, %add3A_1275 : i32
      %dma_start3A_1277 = arith.constant 0 : i32
      %dma_start3A_1278 = tpu.memref_slice %arg6[%add3A_1276, %dma_start3A_1277] : memref<200x128xi32, #tpu.memory_space<vmem>> -> memref<1x128xi32, #tpu.memory_space<vmem>>
      %dma_start3A_1279 = tpu.memref_squeeze %dma_start3A_1278 : memref<1x128xi32, #tpu.memory_space<vmem>> -> memref<128xi32, #tpu.memory_space<vmem>>
      %dma_start3A_1280 = arith.constant 0 : i32
      %dma_start3A_1281 = arith.constant 0 : i32
      %dma_start3A_1282 = tpu.memref_slice %arg3[%dma_start3A_1280, %dma_start3A_1281] : memref<1000000x64xf32, #tpu.memory_space<hbm>> -> memref<1000000x64xf32, #tpu.memory_space<hbm>>
      tpu.enqueue_indirect_dma source(%dma_start3A_1282 : memref<1000000x64xf32, #tpu.memory_space<hbm>>) target(%arg10 : memref<128x64xf32, #tpu.memory_space<vmem>>) offsets(%dma_start3A_1279 : memref<128xi32, #tpu.memory_space<vmem>>) semaphore(%arg15 : memref<!tpu.dma_semaphore, #tpu.memory_space<semaphore_mem>>)
      %mul3A_1283 = arith.constant 4 : i32
      %mul3A_1284 = arith.muli %scan3A_722, %mul3A_1283 : i32
      %add3A_1285 = arith.constant 2 : i32
      %add3A_1286 = arith.addi %add3A_1285, %mul3A_1284 : i32
      %add3A_1287 = arith.constant 3 : i32
      %add3A_1288 = arith.addi %add3A_1286, %add3A_1287 : i32
      %dma_wait3A_1289 = arith.constant 0 : i32
      %dma_wait3A_1290 = tpu.memref_slice %arg6[%add3A_1288, %dma_wait3A_1289] : memref<200x128xi32, #tpu.memory_space<vmem>> -> memref<1x128xi32, #tpu.memory_space<vmem>>
      %dma_wait3A_1291 = tpu.memref_squeeze %dma_wait3A_1290 : memref<1x128xi32, #tpu.memory_space<vmem>> -> memref<128xi32, #tpu.memory_space<vmem>>
      %dma_wait3A_1292 = arith.constant 0 : i32
      %dma_wait3A_1293 = arith.constant 0 : i32
      %dma_wait3A_1294 = tpu.memref_slice %arg3[%dma_wait3A_1292, %dma_wait3A_1293] : memref<1000000x64xf32, #tpu.memory_space<hbm>> -> memref<1000000x64xf32, #tpu.memory_space<hbm>>
      tpu.wait_indirect_dma semaphore(%arg14 : memref<!tpu.dma_semaphore, #tpu.memory_space<semaphore_mem>>) src(%dma_wait3A_1294 : memref<1000000x64xf32, #tpu.memory_space<hbm>>) dst(%arg9 : memref<128x64xf32, #tpu.memory_space<vmem>>)
      %add3A_1295 = arith.addi %mul3A_2, %add3A_1288 : i32
      %shift_right_logical3A_1296 = arith.constant 8 : i32
      %shift_right_logical3A_1297 = arith.shrui %add3A_1295, %shift_right_logical3A_1296 : i32
      %mul3A_1298 = arith.constant 8 : i32
      %mul3A_1299 = arith.muli %shift_right_logical3A_1297, %mul3A_1298 : i32
      %and3A_1300 = arith.constant 7 : i32
      %and3A_1301 = arith.andi %add3A_1295, %and3A_1300 : i32
      %add3A_1302 = arith.addi %mul3A_1299, %and3A_1301 : i32
      %shift_right_logical3A_1303 = arith.constant 3 : i32
      %shift_right_logical3A_1304 = arith.shrui %add3A_1295, %shift_right_logical3A_1303 : i32
      %and3A_1305 = arith.constant 31 : i32
      %and3A_1306 = arith.andi %shift_right_logical3A_1304, %and3A_1305 : i32
      %mul3A_1307 = arith.constant 128 : i32
      %mul3A_1308 = arith.muli %and3A_1306, %mul3A_1307 : i32
      %mul3A_1309 = arith.constant 200 : i32
      %mul3A_1310 = arith.muli %mul3A_1308, %mul3A_1309 : i32
      %add3A_1311 = arith.addi %mul3A_1310, %add3A_1302 : i32
      %get3A_1312 = arith.index_cast %add3A_1302 : i32 to index
      %get3A_1313 = arith.constant 0 : index
      %get3A_1314 = tpu.vector_load %arg12[%get3A_1312, %get3A_1313] {strides = array<i32>} : memref<200x64xf32, #tpu.memory_space<vmem>>, vector<1x16xf32>,
      %get3A_1315 = vector.shape_cast %get3A_1314 : vector<1x16xf32> to vector<16xf32>
      %get3A_1316 = arith.index_cast %add3A_1302 : i32 to index
      %get3A_1317 = arith.constant 16 : index
      %get3A_1318 = tpu.vector_load %arg12[%get3A_1316, %get3A_1317] {strides = array<i32>} : memref<200x64xf32, #tpu.memory_space<vmem>>, vector<1x16xf32>,
      %get3A_1319 = vector.shape_cast %get3A_1318 : vector<1x16xf32> to vector<16xf32>
      %get3A_1320 = arith.index_cast %add3A_1302 : i32 to index
      %get3A_1321 = arith.constant 32 : index
      %get3A_1322 = tpu.vector_load %arg12[%get3A_1320, %get3A_1321] {strides = array<i32>} : memref<200x64xf32, #tpu.memory_space<vmem>>, vector<1x16xf32>,
      %get3A_1323 = vector.shape_cast %get3A_1322 : vector<1x16xf32> to vector<16xf32>
      %get3A_1324 = arith.index_cast %add3A_1302 : i32 to index
      %get3A_1325 = arith.constant 48 : index
      %get3A_1326 = tpu.vector_load %arg12[%get3A_1324, %get3A_1325] {strides = array<i32>} : memref<200x64xf32, #tpu.memory_space<vmem>>, vector<1x16xf32>,
      %get3A_1327 = vector.shape_cast %get3A_1326 : vector<1x16xf32> to vector<16xf32>
      %add3A_1328 = arith.constant 0 : i32
      %add3A_1329 = vector.broadcast %add3A_1328 : i32 to vector<16xi32>
      %add3A_1330 = arith.addi %iota3A, %add3A_1329 : vector<16xi32>
      %mul3A_1331 = arith.constant 200 : i32
      %mul3A_1332 = vector.broadcast %mul3A_1331 : i32 to vector<16xi32>
      %mul3A_1333 = arith.muli %add3A_1330, %mul3A_1332 : vector<16xi32>
      %add3A_1334 = vector.broadcast %add3A_1311 : i32 to vector<16xi32>
      %add3A_1335 = arith.addi %mul3A_1333, %add3A_1334 : vector<16xi32>
      %swap3A_1336 = arith.constant 1 : i32
      %swap3A_1337 = arith.index_cast %swap3A_1336 : i32 to index
      %swap3A_1338 = arith.constant 0 : index
      %swap3A_1339 = tpu.vector_load %arg7[%swap3A_1337, %swap3A_1338] {strides = array<i32>} : memref<4x128xi32, #tpu.memory_space<vmem>>, vector<1x16xi32>,
      %swap3A_1340 = vector.shape_cast %swap3A_1339 : vector<1x16xi32> to vector<16xi32>
      %swap3A_1341 = vector.shape_cast %add3A_1335 : vector<16xi32> to vector<1x16xi32>
      tpu.vector_store %arg7[%swap3A_1337, %swap3A_1338], %swap3A_1341 {strides = array<i32>} : memref<4x128xi32, #tpu.memory_space<vmem>>, vector<1x16xi32>,
      %add3A_1342 = arith.constant 16 : i32
      %add3A_1343 = vector.broadcast %add3A_1342 : i32 to vector<16xi32>
      %add3A_1344 = arith.addi %iota3A, %add3A_1343 : vector<16xi32>
      %mul3A_1345 = arith.constant 200 : i32
      %mul3A_1346 = vector.broadcast %mul3A_1345 : i32 to vector<16xi32>
      %mul3A_1347 = arith.muli %add3A_1344, %mul3A_1346 : vector<16xi32>
      %add3A_1348 = vector.broadcast %add3A_1311 : i32 to vector<16xi32>
      %add3A_1349 = arith.addi %mul3A_1347, %add3A_1348 : vector<16xi32>
      %swap3A_1350 = arith.constant 1 : i32
      %swap3A_1351 = arith.index_cast %swap3A_1350 : i32 to index
      %swap3A_1352 = arith.constant 16 : index
      %swap3A_1353 = tpu.vector_load %arg7[%swap3A_1351, %swap3A_1352] {strides = array<i32>} : memref<4x128xi32, #tpu.memory_space<vmem>>, vector<1x16xi32>,
      %swap3A_1354 = vector.shape_cast %swap3A_1353 : vector<1x16xi32> to vector<16xi32>
      %swap3A_1355 = vector.shape_cast %add3A_1349 : vector<16xi32> to vector<1x16xi32>
      tpu.vector_store %arg7[%swap3A_1351, %swap3A_1352], %swap3A_1355 {strides = array<i32>} : memref<4x128xi32, #tpu.memory_space<vmem>>, vector<1x16xi32>,
      %add3A_1356 = arith.constant 32 : i32
      %add3A_1357 = vector.broadcast %add3A_1356 : i32 to vector<16xi32>
      %add3A_1358 = arith.addi %iota3A, %add3A_1357 : vector<16xi32>
      %mul3A_1359 = arith.constant 200 : i32
      %mul3A_1360 = vector.broadcast %mul3A_1359 : i32 to vector<16xi32>
      %mul3A_1361 = arith.muli %add3A_1358, %mul3A_1360 : vector<16xi32>
      %add3A_1362 = vector.broadcast %add3A_1311 : i32 to vector<16xi32>
      %add3A_1363 = arith.addi %mul3A_1361, %add3A_1362 : vector<16xi32>
      %swap3A_1364 = arith.constant 1 : i32
      %swap3A_1365 = arith.index_cast %swap3A_1364 : i32 to index
      %swap3A_1366 = arith.constant 32 : index
      %swap3A_1367 = tpu.vector_load %arg7[%swap3A_1365, %swap3A_1366] {strides = array<i32>} : memref<4x128xi32, #tpu.memory_space<vmem>>, vector<1x16xi32>,
      %swap3A_1368 = vector.shape_cast %swap3A_1367 : vector<1x16xi32> to vector<16xi32>
      %swap3A_1369 = vector.shape_cast %add3A_1363 : vector<16xi32> to vector<1x16xi32>
      tpu.vector_store %arg7[%swap3A_1365, %swap3A_1366], %swap3A_1369 {strides = array<i32>} : memref<4x128xi32, #tpu.memory_space<vmem>>, vector<1x16xi32>,
      %add3A_1370 = arith.constant 48 : i32
      %add3A_1371 = vector.broadcast %add3A_1370 : i32 to vector<16xi32>
      %add3A_1372 = arith.addi %iota3A, %add3A_1371 : vector<16xi32>
      %mul3A_1373 = arith.constant 200 : i32
      %mul3A_1374 = vector.broadcast %mul3A_1373 : i32 to vector<16xi32>
      %mul3A_1375 = arith.muli %add3A_1372, %mul3A_1374 : vector<16xi32>
      %add3A_1376 = vector.broadcast %add3A_1311 : i32 to vector<16xi32>
      %add3A_1377 = arith.addi %mul3A_1375, %add3A_1376 : vector<16xi32>
      %swap3A_1378 = arith.constant 1 : i32
      %swap3A_1379 = arith.index_cast %swap3A_1378 : i32 to index
      %swap3A_1380 = arith.constant 48 : index
      %swap3A_1381 = tpu.vector_load %arg7[%swap3A_1379, %swap3A_1380] {strides = array<i32>} : memref<4x128xi32, #tpu.memory_space<vmem>>, vector<1x16xi32>,
      %swap3A_1382 = vector.shape_cast %swap3A_1381 : vector<1x16xi32> to vector<16xi32>
      %swap3A_1383 = vector.shape_cast %add3A_1377 : vector<16xi32> to vector<1x16xi32>
      tpu.vector_store %arg7[%swap3A_1379, %swap3A_1380], %swap3A_1383 {strides = array<i32>} : memref<4x128xi32, #tpu.memory_space<vmem>>, vector<1x16xi32>,
      %add3A_1384 = arith.constant 64 : i32
      %add3A_1385 = vector.broadcast %add3A_1384 : i32 to vector<16xi32>
      %add3A_1386 = arith.addi %iota3A, %add3A_1385 : vector<16xi32>
      %mul3A_1387 = arith.constant 200 : i32
      %mul3A_1388 = vector.broadcast %mul3A_1387 : i32 to vector<16xi32>
      %mul3A_1389 = arith.muli %add3A_1386, %mul3A_1388 : vector<16xi32>
      %add3A_1390 = vector.broadcast %add3A_1311 : i32 to vector<16xi32>
      %add3A_1391 = arith.addi %mul3A_1389, %add3A_1390 : vector<16xi32>
      %swap3A_1392 = arith.constant 1 : i32
      %swap3A_1393 = arith.index_cast %swap3A_1392 : i32 to index
      %swap3A_1394 = arith.constant 64 : index
      %swap3A_1395 = tpu.vector_load %arg7[%swap3A_1393, %swap3A_1394] {strides = array<i32>} : memref<4x128xi32, #tpu.memory_space<vmem>>, vector<1x16xi32>,
      %swap3A_1396 = vector.shape_cast %swap3A_1395 : vector<1x16xi32> to vector<16xi32>
      %swap3A_1397 = vector.shape_cast %add3A_1391 : vector<16xi32> to vector<1x16xi32>
      tpu.vector_store %arg7[%swap3A_1393, %swap3A_1394], %swap3A_1397 {strides = array<i32>} : memref<4x128xi32, #tpu.memory_space<vmem>>, vector<1x16xi32>,
      %add3A_1398 = arith.constant 80 : i32
      %add3A_1399 = vector.broadcast %add3A_1398 : i32 to vector<16xi32>
      %add3A_1400 = arith.addi %iota3A, %add3A_1399 : vector<16xi32>
      %mul3A_1401 = arith.constant 200 : i32
      %mul3A_1402 = vector.broadcast %mul3A_1401 : i32 to vector<16xi32>
      %mul3A_1403 = arith.muli %add3A_1400, %mul3A_1402 : vector<16xi32>
      %add3A_1404 = vector.broadcast %add3A_1311 : i32 to vector<16xi32>
      %add3A_1405 = arith.addi %mul3A_1403, %add3A_1404 : vector<16xi32>
      %swap3A_1406 = arith.constant 1 : i32
      %swap3A_1407 = arith.index_cast %swap3A_1406 : i32 to index
      %swap3A_1408 = arith.constant 80 : index
      %swap3A_1409 = tpu.vector_load %arg7[%swap3A_1407, %swap3A_1408] {strides = array<i32>} : memref<4x128xi32, #tpu.memory_space<vmem>>, vector<1x16xi32>,
      %swap3A_1410 = vector.shape_cast %swap3A_1409 : vector<1x16xi32> to vector<16xi32>
      %swap3A_1411 = vector.shape_cast %add3A_1405 : vector<16xi32> to vector<1x16xi32>
      tpu.vector_store %arg7[%swap3A_1407, %swap3A_1408], %swap3A_1411 {strides = array<i32>} : memref<4x128xi32, #tpu.memory_space<vmem>>, vector<1x16xi32>,
      %add3A_1412 = arith.constant 96 : i32
      %add3A_1413 = vector.broadcast %add3A_1412 : i32 to vector<16xi32>
      %add3A_1414 = arith.addi %iota3A, %add3A_1413 : vector<16xi32>
      %mul3A_1415 = arith.constant 200 : i32
      %mul3A_1416 = vector.broadcast %mul3A_1415 : i32 to vector<16xi32>
      %mul3A_1417 = arith.muli %add3A_1414, %mul3A_1416 : vector<16xi32>
      %add3A_1418 = vector.broadcast %add3A_1311 : i32 to vector<16xi32>
      %add3A_1419 = arith.addi %mul3A_1417, %add3A_1418 : vector<16xi32>
      %swap3A_1420 = arith.constant 1 : i32
      %swap3A_1421 = arith.index_cast %swap3A_1420 : i32 to index
      %swap3A_1422 = arith.constant 96 : index
      %swap3A_1423 = tpu.vector_load %arg7[%swap3A_1421, %swap3A_1422] {strides = array<i32>} : memref<4x128xi32, #tpu.memory_space<vmem>>, vector<1x16xi32>,
      %swap3A_1424 = vector.shape_cast %swap3A_1423 : vector<1x16xi32> to vector<16xi32>
      %swap3A_1425 = vector.shape_cast %add3A_1419 : vector<16xi32> to vector<1x16xi32>
      tpu.vector_store %arg7[%swap3A_1421, %swap3A_1422], %swap3A_1425 {strides = array<i32>} : memref<4x128xi32, #tpu.memory_space<vmem>>, vector<1x16xi32>,
      %add3A_1426 = arith.constant 112 : i32
      %add3A_1427 = vector.broadcast %add3A_1426 : i32 to vector<16xi32>
      %add3A_1428 = arith.addi %iota3A, %add3A_1427 : vector<16xi32>
      %mul3A_1429 = arith.constant 200 : i32
      %mul3A_1430 = vector.broadcast %mul3A_1429 : i32 to vector<16xi32>
      %mul3A_1431 = arith.muli %add3A_1428, %mul3A_1430 : vector<16xi32>
      %add3A_1432 = vector.broadcast %add3A_1311 : i32 to vector<16xi32>
      %add3A_1433 = arith.addi %mul3A_1431, %add3A_1432 : vector<16xi32>
      %swap3A_1434 = arith.constant 1 : i32
      %swap3A_1435 = arith.index_cast %swap3A_1434 : i32 to index
      %swap3A_1436 = arith.constant 112 : index
      %swap3A_1437 = tpu.vector_load %arg7[%swap3A_1435, %swap3A_1436] {strides = array<i32>} : memref<4x128xi32, #tpu.memory_space<vmem>>, vector<1x16xi32>,
      %swap3A_1438 = vector.shape_cast %swap3A_1437 : vector<1x16xi32> to vector<16xi32>
      %swap3A_1439 = vector.shape_cast %add3A_1433 : vector<16xi32> to vector<1x16xi32>
      tpu.vector_store %arg7[%swap3A_1435, %swap3A_1436], %swap3A_1439 {strides = array<i32>} : memref<4x128xi32, #tpu.memory_space<vmem>>, vector<1x16xi32>,
      %scan3A_1440 = arith.constant 0 : i32
      %scan3A_1441 = arith.constant 0 : i32
      %scan3A_1442 = arith.constant 32 : i32
      %scan3A_1443 = arith.addi %scan3A_1441, %scan3A_1442 : i32
      %scan3A_1444 = arith.constant 1 : i32
      scf.for %scan3A_1470 = %scan3A_1441 to %scan3A_1443 step %scan3A_1444  : i32 {
        %mul3A_1471 = arith.constant 4 : i32
        %mul3A_1472 = arith.muli %scan3A_1470, %mul3A_1471 : i32
        %add3A_1473 = arith.constant 0 : i32
        %add3A_1474 = arith.addi %mul3A_1472, %add3A_1473 : i32
        %swap3A_1475 = arith.index_cast %add3A_1474 : i32 to index
        %swap3A_1476 = arith.constant 0 : index
        %swap3A_1477 = tpu.vector_load %arg9[%swap3A_1475, %swap3A_1476] {strides = array<i32>} : memref<128x64xf32, #tpu.memory_space<vmem>>, vector<1x16xf32>,
        %swap3A_1478 = vector.shape_cast %swap3A_1477 : vector<1x16xf32> to vector<16xf32>
        %swap3A_1479 = vector.shape_cast %get3A_1315 : vector<16xf32> to vector<1x16xf32>
        tpu.vector_store %arg9[%swap3A_1475, %swap3A_1476], %swap3A_1479 {add = true, strides = array<i32>} : memref<128x64xf32, #tpu.memory_space<vmem>>, vector<1x16xf32>,
        %swap3A_1480 = arith.index_cast %add3A_1474 : i32 to index
        %swap3A_1481 = arith.constant 16 : index
        %swap3A_1482 = tpu.vector_load %arg9[%swap3A_1480, %swap3A_1481] {strides = array<i32>} : memref<128x64xf32, #tpu.memory_space<vmem>>, vector<1x16xf32>,
        %swap3A_1483 = vector.shape_cast %swap3A_1482 : vector<1x16xf32> to vector<16xf32>
        %swap3A_1484 = vector.shape_cast %get3A_1319 : vector<16xf32> to vector<1x16xf32>
        tpu.vector_store %arg9[%swap3A_1480, %swap3A_1481], %swap3A_1484 {add = true, strides = array<i32>} : memref<128x64xf32, #tpu.memory_space<vmem>>, vector<1x16xf32>,
        %swap3A_1485 = arith.index_cast %add3A_1474 : i32 to index
        %swap3A_1486 = arith.constant 32 : index
        %swap3A_1487 = tpu.vector_load %arg9[%swap3A_1485, %swap3A_1486] {strides = array<i32>} : memref<128x64xf32, #tpu.memory_space<vmem>>, vector<1x16xf32>,
        %swap3A_1488 = vector.shape_cast %swap3A_1487 : vector<1x16xf32> to vector<16xf32>
        %swap3A_1489 = vector.shape_cast %get3A_1323 : vector<16xf32> to vector<1x16xf32>
        tpu.vector_store %arg9[%swap3A_1485, %swap3A_1486], %swap3A_1489 {add = true, strides = array<i32>} : memref<128x64xf32, #tpu.memory_space<vmem>>, vector<1x16xf32>,
        %swap3A_1490 = arith.index_cast %add3A_1474 : i32 to index
        %swap3A_1491 = arith.constant 48 : index
        %swap3A_1492 = tpu.vector_load %arg9[%swap3A_1490, %swap3A_1491] {strides = array<i32>} : memref<128x64xf32, #tpu.memory_space<vmem>>, vector<1x16xf32>,
        %swap3A_1493 = vector.shape_cast %swap3A_1492 : vector<1x16xf32> to vector<16xf32>
        %swap3A_1494 = vector.shape_cast %get3A_1327 : vector<16xf32> to vector<1x16xf32>
        tpu.vector_store %arg9[%swap3A_1490, %swap3A_1491], %swap3A_1494 {add = true, strides = array<i32>} : memref<128x64xf32, #tpu.memory_space<vmem>>, vector<1x16xf32>,
        %add3A_1495 = arith.constant 1 : i32
        %add3A_1496 = arith.addi %mul3A_1472, %add3A_1495 : i32
        %swap3A_1497 = arith.index_cast %add3A_1496 : i32 to index
        %swap3A_1498 = arith.constant 0 : index
        %swap3A_1499 = tpu.vector_load %arg9[%swap3A_1497, %swap3A_1498] {strides = array<i32>} : memref<128x64xf32, #tpu.memory_space<vmem>>, vector<1x16xf32>,
        %swap3A_1500 = vector.shape_cast %swap3A_1499 : vector<1x16xf32> to vector<16xf32>
        %swap3A_1501 = vector.shape_cast %get3A_1315 : vector<16xf32> to vector<1x16xf32>
        tpu.vector_store %arg9[%swap3A_1497, %swap3A_1498], %swap3A_1501 {add = true, strides = array<i32>} : memref<128x64xf32, #tpu.memory_space<vmem>>, vector<1x16xf32>,
        %swap3A_1502 = arith.index_cast %add3A_1496 : i32 to index
        %swap3A_1503 = arith.constant 16 : index
        %swap3A_1504 = tpu.vector_load %arg9[%swap3A_1502, %swap3A_1503] {strides = array<i32>} : memref<128x64xf32, #tpu.memory_space<vmem>>, vector<1x16xf32>,
        %swap3A_1505 = vector.shape_cast %swap3A_1504 : vector<1x16xf32> to vector<16xf32>
        %swap3A_1506 = vector.shape_cast %get3A_1319 : vector<16xf32> to vector<1x16xf32>
        tpu.vector_store %arg9[%swap3A_1502, %swap3A_1503], %swap3A_1506 {add = true, strides = array<i32>} : memref<128x64xf32, #tpu.memory_space<vmem>>, vector<1x16xf32>,
        %swap3A_1507 = arith.index_cast %add3A_1496 : i32 to index
        %swap3A_1508 = arith.constant 32 : index
        %swap3A_1509 = tpu.vector_load %arg9[%swap3A_1507, %swap3A_1508] {strides = array<i32>} : memref<128x64xf32, #tpu.memory_space<vmem>>, vector<1x16xf32>,
        %swap3A_1510 = vector.shape_cast %swap3A_1509 : vector<1x16xf32> to vector<16xf32>
        %swap3A_1511 = vector.shape_cast %get3A_1323 : vector<16xf32> to vector<1x16xf32>
        tpu.vector_store %arg9[%swap3A_1507, %swap3A_1508], %swap3A_1511 {add = true, strides = array<i32>} : memref<128x64xf32, #tpu.memory_space<vmem>>, vector<1x16xf32>,
        %swap3A_1512 = arith.index_cast %add3A_1496 : i32 to index
        %swap3A_1513 = arith.constant 48 : index
        %swap3A_1514 = tpu.vector_load %arg9[%swap3A_1512, %swap3A_1513] {strides = array<i32>} : memref<128x64xf32, #tpu.memory_space<vmem>>, vector<1x16xf32>,
        %swap3A_1515 = vector.shape_cast %swap3A_1514 : vector<1x16xf32> to vector<16xf32>
        %swap3A_1516 = vector.shape_cast %get3A_1327 : vector<16xf32> to vector<1x16xf32>
        tpu.vector_store %arg9[%swap3A_1512, %swap3A_1513], %swap3A_1516 {add = true, strides = array<i32>} : memref<128x64xf32, #tpu.memory_space<vmem>>, vector<1x16xf32>,
        %add3A_1517 = arith.constant 2 : i32
        %add3A_1518 = arith.addi %mul3A_1472, %add3A_1517 : i32
        %swap3A_1519 = arith.index_cast %add3A_1518 : i32 to index
        %swap3A_1520 = arith.constant 0 : index
        %swap3A_1521 = tpu.vector_load %arg9[%swap3A_1519, %swap3A_1520] {strides = array<i32>} : memref<128x64xf32, #tpu.memory_space<vmem>>, vector<1x16xf32>,
        %swap3A_1522 = vector.shape_cast %swap3A_1521 : vector<1x16xf32> to vector<16xf32>
        %swap3A_1523 = vector.shape_cast %get3A_1315 : vector<16xf32> to vector<1x16xf32>
        tpu.vector_store %arg9[%swap3A_1519, %swap3A_1520], %swap3A_1523 {add = true, strides = array<i32>} : memref<128x64xf32, #tpu.memory_space<vmem>>, vector<1x16xf32>,
        %swap3A_1524 = arith.index_cast %add3A_1518 : i32 to index
        %swap3A_1525 = arith.constant 16 : index
        %swap3A_1526 = tpu.vector_load %arg9[%swap3A_1524, %swap3A_1525] {strides = array<i32>} : memref<128x64xf32, #tpu.memory_space<vmem>>, vector<1x16xf32>,
        %swap3A_1527 = vector.shape_cast %swap3A_1526 : vector<1x16xf32> to vector<16xf32>
        %swap3A_1528 = vector.shape_cast %get3A_1319 : vector<16xf32> to vector<1x16xf32>
        tpu.vector_store %arg9[%swap3A_1524, %swap3A_1525], %swap3A_1528 {add = true, strides = array<i32>} : memref<128x64xf32, #tpu.memory_space<vmem>>, vector<1x16xf32>,
        %swap3A_1529 = arith.index_cast %add3A_1518 : i32 to index
        %swap3A_1530 = arith.constant 32 : index
        %swap3A_1531 = tpu.vector_load %arg9[%swap3A_1529, %swap3A_1530] {strides = array<i32>} : memref<128x64xf32, #tpu.memory_space<vmem>>, vector<1x16xf32>,
        %swap3A_1532 = vector.shape_cast %swap3A_1531 : vector<1x16xf32> to vector<16xf32>
        %swap3A_1533 = vector.shape_cast %get3A_1323 : vector<16xf32> to vector<1x16xf32>
        tpu.vector_store %arg9[%swap3A_1529, %swap3A_1530], %swap3A_1533 {add = true, strides = array<i32>} : memref<128x64xf32, #tpu.memory_space<vmem>>, vector<1x16xf32>,
        %swap3A_1534 = arith.index_cast %add3A_1518 : i32 to index
        %swap3A_1535 = arith.constant 48 : index
        %swap3A_1536 = tpu.vector_load %arg9[%swap3A_1534, %swap3A_1535] {strides = array<i32>} : memref<128x64xf32, #tpu.memory_space<vmem>>, vector<1x16xf32>,
        %swap3A_1537 = vector.shape_cast %swap3A_1536 : vector<1x16xf32> to vector<16xf32>
        %swap3A_1538 = vector.shape_cast %get3A_1327 : vector<16xf32> to vector<1x16xf32>
        tpu.vector_store %arg9[%swap3A_1534, %swap3A_1535], %swap3A_1538 {add = true, strides = array<i32>} : memref<128x64xf32, #tpu.memory_space<vmem>>, vector<1x16xf32>,
        %add3A_1539 = arith.constant 3 : i32
        %add3A_1540 = arith.addi %mul3A_1472, %add3A_1539 : i32
        %swap3A_1541 = arith.index_cast %add3A_1540 : i32 to index
        %swap3A_1542 = arith.constant 0 : index
        %swap3A_1543 = tpu.vector_load %arg9[%swap3A_1541, %swap3A_1542] {strides = array<i32>} : memref<128x64xf32, #tpu.memory_space<vmem>>, vector<1x16xf32>,
        %swap3A_1544 = vector.shape_cast %swap3A_1543 : vector<1x16xf32> to vector<16xf32>
        %swap3A_1545 = vector.shape_cast %get3A_1315 : vector<16xf32> to vector<1x16xf32>
        tpu.vector_store %arg9[%swap3A_1541, %swap3A_1542], %swap3A_1545 {add = true, strides = array<i32>} : memref<128x64xf32, #tpu.memory_space<vmem>>, vector<1x16xf32>,
        %swap3A_1546 = arith.index_cast %add3A_1540 : i32 to index
        %swap3A_1547 = arith.constant 16 : index
        %swap3A_1548 = tpu.vector_load %arg9[%swap3A_1546, %swap3A_1547] {strides = array<i32>} : memref<128x64xf32, #tpu.memory_space<vmem>>, vector<1x16xf32>,
        %swap3A_1549 = vector.shape_cast %swap3A_1548 : vector<1x16xf32> to vector<16xf32>
        %swap3A_1550 = vector.shape_cast %get3A_1319 : vector<16xf32> to vector<1x16xf32>
        tpu.vector_store %arg9[%swap3A_1546, %swap3A_1547], %swap3A_1550 {add = true, strides = array<i32>} : memref<128x64xf32, #tpu.memory_space<vmem>>, vector<1x16xf32>,
        %swap3A_1551 = arith.index_cast %add3A_1540 : i32 to index
        %swap3A_1552 = arith.constant 32 : index
        %swap3A_1553 = tpu.vector_load %arg9[%swap3A_1551, %swap3A_1552] {strides = array<i32>} : memref<128x64xf32, #tpu.memory_space<vmem>>, vector<1x16xf32>,
        %swap3A_1554 = vector.shape_cast %swap3A_1553 : vector<1x16xf32> to vector<16xf32>
        %swap3A_1555 = vector.shape_cast %get3A_1323 : vector<16xf32> to vector<1x16xf32>
        tpu.vector_store %arg9[%swap3A_1551, %swap3A_1552], %swap3A_1555 {add = true, strides = array<i32>} : memref<128x64xf32, #tpu.memory_space<vmem>>, vector<1x16xf32>,
        %swap3A_1556 = arith.index_cast %add3A_1540 : i32 to index
        %swap3A_1557 = arith.constant 48 : index
        %swap3A_1558 = tpu.vector_load %arg9[%swap3A_1556, %swap3A_1557] {strides = array<i32>} : memref<128x64xf32, #tpu.memory_space<vmem>>, vector<1x16xf32>,
        %swap3A_1559 = vector.shape_cast %swap3A_1558 : vector<1x16xf32> to vector<16xf32>
        %swap3A_1560 = vector.shape_cast %get3A_1327 : vector<16xf32> to vector<1x16xf32>
        tpu.vector_store %arg9[%swap3A_1556, %swap3A_1557], %swap3A_1560 {add = true, strides = array<i32>} : memref<128x64xf32, #tpu.memory_space<vmem>>, vector<1x16xf32>,
      }
      %scan3A_1445 = arith.constant 32 : i32
      %dma_start3A_1446 = arith.constant 1 : i32
      %dma_start3A_1447 = arith.constant 0 : i32
      %dma_start3A_1448 = tpu.memref_slice %arg7[%dma_start3A_1446, %dma_start3A_1447] : memref<4x128xi32, #tpu.memory_space<vmem>> -> memref<1x128xi32, #tpu.memory_space<vmem>>
      %dma_start3A_1449 = tpu.memref_squeeze %dma_start3A_1448 : memref<1x128xi32, #tpu.memory_space<vmem>> -> memref<128xi32, #tpu.memory_space<vmem>>
      %dma_start3A_1450 = arith.constant 0 : i32
      %dma_start3A_1451 = arith.constant 0 : i32
      %dma_start3A_1452 = tpu.memref_slice %arg5[%dma_start3A_1450, %dma_start3A_1451] : memref<819200x64xf32, #tpu.memory_space<hbm>> -> memref<819200x64xf32, #tpu.memory_space<hbm>>
      tpu.enqueue_indirect_dma source(%arg9 : memref<128x64xf32, #tpu.memory_space<vmem>>) target(%dma_start3A_1452 : memref<819200x64xf32, #tpu.memory_space<hbm>>) offsets(%dma_start3A_1449 : memref<128xi32, #tpu.memory_space<vmem>>) semaphore(%arg18 : memref<!tpu.dma_semaphore, #tpu.memory_space<semaphore_mem>>)
      %sub3A_1453 = arith.constant 2 : i32
      %sub3A_1454 = arith.subi %add3A_1288, %sub3A_1453 : i32
      %dma_wait3A_1455 = arith.constant 3 : i32
      %dma_wait3A_1456 = arith.constant 0 : i32
      %dma_wait3A_1457 = tpu.memref_slice %arg7[%dma_wait3A_1455, %dma_wait3A_1456] : memref<4x128xi32, #tpu.memory_space<vmem>> -> memref<1x128xi32, #tpu.memory_space<vmem>>
      %dma_wait3A_1458 = tpu.memref_squeeze %dma_wait3A_1457 : memref<1x128xi32, #tpu.memory_space<vmem>> -> memref<128xi32, #tpu.memory_space<vmem>>
      %dma_wait3A_1459 = arith.constant 0 : i32
      %dma_wait3A_1460 = arith.constant 0 : i32
      %dma_wait3A_1461 = tpu.memref_slice %arg5[%dma_wait3A_1459, %dma_wait3A_1460] : memref<819200x64xf32, #tpu.memory_space<hbm>> -> memref<819200x64xf32, #tpu.memory_space<hbm>>
      tpu.wait_indirect_dma semaphore(%arg20 : memref<!tpu.dma_semaphore, #tpu.memory_space<semaphore_mem>>) src(%arg11 : memref<128x64xf32, #tpu.memory_space<vmem>>) dst(%dma_wait3A_1461 : memref<819200x64xf32, #tpu.memory_space<hbm>>)
      %add3A_1462 = arith.constant 2 : i32
      %add3A_1463 = arith.addi %add3A_1288, %add3A_1462 : i32
      %dma_start3A_1464 = arith.constant 0 : i32
      %dma_start3A_1465 = tpu.memref_slice %arg6[%add3A_1463, %dma_start3A_1464] : memref<200x128xi32, #tpu.memory_space<vmem>> -> memref<1x128xi32, #tpu.memory_space<vmem>>
      %dma_start3A_1466 = tpu.memref_squeeze %dma_start3A_1465 : memref<1x128xi32, #tpu.memory_space<vmem>> -> memref<128xi32, #tpu.memory_space<vmem>>
      %dma_start3A_1467 = arith.constant 0 : i32
      %dma_start3A_1468 = arith.constant 0 : i32
      %dma_start3A_1469 = tpu.memref_slice %arg3[%dma_start3A_1467, %dma_start3A_1468] : memref<1000000x64xf32, #tpu.memory_space<hbm>> -> memref<1000000x64xf32, #tpu.memory_space<hbm>>
      tpu.enqueue_indirect_dma source(%dma_start3A_1469 : memref<1000000x64xf32, #tpu.memory_space<hbm>>) target(%arg11 : memref<128x64xf32, #tpu.memory_space<vmem>>) offsets(%dma_start3A_1466 : memref<128xi32, #tpu.memory_space<vmem>>) semaphore(%arg16 : memref<!tpu.dma_semaphore, #tpu.memory_space<semaphore_mem>>)
    }
    %scan3A_361 = arith.constant 49 : i32
    %dma_wait3A_362 = arith.constant 198 : i32
    %dma_wait3A_363 = arith.constant 0 : i32
    %dma_wait3A_364 = tpu.memref_slice %arg6[%dma_wait3A_362, %dma_wait3A_363] : memref<200x128xi32, #tpu.memory_space<vmem>> -> memref<1x128xi32, #tpu.memory_space<vmem>>
    %dma_wait3A_365 = tpu.memref_squeeze %dma_wait3A_364 : memref<1x128xi32, #tpu.memory_space<vmem>> -> memref<128xi32, #tpu.memory_space<vmem>>
    %dma_wait3A_366 = arith.constant 0 : i32
    %dma_wait3A_367 = arith.constant 0 : i32
    %dma_wait3A_368 = tpu.memref_slice %arg3[%dma_wait3A_366, %dma_wait3A_367] : memref<1000000x64xf32, #tpu.memory_space<hbm>> -> memref<1000000x64xf32, #tpu.memory_space<hbm>>
    tpu.wait_indirect_dma semaphore(%arg15 : memref<!tpu.dma_semaphore, #tpu.memory_space<semaphore_mem>>) src(%dma_wait3A_368 : memref<1000000x64xf32, #tpu.memory_space<hbm>>) dst(%arg10 : memref<128x64xf32, #tpu.memory_space<vmem>>)
    %add3A_369 = arith.constant 198 : i32
    %add3A_370 = arith.addi %mul3A_2, %add3A_369 : i32
    %shift_right_logical3A_371 = arith.constant 8 : i32
    %shift_right_logical3A_372 = arith.shrui %add3A_370, %shift_right_logical3A_371 : i32
    %mul3A_373 = arith.constant 8 : i32
    %mul3A_374 = arith.muli %shift_right_logical3A_372, %mul3A_373 : i32
    %and3A_375 = arith.constant 7 : i32
    %and3A_376 = arith.andi %add3A_370, %and3A_375 : i32
    %add3A_377 = arith.addi %mul3A_374, %and3A_376 : i32
    %shift_right_logical3A_378 = arith.constant 3 : i32
    %shift_right_logical3A_379 = arith.shrui %add3A_370, %shift_right_logical3A_378 : i32
    %and3A_380 = arith.constant 31 : i32
    %and3A_381 = arith.andi %shift_right_logical3A_379, %and3A_380 : i32
    %mul3A_382 = arith.constant 128 : i32
    %mul3A_383 = arith.muli %and3A_381, %mul3A_382 : i32
    %mul3A_384 = arith.constant 200 : i32
    %mul3A_385 = arith.muli %mul3A_383, %mul3A_384 : i32
    %add3A_386 = arith.addi %mul3A_385, %add3A_377 : i32
    %get3A_387 = arith.index_cast %add3A_377 : i32 to index
    %get3A_388 = arith.constant 0 : index
    %get3A_389 = tpu.vector_load %arg12[%get3A_387, %get3A_388] {strides = array<i32>} : memref<200x64xf32, #tpu.memory_space<vmem>>, vector<1x16xf32>,
    %get3A_390 = vector.shape_cast %get3A_389 : vector<1x16xf32> to vector<16xf32>
    %get3A_391 = arith.index_cast %add3A_377 : i32 to index
    %get3A_392 = arith.constant 16 : index
    %get3A_393 = tpu.vector_load %arg12[%get3A_391, %get3A_392] {strides = array<i32>} : memref<200x64xf32, #tpu.memory_space<vmem>>, vector<1x16xf32>,
    %get3A_394 = vector.shape_cast %get3A_393 : vector<1x16xf32> to vector<16xf32>
    %get3A_395 = arith.index_cast %add3A_377 : i32 to index
    %get3A_396 = arith.constant 32 : index
    %get3A_397 = tpu.vector_load %arg12[%get3A_395, %get3A_396] {strides = array<i32>} : memref<200x64xf32, #tpu.memory_space<vmem>>, vector<1x16xf32>,
    %get3A_398 = vector.shape_cast %get3A_397 : vector<1x16xf32> to vector<16xf32>
    %get3A_399 = arith.index_cast %add3A_377 : i32 to index
    %get3A_400 = arith.constant 48 : index
    %get3A_401 = tpu.vector_load %arg12[%get3A_399, %get3A_400] {strides = array<i32>} : memref<200x64xf32, #tpu.memory_space<vmem>>, vector<1x16xf32>,
    %get3A_402 = vector.shape_cast %get3A_401 : vector<1x16xf32> to vector<16xf32>
    %add3A_403 = arith.constant 0 : i32
    %add3A_404 = vector.broadcast %add3A_403 : i32 to vector<16xi32>
    %add3A_405 = arith.addi %iota3A, %add3A_404 : vector<16xi32>
    %mul3A_406 = arith.constant 200 : i32
    %mul3A_407 = vector.broadcast %mul3A_406 : i32 to vector<16xi32>
    %mul3A_408 = arith.muli %add3A_405, %mul3A_407 : vector<16xi32>
    %add3A_409 = vector.broadcast %add3A_386 : i32 to vector<16xi32>
    %add3A_410 = arith.addi %mul3A_408, %add3A_409 : vector<16xi32>
    %swap3A_411 = arith.constant 2 : i32
    %swap3A_412 = arith.index_cast %swap3A_411 : i32 to index
    %swap3A_413 = arith.constant 0 : index
    %swap3A_414 = tpu.vector_load %arg7[%swap3A_412, %swap3A_413] {strides = array<i32>} : memref<4x128xi32, #tpu.memory_space<vmem>>, vector<1x16xi32>,
    %swap3A_415 = vector.shape_cast %swap3A_414 : vector<1x16xi32> to vector<16xi32>
    %swap3A_416 = vector.shape_cast %add3A_410 : vector<16xi32> to vector<1x16xi32>
    tpu.vector_store %arg7[%swap3A_412, %swap3A_413], %swap3A_416 {strides = array<i32>} : memref<4x128xi32, #tpu.memory_space<vmem>>, vector<1x16xi32>,
    %add3A_417 = arith.constant 16 : i32
    %add3A_418 = vector.broadcast %add3A_417 : i32 to vector<16xi32>
    %add3A_419 = arith.addi %iota3A, %add3A_418 : vector<16xi32>
    %mul3A_420 = arith.constant 200 : i32
    %mul3A_421 = vector.broadcast %mul3A_420 : i32 to vector<16xi32>
    %mul3A_422 = arith.muli %add3A_419, %mul3A_421 : vector<16xi32>
    %add3A_423 = vector.broadcast %add3A_386 : i32 to vector<16xi32>
    %add3A_424 = arith.addi %mul3A_422, %add3A_423 : vector<16xi32>
    %swap3A_425 = arith.constant 2 : i32
    %swap3A_426 = arith.index_cast %swap3A_425 : i32 to index
    %swap3A_427 = arith.constant 16 : index
    %swap3A_428 = tpu.vector_load %arg7[%swap3A_426, %swap3A_427] {strides = array<i32>} : memref<4x128xi32, #tpu.memory_space<vmem>>, vector<1x16xi32>,
    %swap3A_429 = vector.shape_cast %swap3A_428 : vector<1x16xi32> to vector<16xi32>
    %swap3A_430 = vector.shape_cast %add3A_424 : vector<16xi32> to vector<1x16xi32>
    tpu.vector_store %arg7[%swap3A_426, %swap3A_427], %swap3A_430 {strides = array<i32>} : memref<4x128xi32, #tpu.memory_space<vmem>>, vector<1x16xi32>,
    %add3A_431 = arith.constant 32 : i32
    %add3A_432 = vector.broadcast %add3A_431 : i32 to vector<16xi32>
    %add3A_433 = arith.addi %iota3A, %add3A_432 : vector<16xi32>
    %mul3A_434 = arith.constant 200 : i32
    %mul3A_435 = vector.broadcast %mul3A_434 : i32 to vector<16xi32>
    %mul3A_436 = arith.muli %add3A_433, %mul3A_435 : vector<16xi32>
    %add3A_437 = vector.broadcast %add3A_386 : i32 to vector<16xi32>
    %add3A_438 = arith.addi %mul3A_436, %add3A_437 : vector<16xi32>
    %swap3A_439 = arith.constant 2 : i32
    %swap3A_440 = arith.index_cast %swap3A_439 : i32 to index
    %swap3A_441 = arith.constant 32 : index
    %swap3A_442 = tpu.vector_load %arg7[%swap3A_440, %swap3A_441] {strides = array<i32>} : memref<4x128xi32, #tpu.memory_space<vmem>>, vector<1x16xi32>,
    %swap3A_443 = vector.shape_cast %swap3A_442 : vector<1x16xi32> to vector<16xi32>
    %swap3A_444 = vector.shape_cast %add3A_438 : vector<16xi32> to vector<1x16xi32>
    tpu.vector_store %arg7[%swap3A_440, %swap3A_441], %swap3A_444 {strides = array<i32>} : memref<4x128xi32, #tpu.memory_space<vmem>>, vector<1x16xi32>,
    %add3A_445 = arith.constant 48 : i32
    %add3A_446 = vector.broadcast %add3A_445 : i32 to vector<16xi32>
    %add3A_447 = arith.addi %iota3A, %add3A_446 : vector<16xi32>
    %mul3A_448 = arith.constant 200 : i32
    %mul3A_449 = vector.broadcast %mul3A_448 : i32 to vector<16xi32>
    %mul3A_450 = arith.muli %add3A_447, %mul3A_449 : vector<16xi32>
    %add3A_451 = vector.broadcast %add3A_386 : i32 to vector<16xi32>
    %add3A_452 = arith.addi %mul3A_450, %add3A_451 : vector<16xi32>
    %swap3A_453 = arith.constant 2 : i32
    %swap3A_454 = arith.index_cast %swap3A_453 : i32 to index
    %swap3A_455 = arith.constant 48 : index
    %swap3A_456 = tpu.vector_load %arg7[%swap3A_454, %swap3A_455] {strides = array<i32>} : memref<4x128xi32, #tpu.memory_space<vmem>>, vector<1x16xi32>,
    %swap3A_457 = vector.shape_cast %swap3A_456 : vector<1x16xi32> to vector<16xi32>
    %swap3A_458 = vector.shape_cast %add3A_452 : vector<16xi32> to vector<1x16xi32>
    tpu.vector_store %arg7[%swap3A_454, %swap3A_455], %swap3A_458 {strides = array<i32>} : memref<4x128xi32, #tpu.memory_space<vmem>>, vector<1x16xi32>,
    %add3A_459 = arith.constant 64 : i32
    %add3A_460 = vector.broadcast %add3A_459 : i32 to vector<16xi32>
    %add3A_461 = arith.addi %iota3A, %add3A_460 : vector<16xi32>
    %mul3A_462 = arith.constant 200 : i32
    %mul3A_463 = vector.broadcast %mul3A_462 : i32 to vector<16xi32>
    %mul3A_464 = arith.muli %add3A_461, %mul3A_463 : vector<16xi32>
    %add3A_465 = vector.broadcast %add3A_386 : i32 to vector<16xi32>
    %add3A_466 = arith.addi %mul3A_464, %add3A_465 : vector<16xi32>
    %swap3A_467 = arith.constant 2 : i32
    %swap3A_468 = arith.index_cast %swap3A_467 : i32 to index
    %swap3A_469 = arith.constant 64 : index
    %swap3A_470 = tpu.vector_load %arg7[%swap3A_468, %swap3A_469] {strides = array<i32>} : memref<4x128xi32, #tpu.memory_space<vmem>>, vector<1x16xi32>,
    %swap3A_471 = vector.shape_cast %swap3A_470 : vector<1x16xi32> to vector<16xi32>
    %swap3A_472 = vector.shape_cast %add3A_466 : vector<16xi32> to vector<1x16xi32>
    tpu.vector_store %arg7[%swap3A_468, %swap3A_469], %swap3A_472 {strides = array<i32>} : memref<4x128xi32, #tpu.memory_space<vmem>>, vector<1x16xi32>,
    %add3A_473 = arith.constant 80 : i32
    %add3A_474 = vector.broadcast %add3A_473 : i32 to vector<16xi32>
    %add3A_475 = arith.addi %iota3A, %add3A_474 : vector<16xi32>
    %mul3A_476 = arith.constant 200 : i32
    %mul3A_477 = vector.broadcast %mul3A_476 : i32 to vector<16xi32>
    %mul3A_478 = arith.muli %add3A_475, %mul3A_477 : vector<16xi32>
    %add3A_479 = vector.broadcast %add3A_386 : i32 to vector<16xi32>
    %add3A_480 = arith.addi %mul3A_478, %add3A_479 : vector<16xi32>
    %swap3A_481 = arith.constant 2 : i32
    %swap3A_482 = arith.index_cast %swap3A_481 : i32 to index
    %swap3A_483 = arith.constant 80 : index
    %swap3A_484 = tpu.vector_load %arg7[%swap3A_482, %swap3A_483] {strides = array<i32>} : memref<4x128xi32, #tpu.memory_space<vmem>>, vector<1x16xi32>,
    %swap3A_485 = vector.shape_cast %swap3A_484 : vector<1x16xi32> to vector<16xi32>
    %swap3A_486 = vector.shape_cast %add3A_480 : vector<16xi32> to vector<1x16xi32>
    tpu.vector_store %arg7[%swap3A_482, %swap3A_483], %swap3A_486 {strides = array<i32>} : memref<4x128xi32, #tpu.memory_space<vmem>>, vector<1x16xi32>,
    %add3A_487 = arith.constant 96 : i32
    %add3A_488 = vector.broadcast %add3A_487 : i32 to vector<16xi32>
    %add3A_489 = arith.addi %iota3A, %add3A_488 : vector<16xi32>
    %mul3A_490 = arith.constant 200 : i32
    %mul3A_491 = vector.broadcast %mul3A_490 : i32 to vector<16xi32>
    %mul3A_492 = arith.muli %add3A_489, %mul3A_491 : vector<16xi32>
    %add3A_493 = vector.broadcast %add3A_386 : i32 to vector<16xi32>
    %add3A_494 = arith.addi %mul3A_492, %add3A_493 : vector<16xi32>
    %swap3A_495 = arith.constant 2 : i32
    %swap3A_496 = arith.index_cast %swap3A_495 : i32 to index
    %swap3A_497 = arith.constant 96 : index
    %swap3A_498 = tpu.vector_load %arg7[%swap3A_496, %swap3A_497] {strides = array<i32>} : memref<4x128xi32, #tpu.memory_space<vmem>>, vector<1x16xi32>,
    %swap3A_499 = vector.shape_cast %swap3A_498 : vector<1x16xi32> to vector<16xi32>
    %swap3A_500 = vector.shape_cast %add3A_494 : vector<16xi32> to vector<1x16xi32>
    tpu.vector_store %arg7[%swap3A_496, %swap3A_497], %swap3A_500 {strides = array<i32>} : memref<4x128xi32, #tpu.memory_space<vmem>>, vector<1x16xi32>,
    %add3A_501 = arith.constant 112 : i32
    %add3A_502 = vector.broadcast %add3A_501 : i32 to vector<16xi32>
    %add3A_503 = arith.addi %iota3A, %add3A_502 : vector<16xi32>
    %mul3A_504 = arith.constant 200 : i32
    %mul3A_505 = vector.broadcast %mul3A_504 : i32 to vector<16xi32>
    %mul3A_506 = arith.muli %add3A_503, %mul3A_505 : vector<16xi32>
    %add3A_507 = vector.broadcast %add3A_386 : i32 to vector<16xi32>
    %add3A_508 = arith.addi %mul3A_506, %add3A_507 : vector<16xi32>
    %swap3A_509 = arith.constant 2 : i32
    %swap3A_510 = arith.index_cast %swap3A_509 : i32 to index
    %swap3A_511 = arith.constant 112 : index
    %swap3A_512 = tpu.vector_load %arg7[%swap3A_510, %swap3A_511] {strides = array<i32>} : memref<4x128xi32, #tpu.memory_space<vmem>>, vector<1x16xi32>,
    %swap3A_513 = vector.shape_cast %swap3A_512 : vector<1x16xi32> to vector<16xi32>
    %swap3A_514 = vector.shape_cast %add3A_508 : vector<16xi32> to vector<1x16xi32>
    tpu.vector_store %arg7[%swap3A_510, %swap3A_511], %swap3A_514 {strides = array<i32>} : memref<4x128xi32, #tpu.memory_space<vmem>>, vector<1x16xi32>,
    %scan3A_515 = arith.constant 0 : i32
    %scan3A_516 = arith.constant 0 : i32
    %scan3A_517 = arith.constant 32 : i32
    %scan3A_518 = arith.addi %scan3A_516, %scan3A_517 : i32
    %scan3A_519 = arith.constant 1 : i32
    scf.for %scan3A_722 = %scan3A_516 to %scan3A_518 step %scan3A_519  : i32 {
      %mul3A_723 = arith.constant 4 : i32
      %mul3A_724 = arith.muli %scan3A_722, %mul3A_723 : i32
      %add3A_725 = arith.constant 0 : i32
      %add3A_726 = arith.addi %mul3A_724, %add3A_725 : i32
      %swap3A_727 = arith.index_cast %add3A_726 : i32 to index
      %swap3A_728 = arith.constant 0 : index
      %swap3A_729 = tpu.vector_load %arg10[%swap3A_727, %swap3A_728] {strides = array<i32>} : memref<128x64xf32, #tpu.memory_space<vmem>>, vector<1x16xf32>,
      %swap3A_730 = vector.shape_cast %swap3A_729 : vector<1x16xf32> to vector<16xf32>
      %swap3A_731 = vector.shape_cast %get3A_390 : vector<16xf32> to vector<1x16xf32>
      tpu.vector_store %arg10[%swap3A_727, %swap3A_728], %swap3A_731 {add = true, strides = array<i32>} : memref<128x64xf32, #tpu.memory_space<vmem>>, vector<1x16xf32>,
      %swap3A_732 = arith.index_cast %add3A_726 : i32 to index
      %swap3A_733 = arith.constant 16 : index
      %swap3A_734 = tpu.vector_load %arg10[%swap3A_732, %swap3A_733] {strides = array<i32>} : memref<128x64xf32, #tpu.memory_space<vmem>>, vector<1x16xf32>,
      %swap3A_735 = vector.shape_cast %swap3A_734 : vector<1x16xf32> to vector<16xf32>
      %swap3A_736 = vector.shape_cast %get3A_394 : vector<16xf32> to vector<1x16xf32>
      tpu.vector_store %arg10[%swap3A_732, %swap3A_733], %swap3A_736 {add = true, strides = array<i32>} : memref<128x64xf32, #tpu.memory_space<vmem>>, vector<1x16xf32>,
      %swap3A_737 = arith.index_cast %add3A_726 : i32 to index
      %swap3A_738 = arith.constant 32 : index
      %swap3A_739 = tpu.vector_load %arg10[%swap3A_737, %swap3A_738] {strides = array<i32>} : memref<128x64xf32, #tpu.memory_space<vmem>>, vector<1x16xf32>,
      %swap3A_740 = vector.shape_cast %swap3A_739 : vector<1x16xf32> to vector<16xf32>
      %swap3A_741 = vector.shape_cast %get3A_398 : vector<16xf32> to vector<1x16xf32>
      tpu.vector_store %arg10[%swap3A_737, %swap3A_738], %swap3A_741 {add = true, strides = array<i32>} : memref<128x64xf32, #tpu.memory_space<vmem>>, vector<1x16xf32>,
      %swap3A_742 = arith.index_cast %add3A_726 : i32 to index
      %swap3A_743 = arith.constant 48 : index
      %swap3A_744 = tpu.vector_load %arg10[%swap3A_742, %swap3A_743] {strides = array<i32>} : memref<128x64xf32, #tpu.memory_space<vmem>>, vector<1x16xf32>,
      %swap3A_745 = vector.shape_cast %swap3A_744 : vector<1x16xf32> to vector<16xf32>
      %swap3A_746 = vector.shape_cast %get3A_402 : vector<16xf32> to vector<1x16xf32>
      tpu.vector_store %arg10[%swap3A_742, %swap3A_743], %swap3A_746 {add = true, strides = array<i32>} : memref<128x64xf32, #tpu.memory_space<vmem>>, vector<1x16xf32>,
      %add3A_747 = arith.constant 1 : i32
      %add3A_748 = arith.addi %mul3A_724, %add3A_747 : i32
      %swap3A_749 = arith.index_cast %add3A_748 : i32 to index
      %swap3A_750 = arith.constant 0 : index
      %swap3A_751 = tpu.vector_load %arg10[%swap3A_749, %swap3A_750] {strides = array<i32>} : memref<128x64xf32, #tpu.memory_space<vmem>>, vector<1x16xf32>,
      %swap3A_752 = vector.shape_cast %swap3A_751 : vector<1x16xf32> to vector<16xf32>
      %swap3A_753 = vector.shape_cast %get3A_390 : vector<16xf32> to vector<1x16xf32>
      tpu.vector_store %arg10[%swap3A_749, %swap3A_750], %swap3A_753 {add = true, strides = array<i32>} : memref<128x64xf32, #tpu.memory_space<vmem>>, vector<1x16xf32>,
      %swap3A_754 = arith.index_cast %add3A_748 : i32 to index
      %swap3A_755 = arith.constant 16 : index
      %swap3A_756 = tpu.vector_load %arg10[%swap3A_754, %swap3A_755] {strides = array<i32>} : memref<128x64xf32, #tpu.memory_space<vmem>>, vector<1x16xf32>,
      %swap3A_757 = vector.shape_cast %swap3A_756 : vector<1x16xf32> to vector<16xf32>
      %swap3A_758 = vector.shape_cast %get3A_394 : vector<16xf32> to vector<1x16xf32>
      tpu.vector_store %arg10[%swap3A_754, %swap3A_755], %swap3A_758 {add = true, strides = array<i32>} : memref<128x64xf32, #tpu.memory_space<vmem>>, vector<1x16xf32>,
      %swap3A_759 = arith.index_cast %add3A_748 : i32 to index
      %swap3A_760 = arith.constant 32 : index
      %swap3A_761 = tpu.vector_load %arg10[%swap3A_759, %swap3A_760] {strides = array<i32>} : memref<128x64xf32, #tpu.memory_space<vmem>>, vector<1x16xf32>,
      %swap3A_762 = vector.shape_cast %swap3A_761 : vector<1x16xf32> to vector<16xf32>
      %swap3A_763 = vector.shape_cast %get3A_398 : vector<16xf32> to vector<1x16xf32>
      tpu.vector_store %arg10[%swap3A_759, %swap3A_760], %swap3A_763 {add = true, strides = array<i32>} : memref<128x64xf32, #tpu.memory_space<vmem>>, vector<1x16xf32>,
      %swap3A_764 = arith.index_cast %add3A_748 : i32 to index
      %swap3A_765 = arith.constant 48 : index
      %swap3A_766 = tpu.vector_load %arg10[%swap3A_764, %swap3A_765] {strides = array<i32>} : memref<128x64xf32, #tpu.memory_space<vmem>>, vector<1x16xf32>,
      %swap3A_767 = vector.shape_cast %swap3A_766 : vector<1x16xf32> to vector<16xf32>
      %swap3A_768 = vector.shape_cast %get3A_402 : vector<16xf32> to vector<1x16xf32>
      tpu.vector_store %arg10[%swap3A_764, %swap3A_765], %swap3A_768 {add = true, strides = array<i32>} : memref<128x64xf32, #tpu.memory_space<vmem>>, vector<1x16xf32>,
      %add3A_769 = arith.constant 2 : i32
      %add3A_770 = arith.addi %mul3A_724, %add3A_769 : i32
      %swap3A_771 = arith.index_cast %add3A_770 : i32 to index
      %swap3A_772 = arith.constant 0 : index
      %swap3A_773 = tpu.vector_load %arg10[%swap3A_771, %swap3A_772] {strides = array<i32>} : memref<128x64xf32, #tpu.memory_space<vmem>>, vector<1x16xf32>,
      %swap3A_774 = vector.shape_cast %swap3A_773 : vector<1x16xf32> to vector<16xf32>
      %swap3A_775 = vector.shape_cast %get3A_390 : vector<16xf32> to vector<1x16xf32>
      tpu.vector_store %arg10[%swap3A_771, %swap3A_772], %swap3A_775 {add = true, strides = array<i32>} : memref<128x64xf32, #tpu.memory_space<vmem>>, vector<1x16xf32>,
      %swap3A_776 = arith.index_cast %add3A_770 : i32 to index
      %swap3A_777 = arith.constant 16 : index
      %swap3A_778 = tpu.vector_load %arg10[%swap3A_776, %swap3A_777] {strides = array<i32>} : memref<128x64xf32, #tpu.memory_space<vmem>>, vector<1x16xf32>,
      %swap3A_779 = vector.shape_cast %swap3A_778 : vector<1x16xf32> to vector<16xf32>
      %swap3A_780 = vector.shape_cast %get3A_394 : vector<16xf32> to vector<1x16xf32>
      tpu.vector_store %arg10[%swap3A_776, %swap3A_777], %swap3A_780 {add = true, strides = array<i32>} : memref<128x64xf32, #tpu.memory_space<vmem>>, vector<1x16xf32>,
      %swap3A_781 = arith.index_cast %add3A_770 : i32 to index
      %swap3A_782 = arith.constant 32 : index
      %swap3A_783 = tpu.vector_load %arg10[%swap3A_781, %swap3A_782] {strides = array<i32>} : memref<128x64xf32, #tpu.memory_space<vmem>>, vector<1x16xf32>,
      %swap3A_784 = vector.shape_cast %swap3A_783 : vector<1x16xf32> to vector<16xf32>
      %swap3A_785 = vector.shape_cast %get3A_398 : vector<16xf32> to vector<1x16xf32>
      tpu.vector_store %arg10[%swap3A_781, %swap3A_782], %swap3A_785 {add = true, strides = array<i32>} : memref<128x64xf32, #tpu.memory_space<vmem>>, vector<1x16xf32>,
      %swap3A_786 = arith.index_cast %add3A_770 : i32 to index
      %swap3A_787 = arith.constant 48 : index
      %swap3A_788 = tpu.vector_load %arg10[%swap3A_786, %swap3A_787] {strides = array<i32>} : memref<128x64xf32, #tpu.memory_space<vmem>>, vector<1x16xf32>,
      %swap3A_789 = vector.shape_cast %swap3A_788 : vector<1x16xf32> to vector<16xf32>
      %swap3A_790 = vector.shape_cast %get3A_402 : vector<16xf32> to vector<1x16xf32>
      tpu.vector_store %arg10[%swap3A_786, %swap3A_787], %swap3A_790 {add = true, strides = array<i32>} : memref<128x64xf32, #tpu.memory_space<vmem>>, vector<1x16xf32>,
      %add3A_791 = arith.constant 3 : i32
      %add3A_792 = arith.addi %mul3A_724, %add3A_791 : i32
      %swap3A_793 = arith.index_cast %add3A_792 : i32 to index
      %swap3A_794 = arith.constant 0 : index
      %swap3A_795 = tpu.vector_load %arg10[%swap3A_793, %swap3A_794] {strides = array<i32>} : memref<128x64xf32, #tpu.memory_space<vmem>>, vector<1x16xf32>,
      %swap3A_796 = vector.shape_cast %swap3A_795 : vector<1x16xf32> to vector<16xf32>
      %swap3A_797 = vector.shape_cast %get3A_390 : vector<16xf32> to vector<1x16xf32>
      tpu.vector_store %arg10[%swap3A_793, %swap3A_794], %swap3A_797 {add = true, strides = array<i32>} : memref<128x64xf32, #tpu.memory_space<vmem>>, vector<1x16xf32>,
      %swap3A_798 = arith.index_cast %add3A_792 : i32 to index
      %swap3A_799 = arith.constant 16 : index
      %swap3A_800 = tpu.vector_load %arg10[%swap3A_798, %swap3A_799] {strides = array<i32>} : memref<128x64xf32, #tpu.memory_space<vmem>>, vector<1x16xf32>,
      %swap3A_801 = vector.shape_cast %swap3A_800 : vector<1x16xf32> to vector<16xf32>
      %swap3A_802 = vector.shape_cast %get3A_394 : vector<16xf32> to vector<1x16xf32>
      tpu.vector_store %arg10[%swap3A_798, %swap3A_799], %swap3A_802 {add = true, strides = array<i32>} : memref<128x64xf32, #tpu.memory_space<vmem>>, vector<1x16xf32>,
      %swap3A_803 = arith.index_cast %add3A_792 : i32 to index
      %swap3A_804 = arith.constant 32 : index
      %swap3A_805 = tpu.vector_load %arg10[%swap3A_803, %swap3A_804] {strides = array<i32>} : memref<128x64xf32, #tpu.memory_space<vmem>>, vector<1x16xf32>,
      %swap3A_806 = vector.shape_cast %swap3A_805 : vector<1x16xf32> to vector<16xf32>
      %swap3A_807 = vector.shape_cast %get3A_398 : vector<16xf32> to vector<1x16xf32>
      tpu.vector_store %arg10[%swap3A_803, %swap3A_804], %swap3A_807 {add = true, strides = array<i32>} : memref<128x64xf32, #tpu.memory_space<vmem>>, vector<1x16xf32>,
      %swap3A_808 = arith.index_cast %add3A_792 : i32 to index
      %swap3A_809 = arith.constant 48 : index
      %swap3A_810 = tpu.vector_load %arg10[%swap3A_808, %swap3A_809] {strides = array<i32>} : memref<128x64xf32, #tpu.memory_space<vmem>>, vector<1x16xf32>,
      %swap3A_811 = vector.shape_cast %swap3A_810 : vector<1x16xf32> to vector<16xf32>
      %swap3A_812 = vector.shape_cast %get3A_402 : vector<16xf32> to vector<1x16xf32>
      tpu.vector_store %arg10[%swap3A_808, %swap3A_809], %swap3A_812 {add = true, strides = array<i32>} : memref<128x64xf32, #tpu.memory_space<vmem>>, vector<1x16xf32>,
    }
    %scan3A_520 = arith.constant 32 : i32
    %dma_start3A_521 = arith.constant 2 : i32
    %dma_start3A_522 = arith.constant 0 : i32
    %dma_start3A_523 = tpu.memref_slice %arg7[%dma_start3A_521, %dma_start3A_522] : memref<4x128xi32, #tpu.memory_space<vmem>> -> memref<1x128xi32, #tpu.memory_space<vmem>>
    %dma_start3A_524 = tpu.memref_squeeze %dma_start3A_523 : memref<1x128xi32, #tpu.memory_space<vmem>> -> memref<128xi32, #tpu.memory_space<vmem>>
    %dma_start3A_525 = arith.constant 0 : i32
    %dma_start3A_526 = arith.constant 0 : i32
    %dma_start3A_527 = tpu.memref_slice %arg5[%dma_start3A_525, %dma_start3A_526] : memref<819200x64xf32, #tpu.memory_space<hbm>> -> memref<819200x64xf32, #tpu.memory_space<hbm>>
    tpu.enqueue_indirect_dma source(%arg10 : memref<128x64xf32, #tpu.memory_space<vmem>>) target(%dma_start3A_527 : memref<819200x64xf32, #tpu.memory_space<hbm>>) offsets(%dma_start3A_524 : memref<128xi32, #tpu.memory_space<vmem>>) semaphore(%arg19 : memref<!tpu.dma_semaphore, #tpu.memory_space<semaphore_mem>>)
    %dma_wait3A_528 = arith.constant 199 : i32
    %dma_wait3A_529 = arith.constant 0 : i32
    %dma_wait3A_530 = tpu.memref_slice %arg6[%dma_wait3A_528, %dma_wait3A_529] : memref<200x128xi32, #tpu.memory_space<vmem>> -> memref<1x128xi32, #tpu.memory_space<vmem>>
    %dma_wait3A_531 = tpu.memref_squeeze %dma_wait3A_530 : memref<1x128xi32, #tpu.memory_space<vmem>> -> memref<128xi32, #tpu.memory_space<vmem>>
    %dma_wait3A_532 = arith.constant 0 : i32
    %dma_wait3A_533 = arith.constant 0 : i32
    %dma_wait3A_534 = tpu.memref_slice %arg3[%dma_wait3A_532, %dma_wait3A_533] : memref<1000000x64xf32, #tpu.memory_space<hbm>> -> memref<1000000x64xf32, #tpu.memory_space<hbm>>
    tpu.wait_indirect_dma semaphore(%arg16 : memref<!tpu.dma_semaphore, #tpu.memory_space<semaphore_mem>>) src(%dma_wait3A_534 : memref<1000000x64xf32, #tpu.memory_space<hbm>>) dst(%arg11 : memref<128x64xf32, #tpu.memory_space<vmem>>)
    %add3A_535 = arith.constant 199 : i32
    %add3A_536 = arith.addi %mul3A_2, %add3A_535 : i32
    %shift_right_logical3A_537 = arith.constant 8 : i32
    %shift_right_logical3A_538 = arith.shrui %add3A_536, %shift_right_logical3A_537 : i32
    %mul3A_539 = arith.constant 8 : i32
    %mul3A_540 = arith.muli %shift_right_logical3A_538, %mul3A_539 : i32
    %and3A_541 = arith.constant 7 : i32
    %and3A_542 = arith.andi %add3A_536, %and3A_541 : i32
    %add3A_543 = arith.addi %mul3A_540, %and3A_542 : i32
    %shift_right_logical3A_544 = arith.constant 3 : i32
    %shift_right_logical3A_545 = arith.shrui %add3A_536, %shift_right_logical3A_544 : i32
    %and3A_546 = arith.constant 31 : i32
    %and3A_547 = arith.andi %shift_right_logical3A_545, %and3A_546 : i32
    %mul3A_548 = arith.constant 128 : i32
    %mul3A_549 = arith.muli %and3A_547, %mul3A_548 : i32
    %mul3A_550 = arith.constant 200 : i32
    %mul3A_551 = arith.muli %mul3A_549, %mul3A_550 : i32
    %add3A_552 = arith.addi %mul3A_551, %add3A_543 : i32
    %get3A_553 = arith.index_cast %add3A_543 : i32 to index
    %get3A_554 = arith.constant 0 : index
    %get3A_555 = tpu.vector_load %arg12[%get3A_553, %get3A_554] {strides = array<i32>} : memref<200x64xf32, #tpu.memory_space<vmem>>, vector<1x16xf32>,
    %get3A_556 = vector.shape_cast %get3A_555 : vector<1x16xf32> to vector<16xf32>
    %get3A_557 = arith.index_cast %add3A_543 : i32 to index
    %get3A_558 = arith.constant 16 : index
    %get3A_559 = tpu.vector_load %arg12[%get3A_557, %get3A_558] {strides = array<i32>} : memref<200x64xf32, #tpu.memory_space<vmem>>, vector<1x16xf32>,
    %get3A_560 = vector.shape_cast %get3A_559 : vector<1x16xf32> to vector<16xf32>
    %get3A_561 = arith.index_cast %add3A_543 : i32 to index
    %get3A_562 = arith.constant 32 : index
    %get3A_563 = tpu.vector_load %arg12[%get3A_561, %get3A_562] {strides = array<i32>} : memref<200x64xf32, #tpu.memory_space<vmem>>, vector<1x16xf32>,
    %get3A_564 = vector.shape_cast %get3A_563 : vector<1x16xf32> to vector<16xf32>
    %get3A_565 = arith.index_cast %add3A_543 : i32 to index
    %get3A_566 = arith.constant 48 : index
    %get3A_567 = tpu.vector_load %arg12[%get3A_565, %get3A_566] {strides = array<i32>} : memref<200x64xf32, #tpu.memory_space<vmem>>, vector<1x16xf32>,
    %get3A_568 = vector.shape_cast %get3A_567 : vector<1x16xf32> to vector<16xf32>
    %add3A_569 = arith.constant 0 : i32
    %add3A_570 = vector.broadcast %add3A_569 : i32 to vector<16xi32>
    %add3A_571 = arith.addi %iota3A, %add3A_570 : vector<16xi32>
    %mul3A_572 = arith.constant 200 : i32
    %mul3A_573 = vector.broadcast %mul3A_572 : i32 to vector<16xi32>
    %mul3A_574 = arith.muli %add3A_571, %mul3A_573 : vector<16xi32>
    %add3A_575 = vector.broadcast %add3A_552 : i32 to vector<16xi32>
    %add3A_576 = arith.addi %mul3A_574, %add3A_575 : vector<16xi32>
    %swap3A_577 = arith.constant 3 : i32
    %swap3A_578 = arith.index_cast %swap3A_577 : i32 to index
    %swap3A_579 = arith.constant 0 : index
    %swap3A_580 = tpu.vector_load %arg7[%swap3A_578, %swap3A_579] {strides = array<i32>} : memref<4x128xi32, #tpu.memory_space<vmem>>, vector<1x16xi32>,
    %swap3A_581 = vector.shape_cast %swap3A_580 : vector<1x16xi32> to vector<16xi32>
    %swap3A_582 = vector.shape_cast %add3A_576 : vector<16xi32> to vector<1x16xi32>
    tpu.vector_store %arg7[%swap3A_578, %swap3A_579], %swap3A_582 {strides = array<i32>} : memref<4x128xi32, #tpu.memory_space<vmem>>, vector<1x16xi32>,
    %add3A_583 = arith.constant 16 : i32
    %add3A_584 = vector.broadcast %add3A_583 : i32 to vector<16xi32>
    %add3A_585 = arith.addi %iota3A, %add3A_584 : vector<16xi32>
    %mul3A_586 = arith.constant 200 : i32
    %mul3A_587 = vector.broadcast %mul3A_586 : i32 to vector<16xi32>
    %mul3A_588 = arith.muli %add3A_585, %mul3A_587 : vector<16xi32>
    %add3A_589 = vector.broadcast %add3A_552 : i32 to vector<16xi32>
    %add3A_590 = arith.addi %mul3A_588, %add3A_589 : vector<16xi32>
    %swap3A_591 = arith.constant 3 : i32
    %swap3A_592 = arith.index_cast %swap3A_591 : i32 to index
    %swap3A_593 = arith.constant 16 : index
    %swap3A_594 = tpu.vector_load %arg7[%swap3A_592, %swap3A_593] {strides = array<i32>} : memref<4x128xi32, #tpu.memory_space<vmem>>, vector<1x16xi32>,
    %swap3A_595 = vector.shape_cast %swap3A_594 : vector<1x16xi32> to vector<16xi32>
    %swap3A_596 = vector.shape_cast %add3A_590 : vector<16xi32> to vector<1x16xi32>
    tpu.vector_store %arg7[%swap3A_592, %swap3A_593], %swap3A_596 {strides = array<i32>} : memref<4x128xi32, #tpu.memory_space<vmem>>, vector<1x16xi32>,
    %add3A_597 = arith.constant 32 : i32
    %add3A_598 = vector.broadcast %add3A_597 : i32 to vector<16xi32>
    %add3A_599 = arith.addi %iota3A, %add3A_598 : vector<16xi32>
    %mul3A_600 = arith.constant 200 : i32
    %mul3A_601 = vector.broadcast %mul3A_600 : i32 to vector<16xi32>
    %mul3A_602 = arith.muli %add3A_599, %mul3A_601 : vector<16xi32>
    %add3A_603 = vector.broadcast %add3A_552 : i32 to vector<16xi32>
    %add3A_604 = arith.addi %mul3A_602, %add3A_603 : vector<16xi32>
    %swap3A_605 = arith.constant 3 : i32
    %swap3A_606 = arith.index_cast %swap3A_605 : i32 to index
    %swap3A_607 = arith.constant 32 : index
    %swap3A_608 = tpu.vector_load %arg7[%swap3A_606, %swap3A_607] {strides = array<i32>} : memref<4x128xi32, #tpu.memory_space<vmem>>, vector<1x16xi32>,
    %swap3A_609 = vector.shape_cast %swap3A_608 : vector<1x16xi32> to vector<16xi32>
    %swap3A_610 = vector.shape_cast %add3A_604 : vector<16xi32> to vector<1x16xi32>
    tpu.vector_store %arg7[%swap3A_606, %swap3A_607], %swap3A_610 {strides = array<i32>} : memref<4x128xi32, #tpu.memory_space<vmem>>, vector<1x16xi32>,
    %add3A_611 = arith.constant 48 : i32
    %add3A_612 = vector.broadcast %add3A_611 : i32 to vector<16xi32>
    %add3A_613 = arith.addi %iota3A, %add3A_612 : vector<16xi32>
    %mul3A_614 = arith.constant 200 : i32
    %mul3A_615 = vector.broadcast %mul3A_614 : i32 to vector<16xi32>
    %mul3A_616 = arith.muli %add3A_613, %mul3A_615 : vector<16xi32>
    %add3A_617 = vector.broadcast %add3A_552 : i32 to vector<16xi32>
    %add3A_618 = arith.addi %mul3A_616, %add3A_617 : vector<16xi32>
    %swap3A_619 = arith.constant 3 : i32
    %swap3A_620 = arith.index_cast %swap3A_619 : i32 to index
    %swap3A_621 = arith.constant 48 : index
    %swap3A_622 = tpu.vector_load %arg7[%swap3A_620, %swap3A_621] {strides = array<i32>} : memref<4x128xi32, #tpu.memory_space<vmem>>, vector<1x16xi32>,
    %swap3A_623 = vector.shape_cast %swap3A_622 : vector<1x16xi32> to vector<16xi32>
    %swap3A_624 = vector.shape_cast %add3A_618 : vector<16xi32> to vector<1x16xi32>
    tpu.vector_store %arg7[%swap3A_620, %swap3A_621], %swap3A_624 {strides = array<i32>} : memref<4x128xi32, #tpu.memory_space<vmem>>, vector<1x16xi32>,
    %add3A_625 = arith.constant 64 : i32
    %add3A_626 = vector.broadcast %add3A_625 : i32 to vector<16xi32>
    %add3A_627 = arith.addi %iota3A, %add3A_626 : vector<16xi32>
    %mul3A_628 = arith.constant 200 : i32
    %mul3A_629 = vector.broadcast %mul3A_628 : i32 to vector<16xi32>
    %mul3A_630 = arith.muli %add3A_627, %mul3A_629 : vector<16xi32>
    %add3A_631 = vector.broadcast %add3A_552 : i32 to vector<16xi32>
    %add3A_632 = arith.addi %mul3A_630, %add3A_631 : vector<16xi32>
    %swap3A_633 = arith.constant 3 : i32
    %swap3A_634 = arith.index_cast %swap3A_633 : i32 to index
    %swap3A_635 = arith.constant 64 : index
    %swap3A_636 = tpu.vector_load %arg7[%swap3A_634, %swap3A_635] {strides = array<i32>} : memref<4x128xi32, #tpu.memory_space<vmem>>, vector<1x16xi32>,
    %swap3A_637 = vector.shape_cast %swap3A_636 : vector<1x16xi32> to vector<16xi32>
    %swap3A_638 = vector.shape_cast %add3A_632 : vector<16xi32> to vector<1x16xi32>
    tpu.vector_store %arg7[%swap3A_634, %swap3A_635], %swap3A_638 {strides = array<i32>} : memref<4x128xi32, #tpu.memory_space<vmem>>, vector<1x16xi32>,
    %add3A_639 = arith.constant 80 : i32
    %add3A_640 = vector.broadcast %add3A_639 : i32 to vector<16xi32>
    %add3A_641 = arith.addi %iota3A, %add3A_640 : vector<16xi32>
    %mul3A_642 = arith.constant 200 : i32
    %mul3A_643 = vector.broadcast %mul3A_642 : i32 to vector<16xi32>
    %mul3A_644 = arith.muli %add3A_641, %mul3A_643 : vector<16xi32>
    %add3A_645 = vector.broadcast %add3A_552 : i32 to vector<16xi32>
    %add3A_646 = arith.addi %mul3A_644, %add3A_645 : vector<16xi32>
    %swap3A_647 = arith.constant 3 : i32
    %swap3A_648 = arith.index_cast %swap3A_647 : i32 to index
    %swap3A_649 = arith.constant 80 : index
    %swap3A_650 = tpu.vector_load %arg7[%swap3A_648, %swap3A_649] {strides = array<i32>} : memref<4x128xi32, #tpu.memory_space<vmem>>, vector<1x16xi32>,
    %swap3A_651 = vector.shape_cast %swap3A_650 : vector<1x16xi32> to vector<16xi32>
    %swap3A_652 = vector.shape_cast %add3A_646 : vector<16xi32> to vector<1x16xi32>
    tpu.vector_store %arg7[%swap3A_648, %swap3A_649], %swap3A_652 {strides = array<i32>} : memref<4x128xi32, #tpu.memory_space<vmem>>, vector<1x16xi32>,
    %add3A_653 = arith.constant 96 : i32
    %add3A_654 = vector.broadcast %add3A_653 : i32 to vector<16xi32>
    %add3A_655 = arith.addi %iota3A, %add3A_654 : vector<16xi32>
    %mul3A_656 = arith.constant 200 : i32
    %mul3A_657 = vector.broadcast %mul3A_656 : i32 to vector<16xi32>
    %mul3A_658 = arith.muli %add3A_655, %mul3A_657 : vector<16xi32>
    %add3A_659 = vector.broadcast %add3A_552 : i32 to vector<16xi32>
    %add3A_660 = arith.addi %mul3A_658, %add3A_659 : vector<16xi32>
    %swap3A_661 = arith.constant 3 : i32
    %swap3A_662 = arith.index_cast %swap3A_661 : i32 to index
    %swap3A_663 = arith.constant 96 : index
    %swap3A_664 = tpu.vector_load %arg7[%swap3A_662, %swap3A_663] {strides = array<i32>} : memref<4x128xi32, #tpu.memory_space<vmem>>, vector<1x16xi32>,
    %swap3A_665 = vector.shape_cast %swap3A_664 : vector<1x16xi32> to vector<16xi32>
    %swap3A_666 = vector.shape_cast %add3A_660 : vector<16xi32> to vector<1x16xi32>
    tpu.vector_store %arg7[%swap3A_662, %swap3A_663], %swap3A_666 {strides = array<i32>} : memref<4x128xi32, #tpu.memory_space<vmem>>, vector<1x16xi32>,
    %add3A_667 = arith.constant 112 : i32
    %add3A_668 = vector.broadcast %add3A_667 : i32 to vector<16xi32>
    %add3A_669 = arith.addi %iota3A, %add3A_668 : vector<16xi32>
    %mul3A_670 = arith.constant 200 : i32
    %mul3A_671 = vector.broadcast %mul3A_670 : i32 to vector<16xi32>
    %mul3A_672 = arith.muli %add3A_669, %mul3A_671 : vector<16xi32>
    %add3A_673 = vector.broadcast %add3A_552 : i32 to vector<16xi32>
    %add3A_674 = arith.addi %mul3A_672, %add3A_673 : vector<16xi32>
    %swap3A_675 = arith.constant 3 : i32
    %swap3A_676 = arith.index_cast %swap3A_675 : i32 to index
    %swap3A_677 = arith.constant 112 : index
    %swap3A_678 = tpu.vector_load %arg7[%swap3A_676, %swap3A_677] {strides = array<i32>} : memref<4x128xi32, #tpu.memory_space<vmem>>, vector<1x16xi32>,
    %swap3A_679 = vector.shape_cast %swap3A_678 : vector<1x16xi32> to vector<16xi32>
    %swap3A_680 = vector.shape_cast %add3A_674 : vector<16xi32> to vector<1x16xi32>
    tpu.vector_store %arg7[%swap3A_676, %swap3A_677], %swap3A_680 {strides = array<i32>} : memref<4x128xi32, #tpu.memory_space<vmem>>, vector<1x16xi32>,
    %scan3A_681 = arith.constant 0 : i32
    %scan3A_682 = arith.constant 0 : i32
    %scan3A_683 = arith.constant 32 : i32
    %scan3A_684 = arith.addi %scan3A_682, %scan3A_683 : i32
    %scan3A_685 = arith.constant 1 : i32
    scf.for %scan3A_722 = %scan3A_682 to %scan3A_684 step %scan3A_685  : i32 {
      %mul3A_723 = arith.constant 4 : i32
      %mul3A_724 = arith.muli %scan3A_722, %mul3A_723 : i32
      %add3A_725 = arith.constant 0 : i32
      %add3A_726 = arith.addi %mul3A_724, %add3A_725 : i32
      %swap3A_727 = arith.index_cast %add3A_726 : i32 to index
      %swap3A_728 = arith.constant 0 : index
      %swap3A_729 = tpu.vector_load %arg11[%swap3A_727, %swap3A_728] {strides = array<i32>} : memref<128x64xf32, #tpu.memory_space<vmem>>, vector<1x16xf32>,
      %swap3A_730 = vector.shape_cast %swap3A_729 : vector<1x16xf32> to vector<16xf32>
      %swap3A_731 = vector.shape_cast %get3A_556 : vector<16xf32> to vector<1x16xf32>
      tpu.vector_store %arg11[%swap3A_727, %swap3A_728], %swap3A_731 {add = true, strides = array<i32>} : memref<128x64xf32, #tpu.memory_space<vmem>>, vector<1x16xf32>,
      %swap3A_732 = arith.index_cast %add3A_726 : i32 to index
      %swap3A_733 = arith.constant 16 : index
      %swap3A_734 = tpu.vector_load %arg11[%swap3A_732, %swap3A_733] {strides = array<i32>} : memref<128x64xf32, #tpu.memory_space<vmem>>, vector<1x16xf32>,
      %swap3A_735 = vector.shape_cast %swap3A_734 : vector<1x16xf32> to vector<16xf32>
      %swap3A_736 = vector.shape_cast %get3A_560 : vector<16xf32> to vector<1x16xf32>
      tpu.vector_store %arg11[%swap3A_732, %swap3A_733], %swap3A_736 {add = true, strides = array<i32>} : memref<128x64xf32, #tpu.memory_space<vmem>>, vector<1x16xf32>,
      %swap3A_737 = arith.index_cast %add3A_726 : i32 to index
      %swap3A_738 = arith.constant 32 : index
      %swap3A_739 = tpu.vector_load %arg11[%swap3A_737, %swap3A_738] {strides = array<i32>} : memref<128x64xf32, #tpu.memory_space<vmem>>, vector<1x16xf32>,
      %swap3A_740 = vector.shape_cast %swap3A_739 : vector<1x16xf32> to vector<16xf32>
      %swap3A_741 = vector.shape_cast %get3A_564 : vector<16xf32> to vector<1x16xf32>
      tpu.vector_store %arg11[%swap3A_737, %swap3A_738], %swap3A_741 {add = true, strides = array<i32>} : memref<128x64xf32, #tpu.memory_space<vmem>>, vector<1x16xf32>,
      %swap3A_742 = arith.index_cast %add3A_726 : i32 to index
      %swap3A_743 = arith.constant 48 : index
      %swap3A_744 = tpu.vector_load %arg11[%swap3A_742, %swap3A_743] {strides = array<i32>} : memref<128x64xf32, #tpu.memory_space<vmem>>, vector<1x16xf32>,
      %swap3A_745 = vector.shape_cast %swap3A_744 : vector<1x16xf32> to vector<16xf32>
      %swap3A_746 = vector.shape_cast %get3A_568 : vector<16xf32> to vector<1x16xf32>
      tpu.vector_store %arg11[%swap3A_742, %swap3A_743], %swap3A_746 {add = true, strides = array<i32>} : memref<128x64xf32, #tpu.memory_space<vmem>>, vector<1x16xf32>,
      %add3A_747 = arith.constant 1 : i32
      %add3A_748 = arith.addi %mul3A_724, %add3A_747 : i32
      %swap3A_749 = arith.index_cast %add3A_748 : i32 to index
      %swap3A_750 = arith.constant 0 : index
      %swap3A_751 = tpu.vector_load %arg11[%swap3A_749, %swap3A_750] {strides = array<i32>} : memref<128x64xf32, #tpu.memory_space<vmem>>, vector<1x16xf32>,
      %swap3A_752 = vector.shape_cast %swap3A_751 : vector<1x16xf32> to vector<16xf32>
      %swap3A_753 = vector.shape_cast %get3A_556 : vector<16xf32> to vector<1x16xf32>
      tpu.vector_store %arg11[%swap3A_749, %swap3A_750], %swap3A_753 {add = true, strides = array<i32>} : memref<128x64xf32, #tpu.memory_space<vmem>>, vector<1x16xf32>,
      %swap3A_754 = arith.index_cast %add3A_748 : i32 to index
      %swap3A_755 = arith.constant 16 : index
      %swap3A_756 = tpu.vector_load %arg11[%swap3A_754, %swap3A_755] {strides = array<i32>} : memref<128x64xf32, #tpu.memory_space<vmem>>, vector<1x16xf32>,
      %swap3A_757 = vector.shape_cast %swap3A_756 : vector<1x16xf32> to vector<16xf32>
      %swap3A_758 = vector.shape_cast %get3A_560 : vector<16xf32> to vector<1x16xf32>
      tpu.vector_store %arg11[%swap3A_754, %swap3A_755], %swap3A_758 {add = true, strides = array<i32>} : memref<128x64xf32, #tpu.memory_space<vmem>>, vector<1x16xf32>,
      %swap3A_759 = arith.index_cast %add3A_748 : i32 to index
      %swap3A_760 = arith.constant 32 : index
      %swap3A_761 = tpu.vector_load %arg11[%swap3A_759, %swap3A_760] {strides = array<i32>} : memref<128x64xf32, #tpu.memory_space<vmem>>, vector<1x16xf32>,
      %swap3A_762 = vector.shape_cast %swap3A_761 : vector<1x16xf32> to vector<16xf32>
      %swap3A_763 = vector.shape_cast %get3A_564 : vector<16xf32> to vector<1x16xf32>
      tpu.vector_store %arg11[%swap3A_759, %swap3A_760], %swap3A_763 {add = true, strides = array<i32>} : memref<128x64xf32, #tpu.memory_space<vmem>>, vector<1x16xf32>,
      %swap3A_764 = arith.index_cast %add3A_748 : i32 to index
      %swap3A_765 = arith.constant 48 : index
      %swap3A_766 = tpu.vector_load %arg11[%swap3A_764, %swap3A_765] {strides = array<i32>} : memref<128x64xf32, #tpu.memory_space<vmem>>, vector<1x16xf32>,
      %swap3A_767 = vector.shape_cast %swap3A_766 : vector<1x16xf32> to vector<16xf32>
      %swap3A_768 = vector.shape_cast %get3A_568 : vector<16xf32> to vector<1x16xf32>
      tpu.vector_store %arg11[%swap3A_764, %swap3A_765], %swap3A_768 {add = true, strides = array<i32>} : memref<128x64xf32, #tpu.memory_space<vmem>>, vector<1x16xf32>,
      %add3A_769 = arith.constant 2 : i32
      %add3A_770 = arith.addi %mul3A_724, %add3A_769 : i32
      %swap3A_771 = arith.index_cast %add3A_770 : i32 to index
      %swap3A_772 = arith.constant 0 : index
      %swap3A_773 = tpu.vector_load %arg11[%swap3A_771, %swap3A_772] {strides = array<i32>} : memref<128x64xf32, #tpu.memory_space<vmem>>, vector<1x16xf32>,
      %swap3A_774 = vector.shape_cast %swap3A_773 : vector<1x16xf32> to vector<16xf32>
      %swap3A_775 = vector.shape_cast %get3A_556 : vector<16xf32> to vector<1x16xf32>
      tpu.vector_store %arg11[%swap3A_771, %swap3A_772], %swap3A_775 {add = true, strides = array<i32>} : memref<128x64xf32, #tpu.memory_space<vmem>>, vector<1x16xf32>,
      %swap3A_776 = arith.index_cast %add3A_770 : i32 to index
      %swap3A_777 = arith.constant 16 : index
      %swap3A_778 = tpu.vector_load %arg11[%swap3A_776, %swap3A_777] {strides = array<i32>} : memref<128x64xf32, #tpu.memory_space<vmem>>, vector<1x16xf32>,
      %swap3A_779 = vector.shape_cast %swap3A_778 : vector<1x16xf32> to vector<16xf32>
      %swap3A_780 = vector.shape_cast %get3A_560 : vector<16xf32> to vector<1x16xf32>
      tpu.vector_store %arg11[%swap3A_776, %swap3A_777], %swap3A_780 {add = true, strides = array<i32>} : memref<128x64xf32, #tpu.memory_space<vmem>>, vector<1x16xf32>,
      %swap3A_781 = arith.index_cast %add3A_770 : i32 to index
      %swap3A_782 = arith.constant 32 : index
      %swap3A_783 = tpu.vector_load %arg11[%swap3A_781, %swap3A_782] {strides = array<i32>} : memref<128x64xf32, #tpu.memory_space<vmem>>, vector<1x16xf32>,
      %swap3A_784 = vector.shape_cast %swap3A_783 : vector<1x16xf32> to vector<16xf32>
      %swap3A_785 = vector.shape_cast %get3A_564 : vector<16xf32> to vector<1x16xf32>
      tpu.vector_store %arg11[%swap3A_781, %swap3A_782], %swap3A_785 {add = true, strides = array<i32>} : memref<128x64xf32, #tpu.memory_space<vmem>>, vector<1x16xf32>,
      %swap3A_786 = arith.index_cast %add3A_770 : i32 to index
      %swap3A_787 = arith.constant 48 : index
      %swap3A_788 = tpu.vector_load %arg11[%swap3A_786, %swap3A_787] {strides = array<i32>} : memref<128x64xf32, #tpu.memory_space<vmem>>, vector<1x16xf32>,
      %swap3A_789 = vector.shape_cast %swap3A_788 : vector<1x16xf32> to vector<16xf32>
      %swap3A_790 = vector.shape_cast %get3A_568 : vector<16xf32> to vector<1x16xf32>
      tpu.vector_store %arg11[%swap3A_786, %swap3A_787], %swap3A_790 {add = true, strides = array<i32>} : memref<128x64xf32, #tpu.memory_space<vmem>>, vector<1x16xf32>,
      %add3A_791 = arith.constant 3 : i32
      %add3A_792 = arith.addi %mul3A_724, %add3A_791 : i32
      %swap3A_793 = arith.index_cast %add3A_792 : i32 to index
      %swap3A_794 = arith.constant 0 : index
      %swap3A_795 = tpu.vector_load %arg11[%swap3A_793, %swap3A_794] {strides = array<i32>} : memref<128x64xf32, #tpu.memory_space<vmem>>, vector<1x16xf32>,
      %swap3A_796 = vector.shape_cast %swap3A_795 : vector<1x16xf32> to vector<16xf32>
      %swap3A_797 = vector.shape_cast %get3A_556 : vector<16xf32> to vector<1x16xf32>
      tpu.vector_store %arg11[%swap3A_793, %swap3A_794], %swap3A_797 {add = true, strides = array<i32>} : memref<128x64xf32, #tpu.memory_space<vmem>>, vector<1x16xf32>,
      %swap3A_798 = arith.index_cast %add3A_792 : i32 to index
      %swap3A_799 = arith.constant 16 : index
      %swap3A_800 = tpu.vector_load %arg11[%swap3A_798, %swap3A_799] {strides = array<i32>} : memref<128x64xf32, #tpu.memory_space<vmem>>, vector<1x16xf32>,
      %swap3A_801 = vector.shape_cast %swap3A_800 : vector<1x16xf32> to vector<16xf32>
      %swap3A_802 = vector.shape_cast %get3A_560 : vector<16xf32> to vector<1x16xf32>
      tpu.vector_store %arg11[%swap3A_798, %swap3A_799], %swap3A_802 {add = true, strides = array<i32>} : memref<128x64xf32, #tpu.memory_space<vmem>>, vector<1x16xf32>,
      %swap3A_803 = arith.index_cast %add3A_792 : i32 to index
      %swap3A_804 = arith.constant 32 : index
      %swap3A_805 = tpu.vector_load %arg11[%swap3A_803, %swap3A_804] {strides = array<i32>} : memref<128x64xf32, #tpu.memory_space<vmem>>, vector<1x16xf32>,
      %swap3A_806 = vector.shape_cast %swap3A_805 : vector<1x16xf32> to vector<16xf32>
      %swap3A_807 = vector.shape_cast %get3A_564 : vector<16xf32> to vector<1x16xf32>
      tpu.vector_store %arg11[%swap3A_803, %swap3A_804], %swap3A_807 {add = true, strides = array<i32>} : memref<128x64xf32, #tpu.memory_space<vmem>>, vector<1x16xf32>,
      %swap3A_808 = arith.index_cast %add3A_792 : i32 to index
      %swap3A_809 = arith.constant 48 : index
      %swap3A_810 = tpu.vector_load %arg11[%swap3A_808, %swap3A_809] {strides = array<i32>} : memref<128x64xf32, #tpu.memory_space<vmem>>, vector<1x16xf32>,
      %swap3A_811 = vector.shape_cast %swap3A_810 : vector<1x16xf32> to vector<16xf32>
      %swap3A_812 = vector.shape_cast %get3A_568 : vector<16xf32> to vector<1x16xf32>
      tpu.vector_store %arg11[%swap3A_808, %swap3A_809], %swap3A_812 {add = true, strides = array<i32>} : memref<128x64xf32, #tpu.memory_space<vmem>>, vector<1x16xf32>,
    }
    %scan3A_686 = arith.constant 32 : i32
    %dma_start3A_687 = arith.constant 3 : i32
    %dma_start3A_688 = arith.constant 0 : i32
    %dma_start3A_689 = tpu.memref_slice %arg7[%dma_start3A_687, %dma_start3A_688] : memref<4x128xi32, #tpu.memory_space<vmem>> -> memref<1x128xi32, #tpu.memory_space<vmem>>
    %dma_start3A_690 = tpu.memref_squeeze %dma_start3A_689 : memref<1x128xi32, #tpu.memory_space<vmem>> -> memref<128xi32, #tpu.memory_space<vmem>>
    %dma_start3A_691 = arith.constant 0 : i32
    %dma_start3A_692 = arith.constant 0 : i32
    %dma_start3A_693 = tpu.memref_slice %arg5[%dma_start3A_691, %dma_start3A_692] : memref<819200x64xf32, #tpu.memory_space<hbm>> -> memref<819200x64xf32, #tpu.memory_space<hbm>>
    tpu.enqueue_indirect_dma source(%arg11 : memref<128x64xf32, #tpu.memory_space<vmem>>) target(%dma_start3A_693 : memref<819200x64xf32, #tpu.memory_space<hbm>>) offsets(%dma_start3A_690 : memref<128xi32, #tpu.memory_space<vmem>>) semaphore(%arg20 : memref<!tpu.dma_semaphore, #tpu.memory_space<semaphore_mem>>)
    %dma_wait3A_694 = arith.constant 0 : i32
    %dma_wait3A_695 = arith.constant 0 : i32
    %dma_wait3A_696 = tpu.memref_slice %arg7[%dma_wait3A_694, %dma_wait3A_695] : memref<4x128xi32, #tpu.memory_space<vmem>> -> memref<1x128xi32, #tpu.memory_space<vmem>>
    %dma_wait3A_697 = tpu.memref_squeeze %dma_wait3A_696 : memref<1x128xi32, #tpu.memory_space<vmem>> -> memref<128xi32, #tpu.memory_space<vmem>>
    %dma_wait3A_698 = arith.constant 0 : i32
    %dma_wait3A_699 = arith.constant 0 : i32
    %dma_wait3A_700 = tpu.memref_slice %arg5[%dma_wait3A_698, %dma_wait3A_699] : memref<819200x64xf32, #tpu.memory_space<hbm>> -> memref<819200x64xf32, #tpu.memory_space<hbm>>
    tpu.wait_indirect_dma semaphore(%arg17 : memref<!tpu.dma_semaphore, #tpu.memory_space<semaphore_mem>>) src(%arg8 : memref<128x64xf32, #tpu.memory_space<vmem>>) dst(%dma_wait3A_700 : memref<819200x64xf32, #tpu.memory_space<hbm>>)
    %dma_wait3A_701 = arith.constant 1 : i32
    %dma_wait3A_702 = arith.constant 0 : i32
    %dma_wait3A_703 = tpu.memref_slice %arg7[%dma_wait3A_701, %dma_wait3A_702] : memref<4x128xi32, #tpu.memory_space<vmem>> -> memref<1x128xi32, #tpu.memory_space<vmem>>
    %dma_wait3A_704 = tpu.memref_squeeze %dma_wait3A_703 : memref<1x128xi32, #tpu.memory_space<vmem>> -> memref<128xi32, #tpu.memory_space<vmem>>
    %dma_wait3A_705 = arith.constant 0 : i32
    %dma_wait3A_706 = arith.constant 0 : i32
    %dma_wait3A_707 = tpu.memref_slice %arg5[%dma_wait3A_705, %dma_wait3A_706] : memref<819200x64xf32, #tpu.memory_space<hbm>> -> memref<819200x64xf32, #tpu.memory_space<hbm>>
    tpu.wait_indirect_dma semaphore(%arg18 : memref<!tpu.dma_semaphore, #tpu.memory_space<semaphore_mem>>) src(%arg9 : memref<128x64xf32, #tpu.memory_space<vmem>>) dst(%dma_wait3A_707 : memref<819200x64xf32, #tpu.memory_space<hbm>>)
    %dma_wait3A_708 = arith.constant 2 : i32
    %dma_wait3A_709 = arith.constant 0 : i32
    %dma_wait3A_710 = tpu.memref_slice %arg7[%dma_wait3A_708, %dma_wait3A_709] : memref<4x128xi32, #tpu.memory_space<vmem>> -> memref<1x128xi32, #tpu.memory_space<vmem>>
    %dma_wait3A_711 = tpu.memref_squeeze %dma_wait3A_710 : memref<1x128xi32, #tpu.memory_space<vmem>> -> memref<128xi32, #tpu.memory_space<vmem>>
    %dma_wait3A_712 = arith.constant 0 : i32
    %dma_wait3A_713 = arith.constant 0 : i32
    %dma_wait3A_714 = tpu.memref_slice %arg5[%dma_wait3A_712, %dma_wait3A_713] : memref<819200x64xf32, #tpu.memory_space<hbm>> -> memref<819200x64xf32, #tpu.memory_space<hbm>>
    tpu.wait_indirect_dma semaphore(%arg19 : memref<!tpu.dma_semaphore, #tpu.memory_space<semaphore_mem>>) src(%arg10 : memref<128x64xf32, #tpu.memory_space<vmem>>) dst(%dma_wait3A_714 : memref<819200x64xf32, #tpu.memory_space<hbm>>)
    %dma_wait3A_715 = arith.constant 3 : i32
    %dma_wait3A_716 = arith.constant 0 : i32
    %dma_wait3A_717 = tpu.memref_slice %arg7[%dma_wait3A_715, %dma_wait3A_716] : memref<4x128xi32, #tpu.memory_space<vmem>> -> memref<1x128xi32, #tpu.memory_space<vmem>>
    %dma_wait3A_718 = tpu.memref_squeeze %dma_wait3A_717 : memref<1x128xi32, #tpu.memory_space<vmem>> -> memref<128xi32, #tpu.memory_space<vmem>>
    %dma_wait3A_719 = arith.constant 0 : i32
    %dma_wait3A_720 = arith.constant 0 : i32
    %dma_wait3A_721 = tpu.memref_slice %arg5[%dma_wait3A_719, %dma_wait3A_720] : memref<819200x64xf32, #tpu.memory_space<hbm>> -> memref<819200x64xf32, #tpu.memory_space<hbm>>
    tpu.wait_indirect_dma semaphore(%arg20 : memref<!tpu.dma_semaphore, #tpu.memory_space<semaphore_mem>>) src(%arg11 : memref<128x64xf32, #tpu.memory_space<vmem>>) dst(%dma_wait3A_721 : memref<819200x64xf32, #tpu.memory_space<hbm>>)
    return
  }
}

</mosaic_0001>

<sc_bundles>
// kernel: kernel.3.cloned.1.call-start
scs
__scs_entry_jumppad:
0x0: {  	(pc) =	sbr.rel $0x88, $3  }
0x1: {  	(tag) =	ssettag $0x0;
	lr =	simm.s32 $0x1  }
0x2: {  	[smem:$0x3F9F] =	sst lr;
	_ =	strace $0xD0000000  }
0x3: {  	_ = 	snop  }
0x4: {  	_ = 	snop  }
0x5: {  	_ = 	snop  }
0x6: {  	_ = 	snop  }
0x7: {  	_ = 	snop  }
__scs_overlays_trampoline_lowered:
0x8: {  	[smem:$0x3FAE] =	sst s0  }
0x9: {  	[smem:$0x3FAF] =	sst s1  }
0xa: {  	[smem:$0x3FB0] =	sst s2  }
0xb: {  	[smem:$0x3FB1] =	sst s3  }
0xc: {  	[smem:$0x3FB2] =	sst s4  }
0xd: {  	[smem:$0x3FB3] =	sst s5  }
0xe: {  	[smem:$0x3FB4] =	sst s6  }
0xf: {  	[smem:$0x3FB5] =	sst s7  }
0x10: {  	[smem:$0x3FB6] =	sst s8  }
0x11: {  	[smem:$0x3FB7] =	sst s9;
	s0 =	simm.s32 @!p0 $0x0  }
0x12: {  	s1 =	sld [smem:$0x3F9D];
	s0 =	simm.s32 @p0 $0x1  }
0x13: {  	[smem:$0x3FB8] =	sst s0;
	s0 =	simm.s32 @!p1 $0x0  }
0x14: {  	s2 =	sld [smem:$0x3F9C];
	s0 =	simm.s32 @p1 $0x1  }
0x15: {  	[smem:$0x3FB9] =	sst s0;
	s0 =	simm.s32 @!p2 $0x0  }
0x16: {  	s3 =	sld [smem:$0x3FDB];
	s0 =	simm.s32 @p2 $0x1  }
0x17: {  	s4 =	simm.s32 $0x1BF5;
	[smem:$0x3FBB] =	sst s0  }
0x18: {  	s0 =	sld [smem:$0x3F9E];
	_ =	swait.ge [sflag:s4], $0x0  }
0x19: {  	s7 =	sld [smem:$0x3F9F]  }
0x1a: {  	s8 =	sadd.s32 $0xFFFFE003, lr  }
0x1b: {  	s9 =	sadd.s32 $0xFFFFFEF7, lr;
	s5 =	simm.s32 $0xFFFFFFFF;
	p2 =	slt.u32 s8, $0xFFFFF086  }
0x1c: {  	p1 =	slt.u32 s9, $0xF7A;
	s5 =	simm.s32 @!p2 $0x0  }
0x1d: {  	s5 =	simm.s32 @p1 $0x1;
	p0 =	seq.s32 s7, s2  }
0x1e: {  	s7 =	smul.u32 @!p0 $0xF7A, s2;
	p2 =	seq.s32 @!p0 s5, $0x0  }
0x1f: {  	s9 =	smul.u32 $0xF7A, s1;
	s8 =	simm.s32 @!p0 $0x1BF5;
	p2 =	por !p2, p0  }
0x20: {  	[sflag:s8] =	ssyncset.s32 @!p0 $0xFFFFF086;
	s6 =	sadd.s32 @!p0 s3, s7;
	s7 =	simm.s32 @!p0 $0x108  }
0x21: {  	s3 =	sadd.s32 s3, s9;
	s6 =	sadd.s32 @!p0 $0x88, s6;
	s7 =	simm.s32 @p2 $0x1082  }
0x22: {  	[simem:s7], [sflag:s8] =	dma.local @!p0 [hbm:s6], $0xF7A  }
0x23: {  	s9 =	sor.u32 $0xD0000000, s2;
	s6 =	simm.s32 $0x108;
	_ =	swait.ge @!p0 [sflag:s8], $0x0  }
0x24: {  	s3 =	sadd.s32 $0x88, s3;
	s6 =	simm.s32 @!p1 $0x1082;
	[sflag:s4] =	ssyncset.s32 $0xFFFFF086  }
0x25: {  	[simem:s6], [sflag:s4] =	dma.local [hbm:s3], $0xF7A  }
0x26: {  	[smem:$0x3F9F] =	sst s1;
	(tag) =	ssettag s2;
	_ =	strace s9  }
0x27: {  	s1 =	sld [smem:$0x3FAF]  }
0x28: {  	s2 =	sld [smem:$0x3FB0]  }
0x29: {  	s4 =	sld [smem:$0x3FB2]  }
0x2a: {  	p0 =	seq.s32 s5, $0x0;
	s5 =	sld [smem:$0x3FB3]  }
0x2b: {  	s6 =	sld [smem:$0x3FB4]  }
0x2c: {  	s7 =	sld [smem:$0x3FB5]  }
0x2d: {  	s3 =	simm.s32 $0x108;
	s8 =	sld [smem:$0x3FB6]  }
0x2e: {  	s3 =	simm.s32 @!p0 $0x1082;
	s9 =	sld [smem:$0x3FB7]  }
0x2f: {  	lr =	sadd.s32 s0, s3;
	s0 =	sld [smem:$0x3FAE]  }
0x30: {  	s3 =	sld [smem:$0x3FB1]  }
0x31: {  	[smem:$0x3FBA] =	sst s10  }
0x32: {  	s10 =	sld [smem:$0x3FB8];
	_ =	sdelay $0x3  }
0x33: {  	p0 =	seq.s32 s10, $0x1;
	s10 =	sld [smem:$0x3FBA];
	_ =	sdelay $0x3  }
0x34: {  	[smem:$0x3FBA] =	sst s10  }
0x35: {  	s10 =	sld [smem:$0x3FB9];
	_ =	sdelay $0x3  }
0x36: {  	p1 =	seq.s32 s10, $0x1;
	s10 =	sld [smem:$0x3FBA];
	_ =	sdelay $0x3  }
0x37: {  	[smem:$0x3FBA] =	sst s10  }
0x38: {  	s10 =	sld [smem:$0x3FBB]  }
0x39: {  	_ = 	snop;
	(pc) =	sbr.ind lr, $3  }
0x3a: {  	_ = 	snop  }
0x3b: {  	_ = 	snop  }
0x3c: {  	p2 =	seq.s32 s10, $0x1;
	s10 =	sld [smem:$0x3FBA]  }
0x3d: {  	_ =	shalt  }
0x3e: {  	_ =	shalt  }
0x3f: {  	_ =	shalt  }
0x40: {  	_ =	shalt  }
0x41: {  	_ =	shalt  }
0x42: {  	_ =	shalt  }
0x43: {  	_ =	shalt  }
0x44: {  	_ =	shalt  }
0x45: {  	_ =	shalt  }
0x46: {  	_ =	shalt  }
0x47: {  	_ =	shalt  }
0x48: {  	_ =	shalt  }
0x49: {  	_ =	shalt  }
0x4a: {  	_ =	shalt  }
0x4b: {  	_ =	shalt  }
0x4c: {  	_ =	shalt  }
0x4d: {  	_ =	shalt  }
0x4e: {  	_ =	shalt  }
0x4f: {  	_ =	shalt  }
0x50: {  	_ =	shalt  }
0x51: {  	_ =	shalt  }
0x52: {  	_ =	shalt  }
0x53: {  	_ =	shalt  }
0x54: {  	_ =	shalt  }
0x55: {  	_ =	shalt  }
0x56: {  	_ =	shalt  }
0x57: {  	_ =	shalt  }
0x58: {  	_ =	shalt  }
0x59: {  	_ =	shalt  }
0x5a: {  	_ =	shalt  }
0x5b: {  	_ =	shalt  }
0x5c: {  	_ =	shalt  }
0x5d: {  	_ =	shalt  }
0x5e: {  	_ =	shalt  }
0x5f: {  	_ =	shalt  }
0x60: {  	_ =	shalt  }
0x61: {  	_ =	shalt  }
0x62: {  	_ =	shalt  }
0x63: {  	_ =	shalt  }
0x64: {  	_ =	shalt  }
0x65: {  	_ =	shalt  }
0x66: {  	_ =	shalt  }
0x67: {  	_ =	shalt  }
0x68: {  	_ =	shalt  }
0x69: {  	_ =	shalt  }
0x6a: {  	_ =	shalt  }
0x6b: {  	_ =	shalt  }
0x6c: {  	_ =	shalt  }
0x6d: {  	_ =	shalt  }
0x6e: {  	_ =	shalt  }
0x6f: {  	_ =	shalt  }
0x70: {  	_ =	shalt  }
0x71: {  	_ =	shalt  }
0x72: {  	_ =	shalt  }
0x73: {  	_ =	shalt  }
0x74: {  	_ =	shalt  }
0x75: {  	_ =	shalt  }
0x76: {  	_ =	shalt  }
0x77: {  	_ =	shalt  }
0x78: {  	_ =	shalt  }
0x79: {  	_ =	shalt  }
0x7a: {  	_ =	shalt  }
0x7b: {  	_ =	shalt  }
0x7c: {  	_ =	shalt  }
0x7d: {  	_ =	shalt  }
0x7e: {  	_ =	shalt  }
0x7f: {  	_ =	shalt  }
0x80: {  	_ =	shalt  }
0x81: {  	_ =	shalt  }
0x82: {  	_ =	shalt  }
0x83: {  	_ =	shalt  }
0x84: {  	_ =	shalt  }
0x85: {  	_ =	shalt  }
0x86: {  	_ =	shalt  }
0x87: {  	_ =	shalt  }
.Lfunc_end0:
.L_simem_size_0:
called_computation.1_lowered:
.L_overlay_start_0:
0x88: {  	s2 =	sld [smem:$0x3FD9]  }
0x89: {  	s3 =	sld [smem:$0x3FFE];
	_ =	sdelay $0x1  }
0x8a: {  	s1 =	srdreg.scid  }
0x8b: {  	s0 =	sand.u32 $0x1, s1  }
0x8c: {  	s17 =	sshll.u32 s0, $0xA;
	s2 =	sadd.s32 s3, s2  }
0x8d: {  	s2 =	sadd.s32 s2, s17  }
0x8e: {  	[smem:$0x3FC6] =	sst s2  }
0x8f: {  	_ = 	snop  }
0x90: {  	s2 =	sld [smem:$0x3FC9]  }
0x91: {  	s18 =	sld [smem:$0x3FD0];
	(tm) =	ssettm $0x1  }
0x92: {  	s4 =	sld [smem:$0x3FFB];
	_ =	sdelay $0x3  }
0x93: {  	_ =	strace s4  }
0x94: {  	s4 =	sld [smem:$0x3FFC];
	_ =	sdelay $0x3  }
0x95: {  	_ =	strace s4  }
0x96: {  	s4 =	sld [smem:$0x3FFD];
	_ =	sdelay $0x3  }
0x97: {  	_ =	strace s4  }
0x98: {  	_ =	strace $0x8FFFFFFF  }
0x99: {  	s19 =	sld [smem:$0x3FDB];
	_ =	sdelay $0x1  }
0x9a: {  	s5 =	simm.s32 $_scs_section_size  }
0x9b: {  	s6 =	simm.s32 $_size__tile_overlayer_lowered;
	s7 =	simm.s32 $_tile_overlayer_lowered  }
0x9c: {  	s22 =	simm.s32 $0x1BFF;
	s21 =	sshll.u32 s7, $0x1;
	s4 =	sadd.s32 s5, s19  }
0x9d: {  	s8 =	simm.s32 $0x0;
	s20 =	sshll.u32 s6, $0x1;
	s6 =	sadd.s32 s21, s4  }
0x9e: {  	[timem:s8], [sflag:s22] =	dma.local [hbm:s6], s20  }
0x9f: {  	_ =	swait.ge [sflag:s22], s20  }
0xa0: {  	s5 =	ssub.s32 $0x0, s20;
	[sflag:s22] =	ssyncset.done $0x0  }
0xa1: {  	[sflag:s22] =	ssyncadd.s32 s5;
	_ =	sdelay $0x1  }
0xa2: {  	s23 =	simm.s32 $0x1B8B  }
0xa3: {  	_ =	swait.ge [sflag:s23], $0x1  }
0xa4: {  	[sflag:s23] =	ssyncset.done $0x0  }
0xa5: {  	s25 =	simm.s32 $0x1B8E;
	s24 =	sld [smem:$0x3FFE];
	[sflag:s23] =	ssyncadd.s32 $0xFFFFFFFF  }
0xa6: {  	s26 =	simm.s32 $execute0_lowered;
	[smem:$0x3FD2] =	sst s25  }
0xa7: {  	s6 =	sshll.u32 s26, $0x1;
	_ =	strace $0x80000046;
	[dreg:$0x1] =	wrdreg $0xFFFFFFFF  }
0xa8: {  	s28 =	simm.s32 $_size_execute0_lowered;
	s4 =	sadd.s32 s4, s6;
	[dreg:$0x0] =	wrdreg $0x0  }
0xa9: {  	s6 =	sshll.u32 s28, $0x1;
	[dreg:$0x2] =	wrdreg s4  }
0xaa: {  	[dreg:$0x3] =	wrdreg s6  }
0xab: {  	[dreg:$0x4] =	wrdreg $0xC0  }
0xac: {  	_ =	task [dreg:s8], $0x5FFFF  }
0xad: {  	[dreg:$0x1] =	wrdreg $0xFFFFFFFF  }
0xae: {  	[dreg:$0x0] =	wrdreg $0x60  }
0xaf: {  	[dreg:$0x2] =	wrdreg s2  }
0xb0: {  	[dreg:$0x3] =	wrdreg s24  }
0xb1: {  	[dreg:$0x4] =	wrdreg s18  }
0xb2: {  	[dreg:$0x5] =	wrdreg $0x9  }
0xb3: {  	_ =	task.clear_ibuf [dreg:s8], $0x6FFFF;
	_ =	strace $0x90000046  }
0xb4: {  	s29 =	simm.s32 $0x9;
	_ =	strace $0x80000048  }
0xb5: {  	_ =	swait.ge [sflag:s29], $0x1  }
0xb6: {  	[sflag:s29] =	ssyncadd.s32 $0xFFFFFFFF  }
0xb7: {  	_ =	strace $0x90000048  }
0xb8: {  	_ =	sfence  }
0xb9: {  	s30 =	sld [smem:$0x0];
	_ =	sdelay $0x2  }
0xba: {  	s31 =	sshll.u32 s1, $0xD;
	s1 =	sshrl.u32 s1, $0x2  }
0xbb: {  	s3 =	sand.u32 $0x4000, s31;
	s1 =	sadd.s32 s1, s30  }
0xbc: {  	s0 =	sor.u32 s3, s0;
	s1 =	sshll.u32 s1, $0x11  }
0xbd: {  	s0 =	sor.u32 s1, s0  }
0xbe: {  	s0 =	sadd.s32 $0x8F2B, s0  }
0xbf: {  	[sflag:s0] =	ssyncadd.remote.s32 $0x1  }
0xc0: {  	_ =	sfence.sel $0xFFFF  }
0xc1: {  	[dreg:$0x0] =	wrdreg $0xFFFFFFFF;
	(pc) =	sbr.abs _section_cstart, $3  }
0xc2: {  	[dreg:$0x1] =	wrdreg $0xFFFFFFFF  }
0xc3: {  	_ =	task.clear_ibuf [dreg:s8], $0x2FFFF;
	_ =	strace $0x9FFFFFFF  }
0xc4: {  	(tm) =	ssettm $0x7FFFFFFF  }
0xc5: {  	_ =	shalt  }
tec
execute0_lowered:
.L_overlay_start_1:
0x0: {  	(tag) =	ssettag $0x1  }
0x1: {  	s0 =	rddreg [dreg:$0x0]  }
0x2: {  	s1 =	srdreg.scid;
	s2 =	stileid.u32  }
0x3: {  	s3 =	rddreg [dreg:$0x1];
	s5 =	simm.s32 $0x0;
	s21 =	simm.s32 $0xA600  }
0x4: {  	s22 =	simm.s32 $0x2;
	s25 =	simm.s32 $0xC600;
	s28 =	simm.s32 $0x6500  }
0x5: {  	s29 =	simm.s32 $0x5;
	s1 =	sand.u32 $0x1, s1;
	s4 =	sshll.u32 s2, $0x1  }
0x6: {  	s30 =	simm.s32 $0x4;
	s31 =	simm.s32 $0x6580;
	s6 =	sor.u32 s1, s4  }
0x7: {  	[smem:$0x7FF] =	sst s5;
	s5 =	sadd.s32 $0xF42E00, s3;
	s4 =	smul.u32 $0xC8, s6  }
0x8: {  	s2 =	rddreg [dreg:$0x2];
	s3 =	sadd.s32 $0xA00, s3;
	_ =	strace $0x80000047  }
0x9: {  	v0 =	vlaneseq.u32;
	s1 =	ssub.s32 $0x2, s1;
	[dreg:$0x4] =	wrdreg s3;
	s7 =	sshrl.u32 s4, $0x3  }
0xa: {  	v0 =	vmul.u32 $0xC8, v0;
	s6 =	smul.u32 $0xC80, s6;
	s14 =	sshrl.u32 s1, $0x1;
	s7 =	sand.u32 $0x1F, s7  }
0xb: {  	s1 =	ssub.s32 s1, s14;
	s8 =	sshrl.u32 s4, $0x5;
	s7 =	smul.u32 $0x6400, s7  }
0xc: {  	v1 =	vadd.s32 $0xC80, v0;
	v4 =	vadd.s32 $0x1900, v0;
	v5 =	vadd.s32 $0x2580, v0;
	s14 =	simm.s32 $0x8;
	s0 =	sadd.s32 s0, s6;
	s9 =	sand.u32 $0xF8, s8  }
0xd: {  	v6 =	vadd.s32 $0x3200, v0;
	v10 =	vadd.s32 $0x3E80, v0;
	v11 =	vadd.s32 $0x4B00, v0;
	s17 =	sadd.s32 $0xC6, s4;
	s10 =	sadd.s32 $0xC7, s4;
	s15 =	sor.u32 s9, s7  }
0xe: {  	v12 =	vadd.s32 $0x5780, v0;
	s1 =	smax.u32 s1, $0x1;
	[dreg:$0x5] =	wrdreg s0;
	s11 =	sshrl.u32 s10, $0x3;
	v2 =	vadd.s32 s15, v0;
	v3 =	vadd.s32 s15, v1  }
0xf: {  	s18 =	sshrl.u32 s17, $0x3;
	s16 =	sor.u32 $0x1, s9;
	s19 =	sand.u32 $0x1F, s11;
	v7 =	vadd.s32 s15, v4;
	v8 =	vadd.s32 s15, v5;
	v9 =	vadd.s32 s15, v6  }
0x10: {  	s10 =	sshrl.u32 s10, $0x5;
	s11 =	smul.u32 $0x6400, s19;
	s7 =	sor.u32 s16, s7;
	v13 =	vadd.s32 s15, v10;
	v14 =	vadd.s32 s15, v11;
	v15 =	vadd.s32 s15, v12  }
0x11: {  	s6 =	sshrl.u32 s17, $0x5;
	[dreg:$0x6] =	wrdreg s1;
	s23 =	sor.u32 $0x7, s10;
	v16 =	vadd.s32 s7, v0;
	v17 =	vadd.s32 s7, v1;
	v18 =	vadd.s32 s7, v4  }
0x12: {  	s8 =	sshll.u32 s9, $0x6;
	s9 =	sand.u32 $0x1F, s18;
	s24 =	sadd.s32 s23, s11;
	v19 =	vadd.s32 s7, v5;
	v20 =	vadd.s32 s7, v6;
	v21 =	vadd.s32 s7, v10  }
0x13: {  	s17 =	simm.s32 $0x8600;
	s6 =	sand.u32 $0x1F8, s6;
	s12 =	smul.u32 $0x6400, s9;
	v22 =	vadd.s32 s7, v11;
	v23 =	vadd.s32 s7, v12;
	v32 =	vadd.s32 s24, v0  }
0x14: {  	s1 =	simm.s32 $0x6;
	s0 =	simm.s32 $0x7;
	s6 =	sor.u32 $0x6, s6;
	v33 =	vadd.s32 s24, v1;
	v34 =	vadd.s32 s24, v4;
	v35 =	vadd.s32 s24, v5  }
0x15: {  	s26 =	sshll.u32 s23, $0x6;
	s19 =	simm.s32 $0x6400;
	v36 =	vadd.s32 s24, v6;
	v37 =	vadd.s32 s24, v10;
	v38 =	vadd.s32 s24, v11;
	s20 =	sor.u32 s6, s12  }
0x16: {  	s10 =	sshll.u32 s6, $0x6;
	s18 =	simm.s32 $0x1;
	s9 =	sshll.u32 s16, $0x6;
	v39 =	vadd.s32 s24, v12;
	v24 =	vadd.s32 s20, v0;
	v25 =	vadd.s32 s20, v1  }
0x17: {  	s11 =	sand.u32 $0x3FFFFFC0, s26;
	s15 =	simm.s32 $0x80;
	s16 =	simm.s32 $0x6600;
	v26 =	vadd.s32 s20, v4;
	v27 =	vadd.s32 s20, v5;
	v28 =	vadd.s32 s20, v6  }
0x18: {  	s23 =	simm.s32 $0x6480;
	s26 =	simm.s32 $0x3;
	v29 =	vadd.s32 s20, v10;
	v30 =	vadd.s32 s20, v11;
	v31 =	vadd.s32 s20, v12;
	s20 =	simm.s32 $0x0  }
.LBB2_1:
0x19: {  	s3 =	simm.s32 $0x0;
	s6 =	rddreg [dreg:$0x5];
	s7 =	simm.s32 $0x9  }
0x1a: {  	[tilespmem:s3], [sflag:$0x9] =	stream.linear.gather [hbm4b:s6+s3], $0x6400, $0x38;
	[tilespmem:$0x11800] =	vst v63  }
0x1b: {  	_ =	swait.ge [sflag:s7], $0x6400  }
0x1c: {  	[sflag:s7] =	ssyncset.done $0x0  }
0x1d: {  	s12 =	simm.s32 $0xE600;
	s24 =	rddreg [dreg:$0x4];
	[sflag:s7] =	ssyncadd.s32 $0xFFFF9C00  }
0x1e: {  	[tilespmem:s12], [sflag:$0x9] =	stream.linear.gather [hbm4b:s24+s3], $0x3200, $0x38;
	[tilespmem:$0x11800] =	vst v63  }
0x1f: {  	_ =	swait.ge [sflag:s7], $0x3200  }
0x20: {  	[sflag:s7] =	ssyncset.done $0x0  }
0x21: {  	[sflag:s7] =	ssyncadd.s32 $0xFFFFCE00  }
0x22: {  	[tilespmem:s16], [sflag:$0x1] =	stream.indirect.gather [hbm4b:s5+s15], $0x40, s3, s15, $0xb8;
	[tilespmem:$0x11800] =	vst v63  }
0x23: {  	_ = 	snop  }
0x24: {  	[tilespmem:s17], [sflag:$0x2] =	stream.indirect.gather [hbm4b:s5+s15], $0x40, s15, s15, $0xb8;
	[tilespmem:$0x11800] =	vst v63  }
0x25: {  	_ =	swait.ge [sflag:s18], $0x2000  }
0x26: {  	[sflag:s18] =	ssyncset.done $0x0  }
0x27: {  	[sflag:s18] =	ssyncadd.s32 $0xFFFFE000  }
0x28: {  	v40 =	vld [tilespmem:s8+$0xE600]  }
0x29: {  	v41 =	vld [tilespmem:s8+$0xE610]  }
0x2a: {  	v42 =	vld [tilespmem:s8+$0xE620]  }
0x2b: {  	v43 =	vld [tilespmem:s8+$0xE630];
	[tilespmem:$0x6400] =	vst v2  }
0x2c: {  	[tilespmem:$0x6410] =	vst v3  }
0x2d: {  	[tilespmem:$0x6420] =	vst v7  }
0x2e: {  	[tilespmem:$0x6430] =	vst v8  }
0x2f: {  	[tilespmem:$0x6440] =	vst v9  }
0x30: {  	[tilespmem:$0x6450] =	vst v13  }
0x31: {  	[tilespmem:$0x6460] =	vst v14  }
0x32: {  	s6 =	simm.s32 $0x0;
	s7 =	simm.s32 $0x400;
	[tilespmem:$0x6470] =	vst v15  }
.LBB2_2:
0x33: {  	p0 =	sne.s32 s7, $0x7C00;
	[tilespmem:s6+$0x66F0] =	vst.add.f32.msk $0xffff, v43  }
0x34: {  	[tilespmem:s6+$0x6600] =	vst.add.f32.msk $0xffff, v40  }
0x35: {  	[tilespmem:s6+$0x6610] =	vst.add.f32.msk $0xffff, v41  }
0x36: {  	[tilespmem:s6+$0x6620] =	vst.add.f32.msk $0xffff, v42  }
0x37: {  	[tilespmem:s6+$0x6630] =	vst.add.f32.msk $0xffff, v43  }
0x38: {  	[tilespmem:s6+$0x6640] =	vst.add.f32.msk $0xffff, v40  }
0x39: {  	[tilespmem:s6+$0x6650] =	vst.add.f32.msk $0xffff, v41  }
0x3a: {  	[tilespmem:s6+$0x6660] =	vst.add.f32.msk $0xffff, v42  }
0x3b: {  	[tilespmem:s6+$0x6670] =	vst.add.f32.msk $0xffff, v43  }
0x3c: {  	[tilespmem:s6+$0x6680] =	vst.add.f32.msk $0xffff, v40  }
0x3d: {  	[tilespmem:s6+$0x6690] =	vst.add.f32.msk $0xffff, v41  }
.Ltmp0:
0x3e: {  	[tilespmem:s6+$0x66A0] =	vst.add.f32.msk $0xffff, v42;
	(pc) =	sbr.rel @p0 .LBB2_2-.Ltmp0, $4  }
0x3f: {  	[tilespmem:s6+$0x66B0] =	vst.add.f32.msk $0xffff, v43  }
0x40: {  	[tilespmem:s6+$0x66C0] =	vst.add.f32.msk $0xffff, v40  }
0x41: {  	[tilespmem:s6+$0x66D0] =	vst.add.f32.msk $0xffff, v41  }
0x42: {  	[tilespmem:s6+$0x66E0] =	vst.add.f32.msk $0xffff, v42;
	s6 =	sshra.s32 s7, $0x2;
	s7 =	sadd.s32 $0x400, s7  }
0x43: {  	[tilespmem:s6+$0x66F0] =	vst.add.f32.msk $0xffff, v43  }
0x44: {  	[tilespmem:s6+$0x6600] =	vst.add.f32.msk $0xffff, v40  }
0x45: {  	[tilespmem:s6+$0x6610] =	vst.add.f32.msk $0xffff, v41  }
0x46: {  	[tilespmem:s6+$0x6620] =	vst.add.f32.msk $0xffff, v42  }
0x47: {  	[tilespmem:s6+$0x6630] =	vst.add.f32.msk $0xffff, v43  }
0x48: {  	[tilespmem:s6+$0x6640] =	vst.add.f32.msk $0xffff, v40  }
0x49: {  	[tilespmem:s6+$0x6650] =	vst.add.f32.msk $0xffff, v41  }
0x4a: {  	[tilespmem:s6+$0x6660] =	vst.add.f32.msk $0xffff, v42  }
0x4b: {  	[tilespmem:s6+$0x6670] =	vst.add.f32.msk $0xffff, v43  }
0x4c: {  	[tilespmem:s6+$0x6680] =	vst.add.f32.msk $0xffff, v40  }
0x4d: {  	[tilespmem:s6+$0x6690] =	vst.add.f32.msk $0xffff, v41  }
0x4e: {  	[tilespmem:s6+$0x66A0] =	vst.add.f32.msk $0xffff, v42  }
0x4f: {  	[tilespmem:s6+$0x66B0] =	vst.add.f32.msk $0xffff, v43  }
0x50: {  	[tilespmem:s6+$0x66C0] =	vst.add.f32.msk $0xffff, v40  }
0x51: {  	[tilespmem:s6+$0x66D0] =	vst.add.f32.msk $0xffff, v41  }
0x52: {  	[tilespmem:s6+$0x66E0] =	vst.add.f32.msk $0xffff, v42  }
0x53: {  	[hbm4b:s2+s15] =	stream.indirect.scatter [tilespmem:s16], [sflag:$0x5], $0x40, s19, s15, $0xb8;
	[tilespmem:$0x11800] =	vst v63  }
0x54: {  	s3 =	simm.s32 $0x100  }
0x55: {  	[tilespmem:s21], [sflag:$0x3] =	stream.indirect.gather [hbm4b:s5+s15], $0x40, s3, s15, $0xb8;
	[tilespmem:$0x11800] =	vst v63  }
0x56: {  	_ =	swait.ge [sflag:s22], $0x2000  }
0x57: {  	[sflag:s22] =	ssyncset.done $0x0  }
0x58: {  	[sflag:s22] =	ssyncadd.s32 $0xFFFFE000  }
0x59: {  	v40 =	vld [tilespmem:s9+$0xE600]  }
0x5a: {  	v41 =	vld [tilespmem:s9+$0xE610]  }
0x5b: {  	v42 =	vld [tilespmem:s9+$0xE620]  }
0x5c: {  	v43 =	vld [tilespmem:s9+$0xE630];
	[tilespmem:$0x6480] =	vst v16  }
0x5d: {  	[tilespmem:$0x6490] =	vst v17  }
0x5e: {  	[tilespmem:$0x64A0] =	vst v18  }
0x5f: {  	[tilespmem:$0x64B0] =	vst v19  }
0x60: {  	[tilespmem:$0x64C0] =	vst v20  }
0x61: {  	[tilespmem:$0x64D0] =	vst v21  }
0x62: {  	[tilespmem:$0x64E0] =	vst v22  }
0x63: {  	s6 =	simm.s32 $0x0;
	s7 =	simm.s32 $0x400;
	[tilespmem:$0x64F0] =	vst v23  }
.LBB2_4:
0x64: {  	p0 =	sne.s32 s7, $0x7C00;
	[tilespmem:s6+$0x86F0] =	vst.add.f32.msk $0xffff, v43  }
0x65: {  	[tilespmem:s6+$0x8600] =	vst.add.f32.msk $0xffff, v40  }
0x66: {  	[tilespmem:s6+$0x8610] =	vst.add.f32.msk $0xffff, v41  }
0x67: {  	[tilespmem:s6+$0x8620] =	vst.add.f32.msk $0xffff, v42  }
0x68: {  	[tilespmem:s6+$0x8630] =	vst.add.f32.msk $0xffff, v43  }
0x69: {  	[tilespmem:s6+$0x8640] =	vst.add.f32.msk $0xffff, v40  }
0x6a: {  	[tilespmem:s6+$0x8650] =	vst.add.f32.msk $0xffff, v41  }
0x6b: {  	[tilespmem:s6+$0x8660] =	vst.add.f32.msk $0xffff, v42  }
0x6c: {  	[tilespmem:s6+$0x8670] =	vst.add.f32.msk $0xffff, v43  }
0x6d: {  	[tilespmem:s6+$0x8680] =	vst.add.f32.msk $0xffff, v40  }
0x6e: {  	[tilespmem:s6+$0x8690] =	vst.add.f32.msk $0xffff, v41  }
.Ltmp1:
0x6f: {  	[tilespmem:s6+$0x86A0] =	vst.add.f32.msk $0xffff, v42;
	(pc) =	sbr.rel @p0 .LBB2_4-.Ltmp1, $4  }
0x70: {  	[tilespmem:s6+$0x86B0] =	vst.add.f32.msk $0xffff, v43  }
0x71: {  	[tilespmem:s6+$0x86C0] =	vst.add.f32.msk $0xffff, v40  }
0x72: {  	[tilespmem:s6+$0x86D0] =	vst.add.f32.msk $0xffff, v41  }
0x73: {  	[tilespmem:s6+$0x86E0] =	vst.add.f32.msk $0xffff, v42;
	s6 =	sshra.s32 s7, $0x2;
	s7 =	sadd.s32 $0x400, s7  }
0x74: {  	[tilespmem:s6+$0x86F0] =	vst.add.f32.msk $0xffff, v43  }
0x75: {  	[tilespmem:s6+$0x8600] =	vst.add.f32.msk $0xffff, v40  }
0x76: {  	[tilespmem:s6+$0x8610] =	vst.add.f32.msk $0xffff, v41  }
0x77: {  	[tilespmem:s6+$0x8620] =	vst.add.f32.msk $0xffff, v42  }
0x78: {  	[tilespmem:s6+$0x8630] =	vst.add.f32.msk $0xffff, v43  }
0x79: {  	[tilespmem:s6+$0x8640] =	vst.add.f32.msk $0xffff, v40  }
0x7a: {  	[tilespmem:s6+$0x8650] =	vst.add.f32.msk $0xffff, v41  }
0x7b: {  	[tilespmem:s6+$0x8660] =	vst.add.f32.msk $0xffff, v42  }
0x7c: {  	[tilespmem:s6+$0x8670] =	vst.add.f32.msk $0xffff, v43  }
0x7d: {  	[tilespmem:s6+$0x8680] =	vst.add.f32.msk $0xffff, v40  }
0x7e: {  	[tilespmem:s6+$0x8690] =	vst.add.f32.msk $0xffff, v41  }
0x7f: {  	[tilespmem:s6+$0x86A0] =	vst.add.f32.msk $0xffff, v42  }
0x80: {  	[tilespmem:s6+$0x86B0] =	vst.add.f32.msk $0xffff, v43  }
0x81: {  	[tilespmem:s6+$0x86C0] =	vst.add.f32.msk $0xffff, v40  }
0x82: {  	[tilespmem:s6+$0x86D0] =	vst.add.f32.msk $0xffff, v41  }
0x83: {  	[tilespmem:s6+$0x86E0] =	vst.add.f32.msk $0xffff, v42  }
0x84: {  	[hbm4b:s2+s15] =	stream.indirect.scatter [tilespmem:s17], [sflag:$0x6], $0x40, s23, s15, $0xb8;
	[tilespmem:$0x11800] =	vst v63  }
0x85: {  	s3 =	simm.s32 $0x180;
	s24 =	simm.s32 $0x0  }
0x86: {  	[tilespmem:s25], [sflag:$0x4] =	stream.indirect.gather [hbm4b:s5+s15], $0x40, s3, s15, $0xb8;
	[tilespmem:$0x11800] =	vst v63  }
.LBB2_6:
0x87: {  	s6 =	sshll.u32 s24, $0x2  }
0x88: {  	s3 =	sor.u32 $0x2, s6  }
0x89: {  	s7 =	sadd.s32 s4, s3  }
0x8a: {  	s12 =	sshrl.u32 s7, $0x5  }
0x8b: {  	s3 =	sand.u32 $0x6, s3;
	s12 =	sand.u32 $0x3FFFFF8, s12  }
0x8c: {  	_ =	swait.ge [sflag:s26], $0x2000;
	s7 =	sshrl.u32 s7, $0x3;
	s3 =	sor.u32 s3, s12  }
0x8d: {  	[sflag:s26] =	ssyncset.done $0x0;
	s7 =	sand.u32 $0x1F, s7;
	s12 =	sshll.u32 s3, $0x8  }
0x8e: {  	[sflag:s26] =	ssyncadd.s32 $0xFFFFE000;
	s7 =	smul.u32 $0x6400, s7;
	s12 =	sshra.s32 s12, $0x2  }
0x8f: {  	v40 =	vld [tilespmem:s12+$0xE600]  }
0x90: {  	s3 =	sadd.s32 s3, s7;
	v41 =	vld [tilespmem:s12+$0xE610]  }
0x91: {  	v42 =	vld [tilespmem:s12+$0xE620];
	v44 =	vadd.s32 s3, v0  }
0x92: {  	v43 =	vld [tilespmem:s12+$0xE630];
	v57 =	vadd.s32 s3, v1;
	[tilespmem:$0x6500] =	vst v44  }
0x93: {  	v58 =	vadd.s32 s3, v4;
	[tilespmem:$0x6510] =	vst v57  }
0x94: {  	v59 =	vadd.s32 s3, v5;
	[tilespmem:$0x6520] =	vst v58  }
0x95: {  	v60 =	vadd.s32 s3, v6;
	[tilespmem:$0x6530] =	vst v59  }
0x96: {  	v61 =	vadd.s32 s3, v10;
	[tilespmem:$0x6540] =	vst v60  }
0x97: {  	v62 =	vadd.s32 s3, v11;
	[tilespmem:$0x6550] =	vst v61  }
0x98: {  	v63 =	vadd.s32 s3, v12;
	[tilespmem:$0x6560] =	vst v62  }
0x99: {  	s7 =	simm.s32 $0x0;
	s12 =	simm.s32 $0x400;
	[tilespmem:$0x6570] =	vst v63  }
.LBB2_7:
0x9a: {  	p0 =	sne.s32 s12, $0x7C00;
	[tilespmem:s7+$0xA6F0] =	vst.add.f32.msk $0xffff, v43  }
0x9b: {  	[tilespmem:s7+$0xA600] =	vst.add.f32.msk $0xffff, v40  }
0x9c: {  	[tilespmem:s7+$0xA610] =	vst.add.f32.msk $0xffff, v41  }
0x9d: {  	[tilespmem:s7+$0xA620] =	vst.add.f32.msk $0xffff, v42  }
0x9e: {  	[tilespmem:s7+$0xA630] =	vst.add.f32.msk $0xffff, v43  }
0x9f: {  	[tilespmem:s7+$0xA640] =	vst.add.f32.msk $0xffff, v40  }
0xa0: {  	[tilespmem:s7+$0xA650] =	vst.add.f32.msk $0xffff, v41  }
0xa1: {  	[tilespmem:s7+$0xA660] =	vst.add.f32.msk $0xffff, v42  }
0xa2: {  	[tilespmem:s7+$0xA670] =	vst.add.f32.msk $0xffff, v43  }
0xa3: {  	[tilespmem:s7+$0xA680] =	vst.add.f32.msk $0xffff, v40  }
0xa4: {  	[tilespmem:s7+$0xA690] =	vst.add.f32.msk $0xffff, v41  }
.Ltmp2:
0xa5: {  	[tilespmem:s7+$0xA6A0] =	vst.add.f32.msk $0xffff, v42;
	(pc) =	sbr.rel @p0 .LBB2_7-.Ltmp2, $4  }
0xa6: {  	[tilespmem:s7+$0xA6B0] =	vst.add.f32.msk $0xffff, v43  }
0xa7: {  	[tilespmem:s7+$0xA6C0] =	vst.add.f32.msk $0xffff, v40  }
0xa8: {  	[tilespmem:s7+$0xA6D0] =	vst.add.f32.msk $0xffff, v41  }
0xa9: {  	[tilespmem:s7+$0xA6E0] =	vst.add.f32.msk $0xffff, v42;
	s7 =	sshra.s32 s12, $0x2;
	s12 =	sadd.s32 $0x400, s12  }
0xaa: {  	[tilespmem:s7+$0xA6F0] =	vst.add.f32.msk $0xffff, v43  }
0xab: {  	[tilespmem:s7+$0xA600] =	vst.add.f32.msk $0xffff, v40  }
0xac: {  	[tilespmem:s7+$0xA610] =	vst.add.f32.msk $0xffff, v41  }
0xad: {  	[tilespmem:s7+$0xA620] =	vst.add.f32.msk $0xffff, v42  }
0xae: {  	[tilespmem:s7+$0xA630] =	vst.add.f32.msk $0xffff, v43  }
0xaf: {  	[tilespmem:s7+$0xA640] =	vst.add.f32.msk $0xffff, v40  }
0xb0: {  	[tilespmem:s7+$0xA650] =	vst.add.f32.msk $0xffff, v41  }
0xb1: {  	[tilespmem:s7+$0xA660] =	vst.add.f32.msk $0xffff, v42  }
0xb2: {  	[tilespmem:s7+$0xA670] =	vst.add.f32.msk $0xffff, v43  }
0xb3: {  	[tilespmem:s7+$0xA680] =	vst.add.f32.msk $0xffff, v40  }
0xb4: {  	[tilespmem:s7+$0xA690] =	vst.add.f32.msk $0xffff, v41  }
0xb5: {  	[tilespmem:s7+$0xA6A0] =	vst.add.f32.msk $0xffff, v42  }
0xb6: {  	[tilespmem:s7+$0xA6B0] =	vst.add.f32.msk $0xffff, v43  }
0xb7: {  	[tilespmem:s7+$0xA6C0] =	vst.add.f32.msk $0xffff, v40  }
0xb8: {  	[tilespmem:s7+$0xA6D0] =	vst.add.f32.msk $0xffff, v41  }
0xb9: {  	[tilespmem:s7+$0xA6E0] =	vst.add.f32.msk $0xffff, v42  }
0xba: {  	[hbm4b:s2+s15] =	stream.indirect.scatter [tilespmem:s21], [sflag:$0x7], $0x40, s28, s15, $0xb8;
	[tilespmem:$0x11800] =	vst v63  }
0xbb: {  	s7 =	sadd.s32 $0x4, s6;
	_ =	swait.ge [sflag:s29], $0x2000  }
0xbc: {  	s3 =	sshll.u32 s7, $0x7;
	[sflag:s29] =	ssyncset.done $0x0  }
0xbd: {  	s3 =	sand.u32 $0x3FFFFF80, s3;
	[sflag:s29] =	ssyncadd.s32 $0xFFFFE000  }
0xbe: {  	[tilespmem:s16], [sflag:$0x1] =	stream.indirect.gather [hbm4b:s5+s15], $0x40, s3, s15, $0xb8;
	[tilespmem:$0x11800] =	vst v63  }
0xbf: {  	s3 =	sor.u32 $0x3, s6  }
0xc0: {  	s12 =	sadd.s32 s4, s3  }
0xc1: {  	s13 =	sshrl.u32 s12, $0x5  }
0xc2: {  	s3 =	sand.u32 $0x7, s3;
	s13 =	sand.u32 $0x3FFFFF8, s13  }
0xc3: {  	_ =	swait.ge [sflag:s30], $0x2000;
	s12 =	sshrl.u32 s12, $0x3;
	s3 =	sor.u32 s3, s13  }
0xc4: {  	[sflag:s30] =	ssyncset.done $0x0;
	s12 =	sand.u32 $0x1F, s12;
	s13 =	sshll.u32 s3, $0x8  }
0xc5: {  	[sflag:s30] =	ssyncadd.s32 $0xFFFFE000;
	s12 =	smul.u32 $0x6400, s12;
	s13 =	sshra.s32 s13, $0x2  }
0xc6: {  	v40 =	vld [tilespmem:s13+$0xE600]  }
0xc7: {  	s3 =	sadd.s32 s3, s12;
	v41 =	vld [tilespmem:s13+$0xE610]  }
0xc8: {  	v42 =	vld [tilespmem:s13+$0xE620];
	v44 =	vadd.s32 s3, v0  }
0xc9: {  	v43 =	vld [tilespmem:s13+$0xE630];
	v57 =	vadd.s32 s3, v1;
	[tilespmem:$0x6580] =	vst v44  }
0xca: {  	v58 =	vadd.s32 s3, v4;
	[tilespmem:$0x6590] =	vst v57  }
0xcb: {  	v59 =	vadd.s32 s3, v5;
	[tilespmem:$0x65A0] =	vst v58  }
0xcc: {  	v60 =	vadd.s32 s3, v6;
	[tilespmem:$0x65B0] =	vst v59  }
0xcd: {  	v61 =	vadd.s32 s3, v10;
	[tilespmem:$0x65C0] =	vst v60  }
0xce: {  	v62 =	vadd.s32 s3, v11;
	[tilespmem:$0x65D0] =	vst v61  }
0xcf: {  	v63 =	vadd.s32 s3, v12;
	[tilespmem:$0x65E0] =	vst v62  }
0xd0: {  	s12 =	simm.s32 $0x0;
	s3 =	simm.s32 $0x400;
	[tilespmem:$0x65F0] =	vst v63  }
.LBB2_9:
0xd1: {  	p0 =	sne.s32 s3, $0x7C00;
	[tilespmem:s12+$0xC6F0] =	vst.add.f32.msk $0xffff, v43  }
0xd2: {  	[tilespmem:s12+$0xC600] =	vst.add.f32.msk $0xffff, v40  }
0xd3: {  	[tilespmem:s12+$0xC610] =	vst.add.f32.msk $0xffff, v41  }
0xd4: {  	[tilespmem:s12+$0xC620] =	vst.add.f32.msk $0xffff, v42  }
0xd5: {  	[tilespmem:s12+$0xC630] =	vst.add.f32.msk $0xffff, v43  }
0xd6: {  	[tilespmem:s12+$0xC640] =	vst.add.f32.msk $0xffff, v40  }
0xd7: {  	[tilespmem:s12+$0xC650] =	vst.add.f32.msk $0xffff, v41  }
0xd8: {  	[tilespmem:s12+$0xC660] =	vst.add.f32.msk $0xffff, v42  }
0xd9: {  	[tilespmem:s12+$0xC670] =	vst.add.f32.msk $0xffff, v43  }
0xda: {  	[tilespmem:s12+$0xC680] =	vst.add.f32.msk $0xffff, v40  }
0xdb: {  	[tilespmem:s12+$0xC690] =	vst.add.f32.msk $0xffff, v41  }
.Ltmp3:
0xdc: {  	[tilespmem:s12+$0xC6A0] =	vst.add.f32.msk $0xffff, v42;
	(pc) =	sbr.rel @p0 .LBB2_9-.Ltmp3, $4  }
0xdd: {  	[tilespmem:s12+$0xC6B0] =	vst.add.f32.msk $0xffff, v43  }
0xde: {  	[tilespmem:s12+$0xC6C0] =	vst.add.f32.msk $0xffff, v40  }
0xdf: {  	[tilespmem:s12+$0xC6D0] =	vst.add.f32.msk $0xffff, v41  }
0xe0: {  	[tilespmem:s12+$0xC6E0] =	vst.add.f32.msk $0xffff, v42;
	s12 =	sshra.s32 s3, $0x2;
	s3 =	sadd.s32 $0x400, s3  }
0xe1: {  	[tilespmem:s12+$0xC6F0] =	vst.add.f32.msk $0xffff, v43  }
0xe2: {  	[tilespmem:s12+$0xC600] =	vst.add.f32.msk $0xffff, v40  }
0xe3: {  	[tilespmem:s12+$0xC610] =	vst.add.f32.msk $0xffff, v41  }
0xe4: {  	[tilespmem:s12+$0xC620] =	vst.add.f32.msk $0xffff, v42  }
0xe5: {  	[tilespmem:s12+$0xC630] =	vst.add.f32.msk $0xffff, v43  }
0xe6: {  	[tilespmem:s12+$0xC640] =	vst.add.f32.msk $0xffff, v40  }
0xe7: {  	[tilespmem:s12+$0xC650] =	vst.add.f32.msk $0xffff, v41  }
0xe8: {  	[tilespmem:s12+$0xC660] =	vst.add.f32.msk $0xffff, v42  }
0xe9: {  	[tilespmem:s12+$0xC670] =	vst.add.f32.msk $0xffff, v43  }
0xea: {  	[tilespmem:s12+$0xC680] =	vst.add.f32.msk $0xffff, v40  }
0xeb: {  	[tilespmem:s12+$0xC690] =	vst.add.f32.msk $0xffff, v41  }
0xec: {  	[tilespmem:s12+$0xC6A0] =	vst.add.f32.msk $0xffff, v42  }
0xed: {  	[tilespmem:s12+$0xC6B0] =	vst.add.f32.msk $0xffff, v43  }
0xee: {  	[tilespmem:s12+$0xC6C0] =	vst.add.f32.msk $0xffff, v40  }
0xef: {  	[tilespmem:s12+$0xC6D0] =	vst.add.f32.msk $0xffff, v41  }
0xf0: {  	[tilespmem:s12+$0xC6E0] =	vst.add.f32.msk $0xffff, v42  }
0xf1: {  	[hbm4b:s2+s15] =	stream.indirect.scatter [tilespmem:s25], [sflag:$0x8], $0x40, s31, s15, $0xb8;
	[tilespmem:$0x11800] =	vst v63  }
0xf2: {  	s6 =	sadd.s32 $0x5, s6;
	_ =	swait.ge [sflag:s1], $0x2000  }
0xf3: {  	s3 =	sshll.u32 s6, $0x7;
	[sflag:s1] =	ssyncset.done $0x0  }
0xf4: {  	s3 =	sand.u32 $0x3FFFFF80, s3;
	[sflag:s1] =	ssyncadd.s32 $0xFFFFE000  }
0xf5: {  	[tilespmem:s17], [sflag:$0x2] =	stream.indirect.gather [hbm4b:s5+s15], $0x40, s3, s15, $0xb8;
	[tilespmem:$0x11800] =	vst v63  }
0xf6: {  	s3 =	sadd.s32 s4, s7  }
0xf7: {  	s13 =	sshrl.u32 s3, $0x5  }
0xf8: {  	s12 =	sand.u32 $0x3FFFFF8, s13;
	s13 =	sand.u32 $0x4, s7  }
0xf9: {  	_ =	swait.ge [sflag:s18], $0x2000;
	s3 =	sshrl.u32 s3, $0x3;
	s7 =	sor.u32 s13, s12  }
0xfa: {  	[sflag:s18] =	ssyncset.done $0x0;
	s3 =	sand.u32 $0x1F, s3;
	s12 =	sshll.u32 s7, $0x8  }
0xfb: {  	[sflag:s18] =	ssyncadd.s32 $0xFFFFE000;
	s3 =	smul.u32 $0x6400, s3;
	s12 =	sshra.s32 s12, $0x2  }
0xfc: {  	v40 =	vld [tilespmem:s12+$0xE600]  }
0xfd: {  	s3 =	sadd.s32 s7, s3;
	v41 =	vld [tilespmem:s12+$0xE610]  }
0xfe: {  	v42 =	vld [tilespmem:s12+$0xE620];
	v44 =	vadd.s32 s3, v0  }
0xff: {  	v43 =	vld [tilespmem:s12+$0xE630];
	v57 =	vadd.s32 s3, v1;
	[tilespmem:$0x6400] =	vst v44  }
0x100: {  	v58 =	vadd.s32 s3, v4;
	[tilespmem:$0x6410] =	vst v57  }
0x101: {  	v59 =	vadd.s32 s3, v5;
	[tilespmem:$0x6420] =	vst v58  }
0x102: {  	v60 =	vadd.s32 s3, v6;
	[tilespmem:$0x6430] =	vst v59  }
0x103: {  	v61 =	vadd.s32 s3, v10;
	[tilespmem:$0x6440] =	vst v60  }
0x104: {  	v62 =	vadd.s32 s3, v11;
	[tilespmem:$0x6450] =	vst v61  }
0x105: {  	v63 =	vadd.s32 s3, v12;
	[tilespmem:$0x6460] =	vst v62  }
0x106: {  	s7 =	simm.s32 $0x0;
	s3 =	simm.s32 $0x400;
	[tilespmem:$0x6470] =	vst v63  }
.LBB2_11:
0x107: {  	p0 =	sne.s32 s3, $0x7C00;
	[tilespmem:s7+$0x66F0] =	vst.add.f32.msk $0xffff, v43  }
0x108: {  	[tilespmem:s7+$0x6600] =	vst.add.f32.msk $0xffff, v40  }
0x109: {  	[tilespmem:s7+$0x6610] =	vst.add.f32.msk $0xffff, v41  }
0x10a: {  	[tilespmem:s7+$0x6620] =	vst.add.f32.msk $0xffff, v42  }
0x10b: {  	[tilespmem:s7+$0x6630] =	vst.add.f32.msk $0xffff, v43  }
0x10c: {  	[tilespmem:s7+$0x6640] =	vst.add.f32.msk $0xffff, v40  }
0x10d: {  	[tilespmem:s7+$0x6650] =	vst.add.f32.msk $0xffff, v41  }
0x10e: {  	[tilespmem:s7+$0x6660] =	vst.add.f32.msk $0xffff, v42  }
0x10f: {  	[tilespmem:s7+$0x6670] =	vst.add.f32.msk $0xffff, v43  }
0x110: {  	[tilespmem:s7+$0x6680] =	vst.add.f32.msk $0xffff, v40  }
0x111: {  	[tilespmem:s7+$0x6690] =	vst.add.f32.msk $0xffff, v41  }
.Ltmp4:
0x112: {  	[tilespmem:s7+$0x66A0] =	vst.add.f32.msk $0xffff, v42;
	(pc) =	sbr.rel @p0 .LBB2_11-.Ltmp4, $4  }
0x113: {  	[tilespmem:s7+$0x66B0] =	vst.add.f32.msk $0xffff, v43  }
0x114: {  	[tilespmem:s7+$0x66C0] =	vst.add.f32.msk $0xffff, v40  }
0x115: {  	[tilespmem:s7+$0x66D0] =	vst.add.f32.msk $0xffff, v41  }
0x116: {  	[tilespmem:s7+$0x66E0] =	vst.add.f32.msk $0xffff, v42;
	s7 =	sshra.s32 s3, $0x2;
	s3 =	sadd.s32 $0x400, s3  }
0x117: {  	[tilespmem:s7+$0x66F0] =	vst.add.f32.msk $0xffff, v43  }
0x118: {  	[tilespmem:s7+$0x6600] =	vst.add.f32.msk $0xffff, v40  }
0x119: {  	[tilespmem:s7+$0x6610] =	vst.add.f32.msk $0xffff, v41  }
0x11a: {  	[tilespmem:s7+$0x6620] =	vst.add.f32.msk $0xffff, v42  }
0x11b: {  	[tilespmem:s7+$0x6630] =	vst.add.f32.msk $0xffff, v43  }
0x11c: {  	[tilespmem:s7+$0x6640] =	vst.add.f32.msk $0xffff, v40  }
0x11d: {  	[tilespmem:s7+$0x6650] =	vst.add.f32.msk $0xffff, v41  }
0x11e: {  	[tilespmem:s7+$0x6660] =	vst.add.f32.msk $0xffff, v42  }
0x11f: {  	[tilespmem:s7+$0x6670] =	vst.add.f32.msk $0xffff, v43  }
0x120: {  	[tilespmem:s7+$0x6680] =	vst.add.f32.msk $0xffff, v40  }
0x121: {  	[tilespmem:s7+$0x6690] =	vst.add.f32.msk $0xffff, v41  }
0x122: {  	[tilespmem:s7+$0x66A0] =	vst.add.f32.msk $0xffff, v42  }
0x123: {  	[tilespmem:s7+$0x66B0] =	vst.add.f32.msk $0xffff, v43  }
0x124: {  	[tilespmem:s7+$0x66C0] =	vst.add.f32.msk $0xffff, v40  }
0x125: {  	[tilespmem:s7+$0x66D0] =	vst.add.f32.msk $0xffff, v41  }
0x126: {  	[tilespmem:s7+$0x66E0] =	vst.add.f32.msk $0xffff, v42  }
0x127: {  	[hbm4b:s2+s15] =	stream.indirect.scatter [tilespmem:s16], [sflag:$0x5], $0x40, s19, s15, $0xb8;
	[tilespmem:$0x11800] =	vst v63  }
0x128: {  	s3 =	sshll.u32 s24, $0x9;
	_ =	swait.ge [sflag:s0], $0x2000  }
0x129: {  	s7 =	sand.u32 $0x3FFFFE00, s3;
	[sflag:s0] =	ssyncset.done $0x0  }
0x12a: {  	s3 =	sadd.s32 $0x300, s7;
	[sflag:s0] =	ssyncadd.s32 $0xFFFFE000  }
0x12b: {  	[tilespmem:s21], [sflag:$0x3] =	stream.indirect.gather [hbm4b:s5+s15], $0x40, s3, s15, $0xb8;
	[tilespmem:$0x11800] =	vst v63  }
0x12c: {  	s3 =	sadd.s32 s4, s6  }
0x12d: {  	s12 =	sshrl.u32 s3, $0x5  }
0x12e: {  	s13 =	sand.u32 $0x5, s6;
	s12 =	sand.u32 $0x3FFFFF8, s12  }
0x12f: {  	_ =	swait.ge [sflag:s22], $0x2000;
	s3 =	sshrl.u32 s3, $0x3;
	s6 =	sor.u32 s13, s12  }
0x130: {  	[sflag:s22] =	ssyncset.done $0x0;
	s3 =	sand.u32 $0x1F, s3;
	s12 =	sshll.u32 s6, $0x8  }
0x131: {  	[sflag:s22] =	ssyncadd.s32 $0xFFFFE000;
	s3 =	smul.u32 $0x6400, s3;
	s12 =	sshra.s32 s12, $0x2  }
0x132: {  	v40 =	vld [tilespmem:s12+$0xE600]  }
0x133: {  	s3 =	sadd.s32 s6, s3;
	v41 =	vld [tilespmem:s12+$0xE610]  }
0x134: {  	v42 =	vld [tilespmem:s12+$0xE620];
	v44 =	vadd.s32 s3, v0  }
0x135: {  	v43 =	vld [tilespmem:s12+$0xE630];
	v57 =	vadd.s32 s3, v1;
	[tilespmem:$0x6480] =	vst v44  }
0x136: {  	v58 =	vadd.s32 s3, v4;
	[tilespmem:$0x6490] =	vst v57  }
0x137: {  	v59 =	vadd.s32 s3, v5;
	[tilespmem:$0x64A0] =	vst v58  }
0x138: {  	v60 =	vadd.s32 s3, v6;
	[tilespmem:$0x64B0] =	vst v59  }
0x139: {  	v61 =	vadd.s32 s3, v10;
	[tilespmem:$0x64C0] =	vst v60  }
0x13a: {  	v62 =	vadd.s32 s3, v11;
	[tilespmem:$0x64D0] =	vst v61  }
0x13b: {  	v63 =	vadd.s32 s3, v12;
	[tilespmem:$0x64E0] =	vst v62  }
0x13c: {  	s6 =	simm.s32 $0x0;
	s3 =	simm.s32 $0x400;
	[tilespmem:$0x64F0] =	vst v63  }
.LBB2_13:
0x13d: {  	p0 =	sne.s32 s3, $0x7C00;
	[tilespmem:s6+$0x86F0] =	vst.add.f32.msk $0xffff, v43  }
0x13e: {  	[tilespmem:s6+$0x8600] =	vst.add.f32.msk $0xffff, v40  }
0x13f: {  	[tilespmem:s6+$0x8610] =	vst.add.f32.msk $0xffff, v41  }
0x140: {  	[tilespmem:s6+$0x8620] =	vst.add.f32.msk $0xffff, v42  }
0x141: {  	[tilespmem:s6+$0x8630] =	vst.add.f32.msk $0xffff, v43  }
0x142: {  	[tilespmem:s6+$0x8640] =	vst.add.f32.msk $0xffff, v40  }
0x143: {  	[tilespmem:s6+$0x8650] =	vst.add.f32.msk $0xffff, v41  }
0x144: {  	[tilespmem:s6+$0x8660] =	vst.add.f32.msk $0xffff, v42  }
0x145: {  	[tilespmem:s6+$0x8670] =	vst.add.f32.msk $0xffff, v43  }
0x146: {  	[tilespmem:s6+$0x8680] =	vst.add.f32.msk $0xffff, v40  }
0x147: {  	[tilespmem:s6+$0x8690] =	vst.add.f32.msk $0xffff, v41  }
.Ltmp5:
0x148: {  	[tilespmem:s6+$0x86A0] =	vst.add.f32.msk $0xffff, v42;
	(pc) =	sbr.rel @p0 .LBB2_13-.Ltmp5, $4  }
0x149: {  	[tilespmem:s6+$0x86B0] =	vst.add.f32.msk $0xffff, v43  }
0x14a: {  	[tilespmem:s6+$0x86C0] =	vst.add.f32.msk $0xffff, v40  }
0x14b: {  	[tilespmem:s6+$0x86D0] =	vst.add.f32.msk $0xffff, v41  }
0x14c: {  	[tilespmem:s6+$0x86E0] =	vst.add.f32.msk $0xffff, v42;
	s6 =	sshra.s32 s3, $0x2;
	s3 =	sadd.s32 $0x400, s3  }
0x14d: {  	[tilespmem:s6+$0x86F0] =	vst.add.f32.msk $0xffff, v43  }
0x14e: {  	[tilespmem:s6+$0x8600] =	vst.add.f32.msk $0xffff, v40  }
0x14f: {  	[tilespmem:s6+$0x8610] =	vst.add.f32.msk $0xffff, v41  }
0x150: {  	[tilespmem:s6+$0x8620] =	vst.add.f32.msk $0xffff, v42  }
0x151: {  	[tilespmem:s6+$0x8630] =	vst.add.f32.msk $0xffff, v43  }
0x152: {  	[tilespmem:s6+$0x8640] =	vst.add.f32.msk $0xffff, v40  }
0x153: {  	[tilespmem:s6+$0x8650] =	vst.add.f32.msk $0xffff, v41  }
0x154: {  	[tilespmem:s6+$0x8660] =	vst.add.f32.msk $0xffff, v42  }
0x155: {  	[tilespmem:s6+$0x8670] =	vst.add.f32.msk $0xffff, v43  }
0x156: {  	[tilespmem:s6+$0x8680] =	vst.add.f32.msk $0xffff, v40  }
0x157: {  	[tilespmem:s6+$0x8690] =	vst.add.f32.msk $0xffff, v41  }
0x158: {  	[tilespmem:s6+$0x86A0] =	vst.add.f32.msk $0xffff, v42  }
0x159: {  	[tilespmem:s6+$0x86B0] =	vst.add.f32.msk $0xffff, v43  }
0x15a: {  	[tilespmem:s6+$0x86C0] =	vst.add.f32.msk $0xffff, v40  }
0x15b: {  	[tilespmem:s6+$0x86D0] =	vst.add.f32.msk $0xffff, v41  }
0x15c: {  	[tilespmem:s6+$0x86E0] =	vst.add.f32.msk $0xffff, v42;
	s24 =	sadd.s32 $0x1, s24  }
0x15d: {  	[hbm4b:s2+s15] =	stream.indirect.scatter [tilespmem:s17], [sflag:$0x6], $0x40, s23, s15, $0xb8;
	[tilespmem:$0x11800] =	vst v63  }
0x15e: {  	p0 =	sne.s32 s24, $0x31  }
.Ltmp6:
0x15f: {  	_ = 	snop;
	(pc) =	sbr.rel @p0 .LBB2_6-.Ltmp6, $4  }
0x160: {  	_ =	swait.ge [sflag:s14], $0x2000  }
0x161: {  	[sflag:s14] =	ssyncset.done $0x0  }
0x162: {  	s3 =	sadd.s32 $0x380, s7;
	[sflag:s14] =	ssyncadd.s32 $0xFFFFE000  }
0x163: {  	[tilespmem:s25], [sflag:$0x4] =	stream.indirect.gather [hbm4b:s5+s15], $0x40, s3, s15, $0xb8;
	[tilespmem:$0x11800] =	vst v63  }
0x164: {  	_ =	swait.ge [sflag:s26], $0x2000  }
0x165: {  	[sflag:s26] =	ssyncset.done $0x0  }
0x166: {  	[sflag:s26] =	ssyncadd.s32 $0xFFFFE000  }
0x167: {  	v40 =	vld [tilespmem:s10+$0xE600]  }
0x168: {  	v41 =	vld [tilespmem:s10+$0xE610]  }
0x169: {  	v42 =	vld [tilespmem:s10+$0xE620]  }
0x16a: {  	v43 =	vld [tilespmem:s10+$0xE630];
	[tilespmem:$0x6500] =	vst v24  }
0x16b: {  	[tilespmem:$0x6510] =	vst v25  }
0x16c: {  	[tilespmem:$0x6520] =	vst v26  }
0x16d: {  	[tilespmem:$0x6530] =	vst v27  }
0x16e: {  	[tilespmem:$0x6540] =	vst v28  }
0x16f: {  	[tilespmem:$0x6550] =	vst v29  }
0x170: {  	[tilespmem:$0x6560] =	vst v30  }
0x171: {  	s6 =	simm.s32 $0x0;
	s3 =	simm.s32 $0x400;
	[tilespmem:$0x6570] =	vst v31  }
.LBB2_16:
0x172: {  	p0 =	sne.s32 s3, $0x7C00;
	[tilespmem:s6+$0xA6F0] =	vst.add.f32.msk $0xffff, v43  }
0x173: {  	[tilespmem:s6+$0xA600] =	vst.add.f32.msk $0xffff, v40  }
0x174: {  	[tilespmem:s6+$0xA610] =	vst.add.f32.msk $0xffff, v41  }
0x175: {  	[tilespmem:s6+$0xA620] =	vst.add.f32.msk $0xffff, v42  }
0x176: {  	[tilespmem:s6+$0xA630] =	vst.add.f32.msk $0xffff, v43  }
0x177: {  	[tilespmem:s6+$0xA640] =	vst.add.f32.msk $0xffff, v40  }
0x178: {  	[tilespmem:s6+$0xA650] =	vst.add.f32.msk $0xffff, v41  }
0x179: {  	[tilespmem:s6+$0xA660] =	vst.add.f32.msk $0xffff, v42  }
0x17a: {  	[tilespmem:s6+$0xA670] =	vst.add.f32.msk $0xffff, v43  }
0x17b: {  	[tilespmem:s6+$0xA680] =	vst.add.f32.msk $0xffff, v40  }
0x17c: {  	[tilespmem:s6+$0xA690] =	vst.add.f32.msk $0xffff, v41  }
.Ltmp7:
0x17d: {  	[tilespmem:s6+$0xA6A0] =	vst.add.f32.msk $0xffff, v42;
	(pc) =	sbr.rel @p0 .LBB2_16-.Ltmp7, $4  }
0x17e: {  	[tilespmem:s6+$0xA6B0] =	vst.add.f32.msk $0xffff, v43  }
0x17f: {  	[tilespmem:s6+$0xA6C0] =	vst.add.f32.msk $0xffff, v40  }
0x180: {  	[tilespmem:s6+$0xA6D0] =	vst.add.f32.msk $0xffff, v41  }
0x181: {  	[tilespmem:s6+$0xA6E0] =	vst.add.f32.msk $0xffff, v42;
	s6 =	sshra.s32 s3, $0x2;
	s3 =	sadd.s32 $0x400, s3  }
0x182: {  	[tilespmem:s6+$0xA6F0] =	vst.add.f32.msk $0xffff, v43  }
0x183: {  	[tilespmem:s6+$0xA600] =	vst.add.f32.msk $0xffff, v40  }
0x184: {  	[tilespmem:s6+$0xA610] =	vst.add.f32.msk $0xffff, v41  }
0x185: {  	[tilespmem:s6+$0xA620] =	vst.add.f32.msk $0xffff, v42  }
0x186: {  	[tilespmem:s6+$0xA630] =	vst.add.f32.msk $0xffff, v43  }
0x187: {  	[tilespmem:s6+$0xA640] =	vst.add.f32.msk $0xffff, v40  }
0x188: {  	[tilespmem:s6+$0xA650] =	vst.add.f32.msk $0xffff, v41  }
0x189: {  	[tilespmem:s6+$0xA660] =	vst.add.f32.msk $0xffff, v42  }
0x18a: {  	[tilespmem:s6+$0xA670] =	vst.add.f32.msk $0xffff, v43  }
0x18b: {  	[tilespmem:s6+$0xA680] =	vst.add.f32.msk $0xffff, v40  }
0x18c: {  	[tilespmem:s6+$0xA690] =	vst.add.f32.msk $0xffff, v41  }
0x18d: {  	[tilespmem:s6+$0xA6A0] =	vst.add.f32.msk $0xffff, v42  }
0x18e: {  	[tilespmem:s6+$0xA6B0] =	vst.add.f32.msk $0xffff, v43  }
0x18f: {  	[tilespmem:s6+$0xA6C0] =	vst.add.f32.msk $0xffff, v40  }
0x190: {  	[tilespmem:s6+$0xA6D0] =	vst.add.f32.msk $0xffff, v41  }
0x191: {  	[tilespmem:s6+$0xA6E0] =	vst.add.f32.msk $0xffff, v42  }
0x192: {  	[hbm4b:s2+s15] =	stream.indirect.scatter [tilespmem:s21], [sflag:$0x7], $0x40, s28, s15, $0xb8;
	[tilespmem:$0x11800] =	vst v63  }
0x193: {  	_ =	swait.ge [sflag:s30], $0x2000  }
0x194: {  	[sflag:s30] =	ssyncset.done $0x0  }
0x195: {  	[sflag:s30] =	ssyncadd.s32 $0xFFFFE000  }
0x196: {  	v40 =	vld [tilespmem:s11+$0xE600]  }
0x197: {  	v41 =	vld [tilespmem:s11+$0xE610]  }
0x198: {  	v42 =	vld [tilespmem:s11+$0xE620]  }
0x199: {  	v43 =	vld [tilespmem:s11+$0xE630];
	[tilespmem:$0x6580] =	vst v32  }
0x19a: {  	[tilespmem:$0x6590] =	vst v33  }
0x19b: {  	[tilespmem:$0x65A0] =	vst v34  }
0x19c: {  	[tilespmem:$0x65B0] =	vst v35  }
0x19d: {  	[tilespmem:$0x65C0] =	vst v36  }
0x19e: {  	[tilespmem:$0x65D0] =	vst v37  }
0x19f: {  	[tilespmem:$0x65E0] =	vst v38  }
0x1a0: {  	s6 =	simm.s32 $0x0;
	s3 =	simm.s32 $0x400;
	[tilespmem:$0x65F0] =	vst v39  }
.LBB2_18:
0x1a1: {  	p0 =	sne.s32 s3, $0x7C00;
	[tilespmem:s6+$0xC6F0] =	vst.add.f32.msk $0xffff, v43  }
0x1a2: {  	[tilespmem:s6+$0xC600] =	vst.add.f32.msk $0xffff, v40  }
0x1a3: {  	[tilespmem:s6+$0xC610] =	vst.add.f32.msk $0xffff, v41  }
0x1a4: {  	[tilespmem:s6+$0xC620] =	vst.add.f32.msk $0xffff, v42  }
0x1a5: {  	[tilespmem:s6+$0xC630] =	vst.add.f32.msk $0xffff, v43  }
0x1a6: {  	[tilespmem:s6+$0xC640] =	vst.add.f32.msk $0xffff, v40  }
0x1a7: {  	[tilespmem:s6+$0xC650] =	vst.add.f32.msk $0xffff, v41  }
0x1a8: {  	[tilespmem:s6+$0xC660] =	vst.add.f32.msk $0xffff, v42  }
0x1a9: {  	[tilespmem:s6+$0xC670] =	vst.add.f32.msk $0xffff, v43  }
0x1aa: {  	[tilespmem:s6+$0xC680] =	vst.add.f32.msk $0xffff, v40  }
0x1ab: {  	[tilespmem:s6+$0xC690] =	vst.add.f32.msk $0xffff, v41  }
.Ltmp8:
0x1ac: {  	[tilespmem:s6+$0xC6A0] =	vst.add.f32.msk $0xffff, v42;
	(pc) =	sbr.rel @p0 .LBB2_18-.Ltmp8, $4  }
0x1ad: {  	[tilespmem:s6+$0xC6B0] =	vst.add.f32.msk $0xffff, v43  }
0x1ae: {  	[tilespmem:s6+$0xC6C0] =	vst.add.f32.msk $0xffff, v40  }
0x1af: {  	[tilespmem:s6+$0xC6D0] =	vst.add.f32.msk $0xffff, v41  }
0x1b0: {  	[tilespmem:s6+$0xC6E0] =	vst.add.f32.msk $0xffff, v42;
	s6 =	sshra.s32 s3, $0x2;
	s3 =	sadd.s32 $0x400, s3  }
0x1b1: {  	[tilespmem:s6+$0xC6F0] =	vst.add.f32.msk $0xffff, v43  }
0x1b2: {  	[tilespmem:s6+$0xC600] =	vst.add.f32.msk $0xffff, v40  }
0x1b3: {  	[tilespmem:s6+$0xC610] =	vst.add.f32.msk $0xffff, v41  }
0x1b4: {  	[tilespmem:s6+$0xC620] =	vst.add.f32.msk $0xffff, v42  }
0x1b5: {  	[tilespmem:s6+$0xC630] =	vst.add.f32.msk $0xffff, v43  }
0x1b6: {  	[tilespmem:s6+$0xC640] =	vst.add.f32.msk $0xffff, v40  }
0x1b7: {  	[tilespmem:s6+$0xC650] =	vst.add.f32.msk $0xffff, v41  }
0x1b8: {  	[tilespmem:s6+$0xC660] =	vst.add.f32.msk $0xffff, v42  }
0x1b9: {  	[tilespmem:s6+$0xC670] =	vst.add.f32.msk $0xffff, v43  }
0x1ba: {  	[tilespmem:s6+$0xC680] =	vst.add.f32.msk $0xffff, v40  }
0x1bb: {  	[tilespmem:s6+$0xC690] =	vst.add.f32.msk $0xffff, v41  }
0x1bc: {  	[tilespmem:s6+$0xC6A0] =	vst.add.f32.msk $0xffff, v42  }
0x1bd: {  	[tilespmem:s6+$0xC6B0] =	vst.add.f32.msk $0xffff, v43  }
0x1be: {  	[tilespmem:s6+$0xC6C0] =	vst.add.f32.msk $0xffff, v40  }
0x1bf: {  	[tilespmem:s6+$0xC6D0] =	vst.add.f32.msk $0xffff, v41  }
0x1c0: {  	[tilespmem:s6+$0xC6E0] =	vst.add.f32.msk $0xffff, v42  }
0x1c1: {  	[hbm4b:s2+s15] =	stream.indirect.scatter [tilespmem:s25], [sflag:$0x8], $0x40, s31, s15, $0xb8;
	[tilespmem:$0x11800] =	vst v63  }
0x1c2: {  	_ =	swait.ge [sflag:s29], $0x2000  }
0x1c3: {  	[sflag:s29] =	ssyncset.done $0x0  }
0x1c4: {  	[sflag:s29] =	ssyncadd.s32 $0xFFFFE000  }
0x1c5: {  	_ =	swait.ge [sflag:s1], $0x2000  }
0x1c6: {  	[sflag:s1] =	ssyncset.done $0x0  }
0x1c7: {  	[sflag:s1] =	ssyncadd.s32 $0xFFFFE000  }
0x1c8: {  	_ =	swait.ge [sflag:s0], $0x2000  }
0x1c9: {  	[sflag:s0] =	ssyncset.done $0x0  }
0x1ca: {  	[sflag:s0] =	ssyncadd.s32 $0xFFFFE000  }
0x1cb: {  	_ =	swait.ge [sflag:s14], $0x2000  }
0x1cc: {  	s20 =	sadd.s32 $0x1, s20;
	s3 =	rddreg [dreg:$0x6]  }
0x1cd: {  	p0 =	sne.s32 s20, s3  }
.Ltmp9:
0x1ce: {  	_ = 	snop;
	(pc) =	sbr.rel @p0 .LBB2_1-.Ltmp9, $3  }
0x1cf: {  	_ =	sdelay $0x1  }
0x1d0: {  	[sflag:s14] =	ssyncset.done $0x0  }
0x1d1: {  	[sflag:s14] =	ssyncadd.s32 $0xFFFFE000  }
0x1d2: {  	_ =	sfence.sel $0x180000  }
0x1d3: {  	[bflag:$0x0] =	sbarrier.arrive $0xFFFF  }
0x1d4: {  	_ =	strace $0x90000047  }
0x1d5: {  	s0 =	stileid.u32;
	[bflag:$0x2] =	sbarrier.arrive $0xFFFF  }
0x1d6: {  	p0 =	sne.s32 s0, $0x0;
	s0 =	rddreg [dreg:$0x3]  }
0x1d7: {  	s0 =	sadd.s32 @!p0 $0x100000, s0  }
0x1d8: {  	[sflag:s0] =	ssyncadd.tile.s32 @!p0 $0x1;
	_ =	shalt  }
.Lfunc_end2:
_tile_overlayer_lowered:
.L_overlay_start_2:
0x1d9: {  	(tag) =	ssettag $0x2  }
0x1da: {  	s0 =	rddreg [dreg:$0x0];
	s2 =	stileid.u32  }
0x1db: {  	s1 =	rddreg [dreg:$0x1];
	p0 =	sne.s32 s2, $0x0  }
0x1dc: {  	s3 =	rddreg [dreg:$0x2];
	[bflag:$0x3] =	sbarrier.arrive $0xFFFF;
	s2 =	simm.s32 @!p0 $0x1C09  }
0x1dd: {  	[timem:s3], [sflag:s2] =	dma.local @!p0 [hbm:s0], s1  }
0x1de: {  	s0 =	simm.s32 @!p0 $0x9  }
0x1df: {  	_ =	swait.ge @!p0 [sflag:s0], s1  }
0x1e0: {  	s1 =	ssub.s32 @!p0 $0x0, s1;
	[sflag:s0] =	ssyncset.done @!p0 $0x0  }
0x1e1: {  	[sflag:s0] =	ssyncadd.s32 @!p0 s1  }
0x1e2: {  	[bflag:$0x3] =	sbarrier.arrive $0xFFFF  }
0x1e3: {  	_ =	shalt  }

// kernel: sparse-core-data-format-call.cloned.1.call-start
scs
called_computation_lowered:
.L_overlay_start_0:
0x0: {  	s2 =	sld [smem:$0x3FD9]  }
0x1: {  	s3 =	sld [smem:$0x3FFE];
	_ =	sdelay $0x1  }
0x2: {  	s1 =	srdreg.scid  }
0x3: {  	s0 =	sand.u32 $0x1, s1  }
0x4: {  	s18 =	sshll.u32 s0, $0xA;
	s2 =	sadd.s32 s3, s2  }
0x5: {  	s2 =	sadd.s32 s2, s18  }
0x6: {  	[smem:$0x3FC6] =	sst s2  }
0x7: {  	_ = 	snop  }
0x8: {  	s2 =	sld [smem:$0x3FD0];
	(tm) =	ssettm $0x1  }
0x9: {  	s19 =	sld [smem:$0x3FFB];
	_ =	sdelay $0x3  }
0xa: {  	_ =	strace s19  }
0xb: {  	s3 =	sld [smem:$0x3FFC];
	_ =	sdelay $0x3  }
0xc: {  	_ =	strace s3  }
0xd: {  	s3 =	sld [smem:$0x3FFD];
	_ =	sdelay $0x3  }
0xe: {  	_ =	strace s3  }
0xf: {  	_ =	strace $0x8FFFFFFF  }
0x10: {  	s20 =	sld [smem:$0x3FDB];
	_ =	sdelay $0x1  }
0x11: {  	s4 =	simm.s32 $_scs_section_size  }
0x12: {  	s5 =	simm.s32 $_size__tile_overlayer_lowered;
	s6 =	simm.s32 $_tile_overlayer_lowered  }
0x13: {  	s23 =	simm.s32 $0x1BFF;
	s22 =	sshll.u32 s6, $0x1;
	s3 =	sadd.s32 s4, s20  }
0x14: {  	s7 =	simm.s32 $0x0;
	s21 =	sshll.u32 s5, $0x1;
	s5 =	sadd.s32 s22, s3  }
0x15: {  	[timem:s7], [sflag:s23] =	dma.local [hbm:s5], s21  }
0x16: {  	_ =	swait.ge [sflag:s23], s21  }
0x17: {  	s4 =	ssub.s32 $0x0, s21;
	[sflag:s23] =	ssyncset.done $0x0  }
0x18: {  	[sflag:s23] =	ssyncadd.s32 s4;
	_ =	sdelay $0x1  }
0x19: {  	s24 =	simm.s32 $0x1B8B  }
0x1a: {  	_ =	swait.ge [sflag:s24], $0x1  }
0x1b: {  	[sflag:s24] =	ssyncset.done $0x0  }
0x1c: {  	s26 =	simm.s32 $0x1B8E;
	s25 =	sld [smem:$0x3FFE];
	[sflag:s24] =	ssyncadd.s32 $0xFFFFFFFF  }
0x1d: {  	s27 =	simm.s32 $execute0_lowered;
	[smem:$0x3FD2] =	sst s26  }
0x1e: {  	s5 =	sshll.u32 s27, $0x1;
	_ =	strace $0x80000049;
	[dreg:$0x1] =	wrdreg $0xFFFFFFFF  }
0x1f: {  	s28 =	simm.s32 $_size_execute0_lowered;
	s3 =	sadd.s32 s3, s5;
	[dreg:$0x0] =	wrdreg $0x0  }
0x20: {  	s5 =	sshll.u32 s28, $0x1;
	[dreg:$0x2] =	wrdreg s3  }
0x21: {  	[dreg:$0x3] =	wrdreg s5  }
0x22: {  	[dreg:$0x4] =	wrdreg $0xC0  }
0x23: {  	_ =	task [dreg:s7], $0x5FFFF  }
0x24: {  	[dreg:$0x1] =	wrdreg $0xFFFFFFFF  }
0x25: {  	[dreg:$0x0] =	wrdreg $0x60  }
0x26: {  	[dreg:$0x2] =	wrdreg s25  }
0x27: {  	[dreg:$0x3] =	wrdreg s2  }
0x28: {  	[dreg:$0x4] =	wrdreg $0x9  }
0x29: {  	_ =	task.clear_ibuf [dreg:s7], $0x5FFFF;
	_ =	strace $0x90000049  }
0x2a: {  	s29 =	simm.s32 $0x9;
	_ =	strace $0x8000004B  }
0x2b: {  	_ =	swait.ge [sflag:s29], $0x1  }
0x2c: {  	[sflag:s29] =	ssyncadd.s32 $0xFFFFFFFF  }
0x2d: {  	_ =	strace $0x9000004B  }
0x2e: {  	_ =	sfence  }
0x2f: {  	s30 =	sld [smem:$0x0];
	_ =	sdelay $0x2  }
0x30: {  	s31 =	sshll.u32 s1, $0xD;
	s1 =	sshrl.u32 s1, $0x2  }
0x31: {  	s3 =	sand.u32 $0x4000, s31;
	s1 =	sadd.s32 s1, s30  }
0x32: {  	s0 =	sor.u32 s3, s0;
	s1 =	sshll.u32 s1, $0x11  }
0x33: {  	s0 =	sor.u32 s1, s0  }
0x34: {  	s0 =	sadd.s32 $0x8F2B, s0  }
0x35: {  	[sflag:s0] =	ssyncadd.remote.s32 $0x1  }
0x36: {  	_ =	sfence.sel $0xFFFF  }
0x37: {  	[dreg:$0x0] =	wrdreg $0xFFFFFFFF;
	(pc) =	sbr.abs _section_cstart, $3  }
0x38: {  	[dreg:$0x1] =	wrdreg $0xFFFFFFFF  }
0x39: {  	_ =	task.clear_ibuf [dreg:s7], $0x2FFFF;
	_ =	strace $0x9FFFFFFF  }
0x3a: {  	(tm) =	ssettm $0x7FFFFFFF  }
0x3b: {  	_ =	shalt  }
tec
execute0_lowered:
.L_overlay_start_1:
0x0: {  	(tag) =	ssettag $0x1  }
0x1: {  	s0 =	srdreg.scid  }
0x2: {  	s1 =	sshll.u32 s0, $0x4  }
0x3: {  	s0 =	stileid.u32;
	s1 =	sand.u32 $0x10, s1  }
0x4: {  	s1 =	sor.u32 s0, s1  }
0x5: {  	s6 =	rddreg [dreg:$0x0];
	s4 =	simm.s32 $0x1;
	s2 =	sshll.u32 s1, $0x7  }
0x6: {  	s7 =	simm.s32 $0x2;
	s12 =	simm.s32 $0x0;
	s1 =	ssub.s32 $0x1000, s2  }
0x7: {  	s8 =	simm.s32 $0x8000;
	s13 =	simm.s32 $0x0;
	s3 =	sand.u32 $0xF80, s1  }
0x8: {  	s9 =	simm.s32 $0x0;
	s5 =	sshrl.u32 s1, $0xC;
	p0 =	sne.s32 s3, $0x0  }
.Ltmp0:
0x9: {  	s1 =	rddreg [dreg:$0x2];
	s4 =	simm.s32 @!p0 $0x0;
	(pc) =	sbr.rel .LBB1_1-.Ltmp0, $4  }
0xa: {  	s11 =	simm.s32 $0x0;
	s3 =	rddreg [dreg:$0x1];
	s5 =	sadd.s32 s4, s5  }
0xb: {  	_ =	strace $0x8000004A;
	s4 =	simm.s32 $0x1;
	s5 =	smul.u32 $0xC8, s5  }
0xc: {  	s6 =	sadd.s32 $0xA00, s6;
	s10 =	smov.u32 s2;
	[sflag:s4] =	ssyncpa.u1 $0x0  }
0xd: {  	p0 =	por $0x0, $0x0;
	[sflag:s7] =	ssyncpa.u1 $0x0;
	s7 =	sor.u32 $0x1, s5  }
.LBB1_4:
0xe: {  	s16 =	sshll.u32 s13, $0x3;
	s17 =	sand.u32 $0x78, s13  }
0xf: {  	s30 =	sand.u32 $0x7E00, s13;
	s12 =	sshll.u32 s12, $0xF;
	s16 =	sand.u32 $0xC00, s16  }
0x10: {  	[tilespmem:s15+$0x810 ss:$0x81] =	vst.msk $0xffff, v2;
	s31 =	sand.u32 $0x7, s13;
	s16 =	sor.u32 s17, s16;
	s17 =	sadd.s32 s3, s30  }
0x11: {  	[tilespmem:s15+$0x1020 ss:$0x81] =	vst.msk $0xffff, v0;
	s13 =	sshll.u32 s31, $0x12;
	s12 =	sadd.s32 s12, s17;
	s16 =	sshrl.u32 s16, $0x3  }
0x12: {  	[tilespmem:s15+$0x0 ss:$0x81] =	vst.msk $0xffff, v1;
	s13 =	sor.u32 $0x400, s13;
	s12 =	sadd.s32 s16, s12  }
0x13: {  	[hbm4b:s12+s13] =	stream.strided.scatter [tilespmem:s14], [sflag:$0x2], $0x2000, s8, s13, $0x20;
	[tilespmem:$0x8080] =	vst v63  }
.LBB1_5:
0x14: {  	s14 =	sadd.s32 $0x1, s9  }
0x15: {  	s12 =	sadd.s32 $0x1000, s10;
	s16 =	smov.u32 s10;
	p2 =	sgt.s32 s14, $0xC7  }
0x16: {  	s16 =	smov.u32 @p2 s12  }
0x17: {  	s14 =	simm.s32 @p2 $0x0;
	p2 =	sgt.s32 s16, $0xFFF  }
0x18: {  	s16 =	smov.u32 @p2 s2;
	p2 =	sne.s32 s11, s7  }
.Ltmp1:
0x19: {  	p1 =	slt.u32 s11, $0x2;
	(pc) =	sbr.rel @!p2 .LBB1_6-.Ltmp1, $4  }
0x1a: {  	s15 =	simm.s32 @!p1 $0x2  }
0x1b: {  	s13 =	smov.u32 s10;
	p0 =	por !p0, !p0;
	_ =	swait.ge @!p1 [sflag:s15], $0x2000  }
0x1c: {  	s12 =	smov.u32 s9;
	[sflag:s15] =	ssyncset.done @!p1 $0x0;
	s9 =	smov.u32 s14  }
0x1d: {  	s11 =	sadd.s32 $0x1, s11;
	[sflag:s15] =	ssyncadd.s32 @!p1 $0xFFFFE000;
	s10 =	smov.u32 s16  }
.LBB1_1:
0x1e: {  	p1 =	sge.u32 s11, s5  }
0x1f: {  	s14 =	sand.u32 @!p1 $0x1FFFFFF, s9  }
0x20: {  	s15 =	smulhi.u32 @!p1 $0x147AE15, s14;
	_ =	sdelay $0x1  }
0x21: {  	s15 =	smul.u32 @!p1 $0xC8, s15  }
0x22: {  	s16 =	sxor.u32 @!p1 $0xFFFFFFFF, s11;
	s17 =	smul.u32 @!p1 $0xC80, s10  }
0x23: {  	s31 =	sadd.s32 $0xFFFFFFFF, s11;
	s16 =	sshll.u32 @!p1 s16, $0xD;
	s14 =	ssub.s32 @!p1 s14, s15  }
0x24: {  	s15 =	sand.u32 @!p1 $0x2000, s16;
	s16 =	sadd.s32 @!p1 s6, s17;
	s14 =	sshll.u32 @!p1 s14, $0x4  }
0x25: {  	s17 =	simm.s32 @!p1 $0x6400;
	s14 =	sadd.s32 @!p1 s14, s16;
	s16 =	simm.s32 @!p1 $0x40  }
0x26: {  	[tilespmem:s15], [sflag:$0x1] =	stream.strided.gather @!p1 [hbm4b:s14+s16], $0x2000, s17, s16, $0x38;
	[tilespmem:$0x8080] =	vst v63  }
0x27: {  	p1 =	sge.u32 s31, s5  }
.Ltmp2:
0x28: {  	_ = 	snop;
	(pc) =	sbr.rel @p1 .LBB1_5-.Ltmp2, $1  }
0x29: {  	_ =	sdelay $0x3  }
0x2a: {  	s14 =	simm.s32 $0x1  }
0x2b: {  	_ =	swait.ge [sflag:s4], $0x2000;
	s14 =	simm.s32 @!p0 $0x0  }
0x2c: {  	[sflag:s4] =	ssyncset.done $0x0;
	s15 =	sshll.u32 s14, $0xD  }
0x2d: {  	[sflag:s4] =	ssyncadd.s32 $0xFFFFE000;
	s18 =	sor.u32 $0x20, s15  }
0x2e: {  	s14 =	smul.u32 $0x8100, s14;
	v3 =	vld [tilespmem:s18+$0x10]  }
0x2f: {  	s30 =	sand.u32 $0x1, s11;
	v2 =	vld [tilespmem:s18+$0xFFFFFFF0]  }
0x30: {  	s15 =	smul.u32 $0x8100, s30;
	s14 =	sshrl.u32 s14, $0x2;
	v0 =	vld [tilespmem:s18+$0x0]  }
0x31: {  	v1 =	vld [tilespmem:s18+$0xFFFFFFE0];
	s16 =	sor.u32 $0x4000, s14  }
0x32: {  	s31 =	sshrl.u32 s15, $0x2;
	s15 =	sadd.s32 $0x0, s16  }
0x33: {  	s17 =	simm.s32 $0x4;
	s18 =	sadd.s32 $0x40, s18;
	s14 =	sor.u32 $0x4000, s31;
	[tilespmem:s15+$0x1830 ss:$0x81] =	vst.msk $0xffff, v3  }
.LBB1_3:
0x34: {  	v3 =	vld [tilespmem:s18+$0x10];
	p1 =	sne.s32 s17, $0x1FC;
	[tilespmem:s15+$0x810 ss:$0x81] =	vst.msk $0xffff, v2;
	s19 =	smov.u32 s17;
	s17 =	sadd.s32 $0x4, s17  }
.Ltmp3:
0x35: {  	v2 =	vld [tilespmem:s18+$0xFFFFFFF0];
	[tilespmem:s15+$0x1020 ss:$0x81] =	vst.msk $0xffff, v0;
	(pc) =	sbr.rel @p1 .LBB1_3-.Ltmp3, $4  }
0x36: {  	v0 =	vld [tilespmem:s18+$0x0];
	[tilespmem:s15+$0x0 ss:$0x81] =	vst.msk $0xffff, v1  }
0x37: {  	s15 =	sshra.s32 s19, $0x2;
	v1 =	vld [tilespmem:s18+$0xFFFFFFE0]  }
0x38: {  	s15 =	sadd.s32 s15, s16  }
0x39: {  	s18 =	sadd.s32 $0x40, s18;
	[tilespmem:s15+$0x1830 ss:$0x81] =	vst.msk $0xffff, v3  }
.Ltmp4:
0x3a: {  	_ = 	snop;
	(pc) =	sbr.rel .LBB1_4-.Ltmp4, $1  }
0x3b: {  	_ =	sdelay $0x3  }
.LBB1_6:
0x3c: {  	_ =	sfence.sel $0x180000  }
0x3d: {  	s2 =	simm.s32 $0x1;
	[bflag:$0x0] =	sbarrier.arrive $0xFFFF  }
0x3e: {  	s31 =	simm.s32 $0x2;
	[sflag:s2] =	ssyncpa.u1 $0x1  }
0x3f: {  	[sflag:s31] =	ssyncpa.u1 $0x1  }
0x40: {  	p0 =	sne.s32 s0, $0x0;
	_ =	strace $0x9000004A  }
0x41: {  	s0 =	sadd.s32 @!p0 $0x100000, s1;
	[bflag:$0x2] =	sbarrier.arrive $0xFFFF  }
0x42: {  	[sflag:s0] =	ssyncadd.tile.s32 @!p0 $0x1;
	_ =	shalt  }
.Lfunc_end1:
_tile_overlayer_lowered:
.L_overlay_start_2:
0x43: {  	(tag) =	ssettag $0x2  }
0x44: {  	s0 =	rddreg [dreg:$0x0];
	s2 =	stileid.u32  }
0x45: {  	s1 =	rddreg [dreg:$0x1];
	p0 =	sne.s32 s2, $0x0  }
0x46: {  	s3 =	rddreg [dreg:$0x2];
	[bflag:$0x3] =	sbarrier.arrive $0xFFFF;
	s2 =	simm.s32 @!p0 $0x1C01  }
0x47: {  	[timem:s3], [sflag:s2] =	dma.local @!p0 [hbm:s0], s1  }
0x48: {  	s0 =	simm.s32 @!p0 $0x1  }
0x49: {  	_ =	swait.ge @!p0 [sflag:s0], s1  }
0x4a: {  	s1 =	ssub.s32 @!p0 $0x0, s1;
	[sflag:s0] =	ssyncset.done @!p0 $0x0  }
0x4b: {  	[sflag:s0] =	ssyncadd.s32 @!p0 s1  }
0x4c: {  	[bflag:$0x3] =	sbarrier.arrive $0xFFFF  }
0x4d: {  	_ =	shalt  }

</sc_bundles>
